<compile_context>
chip_gen: v7x
topology: tpu7x:2x2x1
jax: 0.10.2.dev20260603
libtpu: 0.0.44.dev20260713+nightly
codegen_flags: <defaults>
</compile_context>

<pallas_src>
import functools

import jax
import jax.numpy as jnp
from jax import lax
from jax.experimental import pallas as pl
from jax.experimental.pallas import tpu as pltpu
from jax.experimental.pallas import tpu_sc as plsc

N = 10000
E = 320000
HC = 128
NF = 128
NG = 50
NI = 6
CUT = 10.0
OUT = 12
H2 = HC // 2

NP = 10240
EP = 327680
NWK = 32
KE = 128
CHUNKS = EP // NWK // KE
STRIPE = NP // 16

BN = 1024
BE = 2048

_LOG2 = 0.6931471805599453


def _ssp(x):
    return jax.nn.softplus(x) - _LOG2


def _embed_body(xb, emb, cf1, h_out, hx_out):
    cls = lax.broadcasted_iota(jnp.int32, (BN, 100), 1)
    oh = (xb[...] == cls).astype(jnp.float32)
    h0 = jnp.dot(oh, emb[...], preferred_element_type=jnp.float32)
    h_out[...] = h0
    hx_out[...] = jnp.dot(h0, cf1[...], preferred_element_type=jnp.float32)


def _embed(xp, emb, cf1):
    return pl.pallas_call(
        _embed_body,
        grid=(NP // BN,),
        in_specs=[
            pl.BlockSpec((BN, 1), lambda n: (n, 0)),
            pl.BlockSpec((100, HC), lambda n: (0, 0)),
            pl.BlockSpec((HC, HC), lambda n: (0, 0)),
        ],
        out_specs=[
            pl.BlockSpec((BN, HC), lambda n: (n, 0)),
            pl.BlockSpec((BN, HC), lambda n: (n, 0)),
        ],
        out_shape=[
            jax.ShapeDtypeStruct((NP, HC), jnp.float32),
            jax.ShapeDtypeStruct((NP, HC), jnp.float32),
        ],
    )(xp, emb, cf1)


def _filter_body(ea, w1, b1, w2, b2, wf_out):
    a = ea[...]
    step = CUT / (NG - 1)
    off = step * lax.broadcasted_iota(jnp.int32, (1, NG), 1).astype(jnp.float32)
    coeff = -0.5 / (step * step)
    ed = jnp.exp(coeff * (a - off) ** 2)
    z = jnp.dot(ed, w1[...], preferred_element_type=jnp.float32) + b1[...]
    z = _ssp(z)
    z = jnp.dot(z, w2[...], preferred_element_type=jnp.float32) + b2[...]
    cc = 0.5 * (jnp.cos(a * (jnp.pi / CUT)) + 1.0)
    wf_out[...] = z * cc


def _filter(ea2, w1, b1, w2, b2):
    return pl.pallas_call(
        _filter_body,
        grid=(EP // BE,),
        in_specs=[
            pl.BlockSpec((BE, 1), lambda n: (n, 0)),
            pl.BlockSpec((NG, NF), lambda n: (0, 0)),
            pl.BlockSpec((1, NF), lambda n: (0, 0)),
            pl.BlockSpec((NF, NF), lambda n: (0, 0)),
            pl.BlockSpec((1, NF), lambda n: (0, 0)),
        ],
        out_specs=pl.BlockSpec((BE, NF), lambda n: (n, 0)),
        out_shape=jax.ShapeDtypeStruct((EP, NF), jnp.float32),
    )(ea2, w1, b1, w2, b2)


def _cfconv_body(hx_hbm, wf_hbm, src_hbm, dst_hbm, zer_hbm, out_hbm,
                 sidx, didx, wfv, rows, agg, sem):
    c = lax.axis_index("c")
    s = lax.axis_index("s")
    pltpu.sync_copy(zer_hbm, agg.at[pl.ds(s * STRIPE, STRIPE)])
    plsc.subcore_barrier()
    w = s * 2 + c
    base = w * (EP // NWK)

    def chunk(g, carry):
        ofs = base + g * KE
        pltpu.sync_copy(src_hbm.at[pl.ds(ofs, KE)], sidx)
        pltpu.sync_copy(dst_hbm.at[pl.ds(ofs, KE)], didx)
        pltpu.sync_copy(wf_hbm.at[pl.ds(ofs, KE), :], wfv)
        pltpu.async_copy(hx_hbm.at[sidx], rows, sem).wait()

        def mul(j, cc):
            for v in range(8):
                sl = pl.ds(v * 16, 16)
                rows[j, sl] = rows[j, sl] * wfv[j, sl]
            return cc

        lax.fori_loop(0, KE, mul, 0)
        pltpu.sync_copy(rows, agg.at[didx], add=True)
        return carry

    lax.fori_loop(0, CHUNKS, chunk, 0)
    plsc.subcore_barrier()
    stripe = pl.ds(s * STRIPE, STRIPE)
    pltpu.sync_copy(agg.at[stripe], out_hbm.at[c, stripe, :])


def _cfconv(hx, wf, srcp, dstp, zer):
    mesh = plsc.VectorSubcoreMesh(core_axis_name="c", subcore_axis_name="s")
    fn = functools.partial(
        pl.kernel,
        mesh=mesh,
        out_type=jax.ShapeDtypeStruct((2, NP, HC), jnp.float32),
        scratch_types=[
            pltpu.VMEM((KE,), jnp.int32),
            pltpu.VMEM((KE,), jnp.int32),
            pltpu.VMEM((KE, HC), jnp.float32),
            pltpu.VMEM((KE, HC), jnp.float32),
            pltpu.VMEM_SHARED((NP, HC), jnp.float32),
            pltpu.SemaphoreType.DMA,
        ],
    )(_cfconv_body)
    return fn(hx, wf, srcp, dstp, zer)


def _update_body(aggp, h, cf2w, cf2b, linw, linb, cf1n, h_out, hx_out):
    agg = aggp[0] + aggp[1]
    t = _ssp(jnp.dot(agg, cf2w[...], preferred_element_type=jnp.float32)
             + cf2b[...])
    hc = jnp.dot(t, linw[...], preferred_element_type=jnp.float32) + linb[...]
    hn = h[...] + hc
    h_out[...] = hn
    hx_out[...] = jnp.dot(hn, cf1n[...], preferred_element_type=jnp.float32)


def _update(aggp, h, cf2w, cf2b, linw, linb, cf1n):
    return pl.pallas_call(
        _update_body,
        grid=(NP // BN,),
        in_specs=[
            pl.BlockSpec((2, BN, HC), lambda n: (0, n, 0)),
            pl.BlockSpec((BN, HC), lambda n: (n, 0)),
            pl.BlockSpec((HC, HC), lambda n: (0, 0)),
            pl.BlockSpec((1, HC), lambda n: (0, 0)),
            pl.BlockSpec((HC, HC), lambda n: (0, 0)),
            pl.BlockSpec((1, HC), lambda n: (0, 0)),
            pl.BlockSpec((HC, HC), lambda n: (0, 0)),
        ],
        out_specs=[
            pl.BlockSpec((BN, HC), lambda n: (n, 0)),
            pl.BlockSpec((BN, HC), lambda n: (n, 0)),
        ],
        out_shape=[
            jax.ShapeDtypeStruct((NP, HC), jnp.float32),
            jax.ShapeDtypeStruct((NP, HC), jnp.float32),
        ],
    )(aggp, h, cf2w, cf2b, linw, linb, cf1n)


def _readout_body(h, l1w, l1b, l2w, l2b, row, rob, out, acc):
    pid = pl.program_id(0)
    npr = pl.num_programs(0)

    @pl.when(pid == 0)
    def _init():
        acc[...] = jnp.zeros_like(acc)

    gid = pid * BN + lax.broadcasted_iota(jnp.int32, (BN, 1), 0)
    mask = (gid < N).astype(jnp.float32)
    t = _ssp(jnp.dot(h[...], l1w[...], preferred_element_type=jnp.float32)
             + l1b[...])
    acc[...] += jnp.sum(t * mask, axis=0, keepdims=True)

    @pl.when(pid == npr - 1)
    def _fin():
        s = jnp.dot(acc[...], l2w[...],
                    preferred_element_type=jnp.float32) + float(N) * l2b[...]
        out[...] = jnp.dot(s, row[...],
                           preferred_element_type=jnp.float32) + rob[...]


def _readout(h, l1w, l1b, l2w, l2b, row, rob):
    return pl.pallas_call(
        _readout_body,
        grid=(NP // BN,),
        in_specs=[
            pl.BlockSpec((BN, HC), lambda n: (n, 0)),
            pl.BlockSpec((HC, H2), lambda n: (0, 0)),
            pl.BlockSpec((1, H2), lambda n: (0, 0)),
            pl.BlockSpec((H2, H2), lambda n: (0, 0)),
            pl.BlockSpec((1, H2), lambda n: (0, 0)),
            pl.BlockSpec((H2, OUT), lambda n: (0, 0)),
            pl.BlockSpec((1, OUT), lambda n: (0, 0)),
        ],
        out_specs=pl.BlockSpec((1, OUT), lambda n: (0, 0)),
        out_shape=jax.ShapeDtypeStruct((1, OUT), jnp.float32),
        scratch_shapes=[pltpu.VMEM((1, H2), jnp.float32)],
    )(h, l1w, l1b, l2w, l2b, row, rob)


def kernel(x, edge_index, edge_attr, emb, mlp_w1, mlp_b1, mlp_w2, mlp_b2,
           cf1_w, cf2_w, cf2_b, lin_w, lin_b, lin1_w, lin1_b,
           lin2_w, lin2_b, ro_w, ro_b):
    pad_e = EP - E
    fill = (jnp.arange(pad_e, dtype=jnp.int32) * 37) % N
    srcp = jnp.concatenate([edge_index[0].astype(jnp.int32), fill])
    dstp = jnp.concatenate([edge_index[1].astype(jnp.int32), fill])
    eap = jnp.concatenate(
        [edge_attr.astype(jnp.float32),
         jnp.full((pad_e,), CUT, jnp.float32)]).reshape(EP, 1)
    xp = jnp.pad(x.astype(jnp.int32), (0, NP - N)).reshape(NP, 1)
    zer = jnp.zeros((STRIPE, HC), jnp.float32)

    b1 = mlp_b1.reshape(NI, 1, NF)
    b2 = mlp_b2.reshape(NI, 1, NF)
    c2b = cf2_b.reshape(NI, 1, HC)
    lnb = lin_b.reshape(NI, 1, HC)

    h, hx = _embed(xp, emb.astype(jnp.float32), cf1_w[0])
    for i in range(NI):
        wf = _filter(eap, mlp_w1[i], b1[i], mlp_w2[i], b2[i])
        aggp = _cfconv(hx, wf, srcp, dstp, zer)
        h, hx = _update(aggp, h, cf2_w[i], c2b[i], lin_w[i], lnb[i],
                        cf1_w[(i + 1) % NI])
    return _readout(h, lin1_w, lin1_b.reshape(1, H2), lin2_w,
                    lin2_b.reshape(1, H2), ro_w, ro_b.reshape(1, OUT))

# --- scband reference (transcript-rebuilt; emitter-appended) ---
"""Pipeline reference for scband-sch-net-76587856823106 (READ-ONLY COPY).

The authoritative reference and input builder live on the scoring server;
editing this copy changes nothing except your own understanding.
"""

import jax, jax.numpy as jnp
import numpy as np

N = 10000
E = 320000
HC = 128
NF = 128
NG = 50
NI = 6
CUT = 10.0
OUT = 12
H2 = HC // 2


def _ssp(x):
    return jax.nn.softplus(x) - jnp.log(2.0)


def setup_inputs(seed: int = 0) -> dict:
    key = jax.random.key(seed)
    ks = jax.random.split(key, 20)
    s = 0.05
    inp = {}
    inp['x'] = jax.random.randint(ks[0], (N,), 0, 100)
    inp['edge_index'] = jax.random.randint(ks[1], (2, E), 0, N)
    inp['edge_attr'] = jax.random.uniform(ks[2], (E,)) * CUT
    inp['emb'] = jax.random.normal(ks[3], (100, HC)) * s
    inp['mlp_w1'] = jax.random.normal(ks[4], (NI, NG, NF)) * s
    inp['mlp_b1'] = jnp.zeros((NI, NF))
    inp['mlp_w2'] = jax.random.normal(ks[5], (NI, NF, NF)) * s
    inp['mlp_b2'] = jnp.zeros((NI, NF))
    inp['cf1_w'] = jax.random.normal(ks[6], (NI, HC, NF)) * s
    inp['cf2_w'] = jax.random.normal(ks[7], (NI, NF, HC)) * s
    inp['cf2_b'] = jnp.zeros((NI, HC))
    inp['lin_w'] = jax.random.normal(ks[8], (NI, HC, HC)) * s
    inp['lin_b'] = jnp.zeros((NI, HC))
    inp['lin1_w'] = jax.random.normal(ks[9], (HC, H2)) * s
    inp['lin1_b'] = jnp.zeros((H2,))
    inp['lin2_w'] = jax.random.normal(ks[10], (H2, H2)) * s
    inp['lin2_b'] = jnp.zeros((H2,))
    inp['ro_w'] = jax.random.normal(ks[11], (H2, OUT)) * s
    inp['ro_b'] = jnp.zeros((OUT,))
    return inp


def reference(x, edge_index, edge_attr, emb, mlp_w1, mlp_b1, mlp_w2, mlp_b2,
              cf1_w, cf2_w, cf2_b, lin_w, lin_b, lin1_w, lin1_b,
              lin2_w, lin2_b, ro_w, ro_b):
    # embedding lookup (SparseCore gather)
    h = emb[x]
    # Gaussian smearing of distances
    offset = jnp.linspace(0.0, CUT, NG)
    coeff = -0.5 / (offset[1] - offset[0]) ** 2
    ed = jnp.exp(coeff * (edge_attr[:, None] - offset[None, :]) ** 2)
    src = edge_index[0]
    dst = edge_index[1]
    # cosine cutoff
    C = 0.5 * (jnp.cos(edge_attr * jnp.pi / CUT) + 1.0)
    for i in range(NI):
        # filter-generating MLP on expanded distances
        Wf = _ssp(ed @ mlp_w1[i] + mlp_b1[i]) @ mlp_w2[i] + mlp_b2[i]
        Wf = Wf * C[:, None]
        # CFConv: lin1 -> gather src -> modulate -> scatter-add at dst -> lin2
        hx = h @ cf1_w[i]
        msg = hx[src] * Wf
        agg = jax.ops.segment_sum(msg, dst, num_segments=N)
        hc = _ssp(agg @ cf2_w[i] + cf2_b[i])
        hc = hc @ lin_w[i] + lin_b[i]
        h = h + hc
    h = _ssp(h @ lin1_w + lin1_b)
    h = h @ lin2_w + lin2_b
    h_agg = jnp.sum(h, axis=0, keepdims=True)
    return h_agg @ ro_w + ro_b

if __name__ == "__main__":
    import jax
    _d = setup_inputs()
    print(jax.jit(kernel)(*tuple(_d.values())))

</pallas_src>

<mosaic_0001>
#map = affine_map<(d0, d1) -> (0, 0)>
#map1 = affine_map<(d0, d1) -> (0)>
#map2 = affine_map<(d0, d1) -> (0, 0, 0)>
module attributes {stable_mosaic.version = 14 : i64} {
  func.func @_cfconv_body(%arg0: i32, %arg1: i32, %arg2: memref<10240x128xf32, #tpu.memory_space<hbm>>, %arg3: memref<327680x128xf32, #tpu.memory_space<hbm>>, %arg4: memref<327680xi32, #tpu.memory_space<hbm>>, %arg5: memref<327680xi32, #tpu.memory_space<hbm>>, %arg6: memref<640x128xf32, #tpu.memory_space<hbm>>, %arg7: memref<2x10240x128xf32, #tpu.memory_space<hbm>>, %arg8: memref<128xi32, #tpu.memory_space<vmem>>, %arg9: memref<128xi32, #tpu.memory_space<vmem>>, %arg10: memref<128x128xf32, #tpu.memory_space<vmem>>, %arg11: memref<128x128xf32, #tpu.memory_space<vmem>>, %arg12: memref<10240x128xf32, #tpu.memory_space<vmem_shared>>, %arg13: memref<!tpu.dma_semaphore, #tpu.memory_space<semaphore_mem>>) attributes {dimension_semantics = [#tpu.dimension_semantics<core_parallel>, #tpu.dimension_semantics<subcore_parallel>], iteration_bounds = array<i64: 2, 16>, scalar_prefetch = 0 : i64, scratch_operands = 6 : i64, tpu.core_type = #tpu.core_type<sc_vector_subcore>, window_params = [{transform_indices = #map}, {transform_indices = #map}, {transform_indices = #map1}, {transform_indices = #map1}, {transform_indices = #map}, {transform_indices = #map2}]} {
    %mul3A = arith.constant 640 : i32
    %mul3A_0 = arith.muli %arg1, %mul3A : i32
    "tpu.region"() ({
      %run_scoped3A = tpu.sem_alloc : memref<!tpu.dma_semaphore, #tpu.memory_space<semaphore_mem>>
      %dma_start3A = arith.constant 0 : i32
      %dma_start3A_13 = tpu.memref_slice %arg12[%mul3A_0, %dma_start3A] : memref<10240x128xf32, #tpu.memory_space<vmem_shared>> -> memref<640x128xf32, #tpu.memory_space<vmem_shared>>
      tpu.enqueue_dma source(%arg6 : memref<640x128xf32, #tpu.memory_space<hbm>>) target(%dma_start3A_13 : memref<640x128xf32, #tpu.memory_space<vmem_shared>>) target_semaphore(%run_scoped3A : memref<!tpu.dma_semaphore, #tpu.memory_space<semaphore_mem>>)
      %dma_wait3A = arith.constant 0 : i32
      %dma_wait3A_14 = tpu.memref_slice %arg12[%mul3A_0, %dma_wait3A] : memref<10240x128xf32, #tpu.memory_space<vmem_shared>> -> memref<640x128xf32, #tpu.memory_space<vmem_shared>>
      tpu.wait_dma2 semaphore(%run_scoped3A : memref<!tpu.dma_semaphore, #tpu.memory_space<semaphore_mem>>) src(%arg6 : memref<640x128xf32, #tpu.memory_space<hbm>>) dst(%dma_wait3A_14 : memref<640x128xf32, #tpu.memory_space<vmem_shared>>)
      tpu.yield
    }) : () -> ()
    %barrier3A = arith.constant 0 : index
    tpu.barrier barrier_id(%barrier3A)
    %mul3A_1 = arith.constant 2 : i32
    %mul3A_2 = arith.muli %arg1, %mul3A_1 : i32
    %add3A = arith.addi %mul3A_2, %arg0 : i32
    %mul3A_3 = arith.constant 10240 : i32
    %mul3A_4 = arith.muli %add3A, %mul3A_3 : i32
    %scan3A = arith.constant 0 : i32
    %scan3A_5 = arith.constant 0 : i32
    %scan3A_6 = arith.constant 80 : i32
    %scan3A_7 = arith.addi %scan3A_5, %scan3A_6 : i32
    %scan3A_8 = arith.constant 1 : i32
    scf.for %scan3A_13 = %scan3A_5 to %scan3A_7 step %scan3A_8  : i32 {
      %mul3A_14 = arith.constant 128 : i32
      %mul3A_15 = arith.muli %scan3A_13, %mul3A_14 : i32
      %add3A_16 = arith.addi %mul3A_4, %mul3A_15 : i32
      "tpu.region"() ({
        %run_scoped3A = tpu.sem_alloc : memref<!tpu.dma_semaphore, #tpu.memory_space<semaphore_mem>>
        %dma_start3A_27 = tpu.memref_slice %arg4[%add3A_16] : memref<327680xi32, #tpu.memory_space<hbm>> -> memref<128xi32, #tpu.memory_space<hbm>>
        %dma_start3A_28 = tpu.memref_slice %arg4[%add3A_16] : memref<327680xi32, #tpu.memory_space<hbm>> -> memref<128xi32, #tpu.memory_space<hbm>>
        tpu.enqueue_dma source(%dma_start3A_28 : memref<128xi32, #tpu.memory_space<hbm>>) target(%arg8 : memref<128xi32, #tpu.memory_space<vmem>>) target_semaphore(%run_scoped3A : memref<!tpu.dma_semaphore, #tpu.memory_space<semaphore_mem>>)
        %dma_wait3A_29 = tpu.memref_slice %arg4[%add3A_16] : memref<327680xi32, #tpu.memory_space<hbm>> -> memref<128xi32, #tpu.memory_space<hbm>>
        %dma_wait3A_30 = tpu.memref_slice %arg4[%add3A_16] : memref<327680xi32, #tpu.memory_space<hbm>> -> memref<128xi32, #tpu.memory_space<hbm>>
        tpu.wait_dma2 semaphore(%run_scoped3A : memref<!tpu.dma_semaphore, #tpu.memory_space<semaphore_mem>>) src(%dma_wait3A_30 : memref<128xi32, #tpu.memory_space<hbm>>) dst(%arg8 : memref<128xi32, #tpu.memory_space<vmem>>)
        tpu.yield
      }) : () -> ()
      "tpu.region"() ({
        %run_scoped3A = tpu.sem_alloc : memref<!tpu.dma_semaphore, #tpu.memory_space<semaphore_mem>>
        %dma_start3A_27 = tpu.memref_slice %arg5[%add3A_16] : memref<327680xi32, #tpu.memory_space<hbm>> -> memref<128xi32, #tpu.memory_space<hbm>>
        %dma_start3A_28 = tpu.memref_slice %arg5[%add3A_16] : memref<327680xi32, #tpu.memory_space<hbm>> -> memref<128xi32, #tpu.memory_space<hbm>>
        tpu.enqueue_dma source(%dma_start3A_28 : memref<128xi32, #tpu.memory_space<hbm>>) target(%arg9 : memref<128xi32, #tpu.memory_space<vmem>>) target_semaphore(%run_scoped3A : memref<!tpu.dma_semaphore, #tpu.memory_space<semaphore_mem>>)
        %dma_wait3A_29 = tpu.memref_slice %arg5[%add3A_16] : memref<327680xi32, #tpu.memory_space<hbm>> -> memref<128xi32, #tpu.memory_space<hbm>>
        %dma_wait3A_30 = tpu.memref_slice %arg5[%add3A_16] : memref<327680xi32, #tpu.memory_space<hbm>> -> memref<128xi32, #tpu.memory_space<hbm>>
        tpu.wait_dma2 semaphore(%run_scoped3A : memref<!tpu.dma_semaphore, #tpu.memory_space<semaphore_mem>>) src(%dma_wait3A_30 : memref<128xi32, #tpu.memory_space<hbm>>) dst(%arg9 : memref<128xi32, #tpu.memory_space<vmem>>)
        tpu.yield
      }) : () -> ()
      "tpu.region"() ({
        %run_scoped3A = tpu.sem_alloc : memref<!tpu.dma_semaphore, #tpu.memory_space<semaphore_mem>>
        %dma_start3A_27 = arith.constant 0 : i32
        %dma_start3A_28 = tpu.memref_slice %arg3[%add3A_16, %dma_start3A_27] : memref<327680x128xf32, #tpu.memory_space<hbm>> -> memref<128x128xf32, #tpu.memory_space<hbm>>
        %dma_start3A_29 = arith.constant 0 : i32
        %dma_start3A_30 = tpu.memref_slice %arg3[%add3A_16, %dma_start3A_29] : memref<327680x128xf32, #tpu.memory_space<hbm>> -> memref<128x128xf32, #tpu.memory_space<hbm>>
        tpu.enqueue_dma source(%dma_start3A_30 : memref<128x128xf32, #tpu.memory_space<hbm>>) target(%arg10 : memref<128x128xf32, #tpu.memory_space<vmem>>) target_semaphore(%run_scoped3A : memref<!tpu.dma_semaphore, #tpu.memory_space<semaphore_mem>>)
        %dma_wait3A_31 = arith.constant 0 : i32
        %dma_wait3A_32 = tpu.memref_slice %arg3[%add3A_16, %dma_wait3A_31] : memref<327680x128xf32, #tpu.memory_space<hbm>> -> memref<128x128xf32, #tpu.memory_space<hbm>>
        %dma_wait3A_33 = arith.constant 0 : i32
        %dma_wait3A_34 = tpu.memref_slice %arg3[%add3A_16, %dma_wait3A_33] : memref<327680x128xf32, #tpu.memory_space<hbm>> -> memref<128x128xf32, #tpu.memory_space<hbm>>
        tpu.wait_dma2 semaphore(%run_scoped3A : memref<!tpu.dma_semaphore, #tpu.memory_space<semaphore_mem>>) src(%dma_wait3A_34 : memref<128x128xf32, #tpu.memory_space<hbm>>) dst(%arg10 : memref<128x128xf32, #tpu.memory_space<vmem>>)
        tpu.yield
      }) : () -> ()
      %dma_start3A = arith.constant 0 : i32
      %dma_start3A_17 = arith.constant 0 : i32
      %dma_start3A_18 = tpu.memref_slice %arg2[%dma_start3A, %dma_start3A_17] : memref<10240x128xf32, #tpu.memory_space<hbm>> -> memref<10240x128xf32, #tpu.memory_space<hbm>>
      tpu.enqueue_indirect_dma source(%dma_start3A_18 : memref<10240x128xf32, #tpu.memory_space<hbm>>) target(%arg11 : memref<128x128xf32, #tpu.memory_space<vmem>>) offsets(%arg8 : memref<128xi32, #tpu.memory_space<vmem>>) semaphore(%arg13 : memref<!tpu.dma_semaphore, #tpu.memory_space<semaphore_mem>>)
      %dma_wait3A = arith.constant 0 : i32
      %dma_wait3A_19 = arith.constant 0 : i32
      %dma_wait3A_20 = tpu.memref_slice %arg2[%dma_wait3A, %dma_wait3A_19] : memref<10240x128xf32, #tpu.memory_space<hbm>> -> memref<10240x128xf32, #tpu.memory_space<hbm>>
      tpu.wait_indirect_dma semaphore(%arg13 : memref<!tpu.dma_semaphore, #tpu.memory_space<semaphore_mem>>) src(%dma_wait3A_20 : memref<10240x128xf32, #tpu.memory_space<hbm>>) dst(%arg11 : memref<128x128xf32, #tpu.memory_space<vmem>>)
      %scan3A_21 = arith.constant 0 : i32
      %scan3A_22 = arith.constant 0 : i32
      %scan3A_23 = arith.constant 128 : i32
      %scan3A_24 = arith.addi %scan3A_22, %scan3A_23 : i32
      %scan3A_25 = arith.constant 1 : i32
      scf.for %scan3A_27 = %scan3A_22 to %scan3A_24 step %scan3A_25  : i32 {
        %get3A = arith.index_cast %scan3A_27 : i32 to index
        %get3A_28 = arith.constant 0 : index
        %get3A_29 = tpu.vector_load %arg11[%get3A, %get3A_28] {strides = array<i32>} : memref<128x128xf32, #tpu.memory_space<vmem>>, vector<1x16xf32>,
        %get3A_30 = vector.shape_cast %get3A_29 : vector<1x16xf32> to vector<16xf32>
        %get3A_31 = arith.index_cast %scan3A_27 : i32 to index
        %get3A_32 = arith.constant 0 : index
        %get3A_33 = tpu.vector_load %arg10[%get3A_31, %get3A_32] {strides = array<i32>} : memref<128x128xf32, #tpu.memory_space<vmem>>, vector<1x16xf32>,
        %get3A_34 = vector.shape_cast %get3A_33 : vector<1x16xf32> to vector<16xf32>
        %mul3A_35 = arith.mulf %get3A_30, %get3A_34 : vector<16xf32>
        %swap3A = arith.index_cast %scan3A_27 : i32 to index
        %swap3A_36 = arith.constant 0 : index
        %swap3A_37 = tpu.vector_load %arg11[%swap3A, %swap3A_36] {strides = array<i32>} : memref<128x128xf32, #tpu.memory_space<vmem>>, vector<1x16xf32>,
        %swap3A_38 = vector.shape_cast %swap3A_37 : vector<1x16xf32> to vector<16xf32>
        %swap3A_39 = vector.shape_cast %mul3A_35 : vector<16xf32> to vector<1x16xf32>
        tpu.vector_store %arg11[%swap3A, %swap3A_36], %swap3A_39 {strides = array<i32>} : memref<128x128xf32, #tpu.memory_space<vmem>>, vector<1x16xf32>,
        %get3A_40 = arith.index_cast %scan3A_27 : i32 to index
        %get3A_41 = arith.constant 16 : index
        %get3A_42 = tpu.vector_load %arg11[%get3A_40, %get3A_41] {strides = array<i32>} : memref<128x128xf32, #tpu.memory_space<vmem>>, vector<1x16xf32>,
        %get3A_43 = vector.shape_cast %get3A_42 : vector<1x16xf32> to vector<16xf32>
        %get3A_44 = arith.index_cast %scan3A_27 : i32 to index
        %get3A_45 = arith.constant 16 : index
        %get3A_46 = tpu.vector_load %arg10[%get3A_44, %get3A_45] {strides = array<i32>} : memref<128x128xf32, #tpu.memory_space<vmem>>, vector<1x16xf32>,
        %get3A_47 = vector.shape_cast %get3A_46 : vector<1x16xf32> to vector<16xf32>
        %mul3A_48 = arith.mulf %get3A_43, %get3A_47 : vector<16xf32>
        %swap3A_49 = arith.index_cast %scan3A_27 : i32 to index
        %swap3A_50 = arith.constant 16 : index
        %swap3A_51 = tpu.vector_load %arg11[%swap3A_49, %swap3A_50] {strides = array<i32>} : memref<128x128xf32, #tpu.memory_space<vmem>>, vector<1x16xf32>,
        %swap3A_52 = vector.shape_cast %swap3A_51 : vector<1x16xf32> to vector<16xf32>
        %swap3A_53 = vector.shape_cast %mul3A_48 : vector<16xf32> to vector<1x16xf32>
        tpu.vector_store %arg11[%swap3A_49, %swap3A_50], %swap3A_53 {strides = array<i32>} : memref<128x128xf32, #tpu.memory_space<vmem>>, vector<1x16xf32>,
        %get3A_54 = arith.index_cast %scan3A_27 : i32 to index
        %get3A_55 = arith.constant 32 : index
        %get3A_56 = tpu.vector_load %arg11[%get3A_54, %get3A_55] {strides = array<i32>} : memref<128x128xf32, #tpu.memory_space<vmem>>, vector<1x16xf32>,
        %get3A_57 = vector.shape_cast %get3A_56 : vector<1x16xf32> to vector<16xf32>
        %get3A_58 = arith.index_cast %scan3A_27 : i32 to index
        %get3A_59 = arith.constant 32 : index
        %get3A_60 = tpu.vector_load %arg10[%get3A_58, %get3A_59] {strides = array<i32>} : memref<128x128xf32, #tpu.memory_space<vmem>>, vector<1x16xf32>,
        %get3A_61 = vector.shape_cast %get3A_60 : vector<1x16xf32> to vector<16xf32>
        %mul3A_62 = arith.mulf %get3A_57, %get3A_61 : vector<16xf32>
        %swap3A_63 = arith.index_cast %scan3A_27 : i32 to index
        %swap3A_64 = arith.constant 32 : index
        %swap3A_65 = tpu.vector_load %arg11[%swap3A_63, %swap3A_64] {strides = array<i32>} : memref<128x128xf32, #tpu.memory_space<vmem>>, vector<1x16xf32>,
        %swap3A_66 = vector.shape_cast %swap3A_65 : vector<1x16xf32> to vector<16xf32>
        %swap3A_67 = vector.shape_cast %mul3A_62 : vector<16xf32> to vector<1x16xf32>
        tpu.vector_store %arg11[%swap3A_63, %swap3A_64], %swap3A_67 {strides = array<i32>} : memref<128x128xf32, #tpu.memory_space<vmem>>, vector<1x16xf32>,
        %get3A_68 = arith.index_cast %scan3A_27 : i32 to index
        %get3A_69 = arith.constant 48 : index
        %get3A_70 = tpu.vector_load %arg11[%get3A_68, %get3A_69] {strides = array<i32>} : memref<128x128xf32, #tpu.memory_space<vmem>>, vector<1x16xf32>,
        %get3A_71 = vector.shape_cast %get3A_70 : vector<1x16xf32> to vector<16xf32>
        %get3A_72 = arith.index_cast %scan3A_27 : i32 to index
        %get3A_73 = arith.constant 48 : index
        %get3A_74 = tpu.vector_load %arg10[%get3A_72, %get3A_73] {strides = array<i32>} : memref<128x128xf32, #tpu.memory_space<vmem>>, vector<1x16xf32>,
        %get3A_75 = vector.shape_cast %get3A_74 : vector<1x16xf32> to vector<16xf32>
        %mul3A_76 = arith.mulf %get3A_71, %get3A_75 : vector<16xf32>
        %swap3A_77 = arith.index_cast %scan3A_27 : i32 to index
        %swap3A_78 = arith.constant 48 : index
        %swap3A_79 = tpu.vector_load %arg11[%swap3A_77, %swap3A_78] {strides = array<i32>} : memref<128x128xf32, #tpu.memory_space<vmem>>, vector<1x16xf32>,
        %swap3A_80 = vector.shape_cast %swap3A_79 : vector<1x16xf32> to vector<16xf32>
        %swap3A_81 = vector.shape_cast %mul3A_76 : vector<16xf32> to vector<1x16xf32>
        tpu.vector_store %arg11[%swap3A_77, %swap3A_78], %swap3A_81 {strides = array<i32>} : memref<128x128xf32, #tpu.memory_space<vmem>>, vector<1x16xf32>,
        %get3A_82 = arith.index_cast %scan3A_27 : i32 to index
        %get3A_83 = arith.constant 64 : index
        %get3A_84 = tpu.vector_load %arg11[%get3A_82, %get3A_83] {strides = array<i32>} : memref<128x128xf32, #tpu.memory_space<vmem>>, vector<1x16xf32>,
        %get3A_85 = vector.shape_cast %get3A_84 : vector<1x16xf32> to vector<16xf32>
        %get3A_86 = arith.index_cast %scan3A_27 : i32 to index
        %get3A_87 = arith.constant 64 : index
        %get3A_88 = tpu.vector_load %arg10[%get3A_86, %get3A_87] {strides = array<i32>} : memref<128x128xf32, #tpu.memory_space<vmem>>, vector<1x16xf32>,
        %get3A_89 = vector.shape_cast %get3A_88 : vector<1x16xf32> to vector<16xf32>
        %mul3A_90 = arith.mulf %get3A_85, %get3A_89 : vector<16xf32>
        %swap3A_91 = arith.index_cast %scan3A_27 : i32 to index
        %swap3A_92 = arith.constant 64 : index
        %swap3A_93 = tpu.vector_load %arg11[%swap3A_91, %swap3A_92] {strides = array<i32>} : memref<128x128xf32, #tpu.memory_space<vmem>>, vector<1x16xf32>,
        %swap3A_94 = vector.shape_cast %swap3A_93 : vector<1x16xf32> to vector<16xf32>
        %swap3A_95 = vector.shape_cast %mul3A_90 : vector<16xf32> to vector<1x16xf32>
        tpu.vector_store %arg11[%swap3A_91, %swap3A_92], %swap3A_95 {strides = array<i32>} : memref<128x128xf32, #tpu.memory_space<vmem>>, vector<1x16xf32>,
        %get3A_96 = arith.index_cast %scan3A_27 : i32 to index
        %get3A_97 = arith.constant 80 : index
        %get3A_98 = tpu.vector_load %arg11[%get3A_96, %get3A_97] {strides = array<i32>} : memref<128x128xf32, #tpu.memory_space<vmem>>, vector<1x16xf32>,
        %get3A_99 = vector.shape_cast %get3A_98 : vector<1x16xf32> to vector<16xf32>
        %get3A_100 = arith.index_cast %scan3A_27 : i32 to index
        %get3A_101 = arith.constant 80 : index
        %get3A_102 = tpu.vector_load %arg10[%get3A_100, %get3A_101] {strides = array<i32>} : memref<128x128xf32, #tpu.memory_space<vmem>>, vector<1x16xf32>,
        %get3A_103 = vector.shape_cast %get3A_102 : vector<1x16xf32> to vector<16xf32>
        %mul3A_104 = arith.mulf %get3A_99, %get3A_103 : vector<16xf32>
        %swap3A_105 = arith.index_cast %scan3A_27 : i32 to index
        %swap3A_106 = arith.constant 80 : index
        %swap3A_107 = tpu.vector_load %arg11[%swap3A_105, %swap3A_106] {strides = array<i32>} : memref<128x128xf32, #tpu.memory_space<vmem>>, vector<1x16xf32>,
        %swap3A_108 = vector.shape_cast %swap3A_107 : vector<1x16xf32> to vector<16xf32>
        %swap3A_109 = vector.shape_cast %mul3A_104 : vector<16xf32> to vector<1x16xf32>
        tpu.vector_store %arg11[%swap3A_105, %swap3A_106], %swap3A_109 {strides = array<i32>} : memref<128x128xf32, #tpu.memory_space<vmem>>, vector<1x16xf32>,
        %get3A_110 = arith.index_cast %scan3A_27 : i32 to index
        %get3A_111 = arith.constant 96 : index
        %get3A_112 = tpu.vector_load %arg11[%get3A_110, %get3A_111] {strides = array<i32>} : memref<128x128xf32, #tpu.memory_space<vmem>>, vector<1x16xf32>,
        %get3A_113 = vector.shape_cast %get3A_112 : vector<1x16xf32> to vector<16xf32>
        %get3A_114 = arith.index_cast %scan3A_27 : i32 to index
        %get3A_115 = arith.constant 96 : index
        %get3A_116 = tpu.vector_load %arg10[%get3A_114, %get3A_115] {strides = array<i32>} : memref<128x128xf32, #tpu.memory_space<vmem>>, vector<1x16xf32>,
        %get3A_117 = vector.shape_cast %get3A_116 : vector<1x16xf32> to vector<16xf32>
        %mul3A_118 = arith.mulf %get3A_113, %get3A_117 : vector<16xf32>
        %swap3A_119 = arith.index_cast %scan3A_27 : i32 to index
        %swap3A_120 = arith.constant 96 : index
        %swap3A_121 = tpu.vector_load %arg11[%swap3A_119, %swap3A_120] {strides = array<i32>} : memref<128x128xf32, #tpu.memory_space<vmem>>, vector<1x16xf32>,
        %swap3A_122 = vector.shape_cast %swap3A_121 : vector<1x16xf32> to vector<16xf32>
        %swap3A_123 = vector.shape_cast %mul3A_118 : vector<16xf32> to vector<1x16xf32>
        tpu.vector_store %arg11[%swap3A_119, %swap3A_120], %swap3A_123 {strides = array<i32>} : memref<128x128xf32, #tpu.memory_space<vmem>>, vector<1x16xf32>,
        %get3A_124 = arith.index_cast %scan3A_27 : i32 to index
        %get3A_125 = arith.constant 112 : index
        %get3A_126 = tpu.vector_load %arg11[%get3A_124, %get3A_125] {strides = array<i32>} : memref<128x128xf32, #tpu.memory_space<vmem>>, vector<1x16xf32>,
        %get3A_127 = vector.shape_cast %get3A_126 : vector<1x16xf32> to vector<16xf32>
        %get3A_128 = arith.index_cast %scan3A_27 : i32 to index
        %get3A_129 = arith.constant 112 : index
        %get3A_130 = tpu.vector_load %arg10[%get3A_128, %get3A_129] {strides = array<i32>} : memref<128x128xf32, #tpu.memory_space<vmem>>, vector<1x16xf32>,
        %get3A_131 = vector.shape_cast %get3A_130 : vector<1x16xf32> to vector<16xf32>
        %mul3A_132 = arith.mulf %get3A_127, %get3A_131 : vector<16xf32>
        %swap3A_133 = arith.index_cast %scan3A_27 : i32 to index
        %swap3A_134 = arith.constant 112 : index
        %swap3A_135 = tpu.vector_load %arg11[%swap3A_133, %swap3A_134] {strides = array<i32>} : memref<128x128xf32, #tpu.memory_space<vmem>>, vector<1x16xf32>,
        %swap3A_136 = vector.shape_cast %swap3A_135 : vector<1x16xf32> to vector<16xf32>
        %swap3A_137 = vector.shape_cast %mul3A_132 : vector<16xf32> to vector<1x16xf32>
        tpu.vector_store %arg11[%swap3A_133, %swap3A_134], %swap3A_137 {strides = array<i32>} : memref<128x128xf32, #tpu.memory_space<vmem>>, vector<1x16xf32>,
      }
      %scan3A_26 = arith.constant 128 : i32
      "tpu.region"() ({
        %run_scoped3A = tpu.sem_alloc : memref<!tpu.dma_semaphore, #tpu.memory_space<semaphore_mem>>
        %dma_start3A_27 = arith.constant 0 : i32
        %dma_start3A_28 = arith.constant 0 : i32
        %dma_start3A_29 = tpu.memref_slice %arg12[%dma_start3A_27, %dma_start3A_28] : memref<10240x128xf32, #tpu.memory_space<vmem_shared>> -> memref<10240x128xf32, #tpu.memory_space<vmem_shared>>
        tpu.enqueue_indirect_dma source(%arg11 : memref<128x128xf32, #tpu.memory_space<vmem>>) target(%dma_start3A_29 : memref<10240x128xf32, #tpu.memory_space<vmem_shared>>) offsets(%arg9 : memref<128xi32, #tpu.memory_space<vmem>>) semaphore(%run_scoped3A : memref<!tpu.dma_semaphore, #tpu.memory_space<semaphore_mem>>) {add = true}
        %dma_wait3A_30 = arith.constant 0 : i32
        %dma_wait3A_31 = arith.constant 0 : i32
        %dma_wait3A_32 = tpu.memref_slice %arg12[%dma_wait3A_30, %dma_wait3A_31] : memref<10240x128xf32, #tpu.memory_space<vmem_shared>> -> memref<10240x128xf32, #tpu.memory_space<vmem_shared>>
        tpu.wait_indirect_dma semaphore(%run_scoped3A : memref<!tpu.dma_semaphore, #tpu.memory_space<semaphore_mem>>) src(%arg11 : memref<128x128xf32, #tpu.memory_space<vmem>>) dst(%dma_wait3A_32 : memref<10240x128xf32, #tpu.memory_space<vmem_shared>>)
        tpu.yield
      }) : () -> ()
    }
    %scan3A_9 = arith.constant 80 : i32
    %barrier3A_10 = arith.constant 0 : index
    tpu.barrier barrier_id(%barrier3A_10)
    %mul3A_11 = arith.constant 640 : i32
    %mul3A_12 = arith.muli %arg1, %mul3A_11 : i32
    "tpu.region"() ({
      %run_scoped3A = tpu.sem_alloc : memref<!tpu.dma_semaphore, #tpu.memory_space<semaphore_mem>>
      %dma_start3A = arith.constant 0 : i32
      %dma_start3A_13 = tpu.memref_slice %arg7[%arg0, %mul3A_12, %dma_start3A] : memref<2x10240x128xf32, #tpu.memory_space<hbm>> -> memref<1x640x128xf32, #tpu.memory_space<hbm>>
      %dma_start3A_14 = tpu.memref_squeeze %dma_start3A_13 : memref<1x640x128xf32, #tpu.memory_space<hbm>> -> memref<640x128xf32, #tpu.memory_space<hbm>>
      %dma_start3A_15 = arith.constant 0 : i32
      %dma_start3A_16 = tpu.memref_slice %arg12[%mul3A_12, %dma_start3A_15] : memref<10240x128xf32, #tpu.memory_space<vmem_shared>> -> memref<640x128xf32, #tpu.memory_space<vmem_shared>>
      tpu.enqueue_dma source(%dma_start3A_16 : memref<640x128xf32, #tpu.memory_space<vmem_shared>>) target(%dma_start3A_14 : memref<640x128xf32, #tpu.memory_space<hbm>>) target_semaphore(%run_scoped3A : memref<!tpu.dma_semaphore, #tpu.memory_space<semaphore_mem>>)
      %dma_wait3A = arith.constant 0 : i32
      %dma_wait3A_17 = tpu.memref_slice %arg7[%arg0, %mul3A_12, %dma_wait3A] : memref<2x10240x128xf32, #tpu.memory_space<hbm>> -> memref<1x640x128xf32, #tpu.memory_space<hbm>>
      %dma_wait3A_18 = tpu.memref_squeeze %dma_wait3A_17 : memref<1x640x128xf32, #tpu.memory_space<hbm>> -> memref<640x128xf32, #tpu.memory_space<hbm>>
      %dma_wait3A_19 = arith.constant 0 : i32
      %dma_wait3A_20 = tpu.memref_slice %arg12[%mul3A_12, %dma_wait3A_19] : memref<10240x128xf32, #tpu.memory_space<vmem_shared>> -> memref<640x128xf32, #tpu.memory_space<vmem_shared>>
      tpu.wait_dma2 semaphore(%run_scoped3A : memref<!tpu.dma_semaphore, #tpu.memory_space<semaphore_mem>>) src(%dma_wait3A_20 : memref<640x128xf32, #tpu.memory_space<vmem_shared>>) dst(%dma_wait3A_18 : memref<640x128xf32, #tpu.memory_space<hbm>>)
      tpu.yield
    }) : () -> ()
    return
  }
}

#map = affine_map<(d0, d1) -> (0, 0)>
#map1 = affine_map<(d0, d1) -> (0)>
#map2 = affine_map<(d0, d1) -> (0, 0, 0)>
module attributes {stable_mosaic.version = 14 : i64} {
  func.func @_cfconv_body(%arg0: i32, %arg1: i32, %arg2: memref<10240x128xf32, #tpu.memory_space<hbm>>, %arg3: memref<327680x128xf32, #tpu.memory_space<hbm>>, %arg4: memref<327680xi32, #tpu.memory_space<hbm>>, %arg5: memref<327680xi32, #tpu.memory_space<hbm>>, %arg6: memref<640x128xf32, #tpu.memory_space<hbm>>, %arg7: memref<2x10240x128xf32, #tpu.memory_space<hbm>>, %arg8: memref<128xi32, #tpu.memory_space<vmem>>, %arg9: memref<128xi32, #tpu.memory_space<vmem>>, %arg10: memref<128x128xf32, #tpu.memory_space<vmem>>, %arg11: memref<128x128xf32, #tpu.memory_space<vmem>>, %arg12: memref<10240x128xf32, #tpu.memory_space<vmem_shared>>, %arg13: memref<!tpu.dma_semaphore, #tpu.memory_space<semaphore_mem>>) attributes {dimension_semantics = [#tpu.dimension_semantics<core_parallel>, #tpu.dimension_semantics<subcore_parallel>], iteration_bounds = array<i64: 2, 16>, scalar_prefetch = 0 : i64, scratch_operands = 6 : i64, tpu.core_type = #tpu.core_type<sc_vector_subcore>, window_params = [{transform_indices = #map}, {transform_indices = #map}, {transform_indices = #map1}, {transform_indices = #map1}, {transform_indices = #map}, {transform_indices = #map2}]} {
    %mul3A = arith.constant 640 : i32
    %mul3A_0 = arith.muli %arg1, %mul3A : i32
    "tpu.region"() ({
      %run_scoped3A = tpu.sem_alloc : memref<!tpu.dma_semaphore, #tpu.memory_space<semaphore_mem>>
      %dma_start3A = arith.constant 0 : i32
      %dma_start3A_13 = tpu.memref_slice %arg12[%mul3A_0, %dma_start3A] : memref<10240x128xf32, #tpu.memory_space<vmem_shared>> -> memref<640x128xf32, #tpu.memory_space<vmem_shared>>
      tpu.enqueue_dma source(%arg6 : memref<640x128xf32, #tpu.memory_space<hbm>>) target(%dma_start3A_13 : memref<640x128xf32, #tpu.memory_space<vmem_shared>>) target_semaphore(%run_scoped3A : memref<!tpu.dma_semaphore, #tpu.memory_space<semaphore_mem>>)
      %dma_wait3A = arith.constant 0 : i32
      %dma_wait3A_14 = tpu.memref_slice %arg12[%mul3A_0, %dma_wait3A] : memref<10240x128xf32, #tpu.memory_space<vmem_shared>> -> memref<640x128xf32, #tpu.memory_space<vmem_shared>>
      tpu.wait_dma2 semaphore(%run_scoped3A : memref<!tpu.dma_semaphore, #tpu.memory_space<semaphore_mem>>) src(%arg6 : memref<640x128xf32, #tpu.memory_space<hbm>>) dst(%dma_wait3A_14 : memref<640x128xf32, #tpu.memory_space<vmem_shared>>)
      tpu.yield
    }) : () -> ()
    %barrier3A = arith.constant 0 : index
    tpu.barrier barrier_id(%barrier3A)
    %mul3A_1 = arith.constant 2 : i32
    %mul3A_2 = arith.muli %arg1, %mul3A_1 : i32
    %add3A = arith.addi %mul3A_2, %arg0 : i32
    %mul3A_3 = arith.constant 10240 : i32
    %mul3A_4 = arith.muli %add3A, %mul3A_3 : i32
    %scan3A = arith.constant 0 : i32
    %scan3A_5 = arith.constant 0 : i32
    %scan3A_6 = arith.constant 80 : i32
    %scan3A_7 = arith.addi %scan3A_5, %scan3A_6 : i32
    %scan3A_8 = arith.constant 1 : i32
    scf.for %scan3A_13 = %scan3A_5 to %scan3A_7 step %scan3A_8  : i32 {
      %mul3A_14 = arith.constant 128 : i32
      %mul3A_15 = arith.muli %scan3A_13, %mul3A_14 : i32
      %add3A_16 = arith.addi %mul3A_4, %mul3A_15 : i32
      "tpu.region"() ({
        %run_scoped3A = tpu.sem_alloc : memref<!tpu.dma_semaphore, #tpu.memory_space<semaphore_mem>>
        %dma_start3A_27 = tpu.memref_slice %arg4[%add3A_16] : memref<327680xi32, #tpu.memory_space<hbm>> -> memref<128xi32, #tpu.memory_space<hbm>>
        %dma_start3A_28 = tpu.memref_slice %arg4[%add3A_16] : memref<327680xi32, #tpu.memory_space<hbm>> -> memref<128xi32, #tpu.memory_space<hbm>>
        tpu.enqueue_dma source(%dma_start3A_28 : memref<128xi32, #tpu.memory_space<hbm>>) target(%arg8 : memref<128xi32, #tpu.memory_space<vmem>>) target_semaphore(%run_scoped3A : memref<!tpu.dma_semaphore, #tpu.memory_space<semaphore_mem>>)
        %dma_wait3A_29 = tpu.memref_slice %arg4[%add3A_16] : memref<327680xi32, #tpu.memory_space<hbm>> -> memref<128xi32, #tpu.memory_space<hbm>>
        %dma_wait3A_30 = tpu.memref_slice %arg4[%add3A_16] : memref<327680xi32, #tpu.memory_space<hbm>> -> memref<128xi32, #tpu.memory_space<hbm>>
        tpu.wait_dma2 semaphore(%run_scoped3A : memref<!tpu.dma_semaphore, #tpu.memory_space<semaphore_mem>>) src(%dma_wait3A_30 : memref<128xi32, #tpu.memory_space<hbm>>) dst(%arg8 : memref<128xi32, #tpu.memory_space<vmem>>)
        tpu.yield
      }) : () -> ()
      "tpu.region"() ({
        %run_scoped3A = tpu.sem_alloc : memref<!tpu.dma_semaphore, #tpu.memory_space<semaphore_mem>>
        %dma_start3A_27 = tpu.memref_slice %arg5[%add3A_16] : memref<327680xi32, #tpu.memory_space<hbm>> -> memref<128xi32, #tpu.memory_space<hbm>>
        %dma_start3A_28 = tpu.memref_slice %arg5[%add3A_16] : memref<327680xi32, #tpu.memory_space<hbm>> -> memref<128xi32, #tpu.memory_space<hbm>>
        tpu.enqueue_dma source(%dma_start3A_28 : memref<128xi32, #tpu.memory_space<hbm>>) target(%arg9 : memref<128xi32, #tpu.memory_space<vmem>>) target_semaphore(%run_scoped3A : memref<!tpu.dma_semaphore, #tpu.memory_space<semaphore_mem>>)
        %dma_wait3A_29 = tpu.memref_slice %arg5[%add3A_16] : memref<327680xi32, #tpu.memory_space<hbm>> -> memref<128xi32, #tpu.memory_space<hbm>>
        %dma_wait3A_30 = tpu.memref_slice %arg5[%add3A_16] : memref<327680xi32, #tpu.memory_space<hbm>> -> memref<128xi32, #tpu.memory_space<hbm>>
        tpu.wait_dma2 semaphore(%run_scoped3A : memref<!tpu.dma_semaphore, #tpu.memory_space<semaphore_mem>>) src(%dma_wait3A_30 : memref<128xi32, #tpu.memory_space<hbm>>) dst(%arg9 : memref<128xi32, #tpu.memory_space<vmem>>)
        tpu.yield
      }) : () -> ()
      "tpu.region"() ({
        %run_scoped3A = tpu.sem_alloc : memref<!tpu.dma_semaphore, #tpu.memory_space<semaphore_mem>>
        %dma_start3A_27 = arith.constant 0 : i32
        %dma_start3A_28 = tpu.memref_slice %arg3[%add3A_16, %dma_start3A_27] : memref<327680x128xf32, #tpu.memory_space<hbm>> -> memref<128x128xf32, #tpu.memory_space<hbm>>
        %dma_start3A_29 = arith.constant 0 : i32
        %dma_start3A_30 = tpu.memref_slice %arg3[%add3A_16, %dma_start3A_29] : memref<327680x128xf32, #tpu.memory_space<hbm>> -> memref<128x128xf32, #tpu.memory_space<hbm>>
        tpu.enqueue_dma source(%dma_start3A_30 : memref<128x128xf32, #tpu.memory_space<hbm>>) target(%arg10 : memref<128x128xf32, #tpu.memory_space<vmem>>) target_semaphore(%run_scoped3A : memref<!tpu.dma_semaphore, #tpu.memory_space<semaphore_mem>>)
        %dma_wait3A_31 = arith.constant 0 : i32
        %dma_wait3A_32 = tpu.memref_slice %arg3[%add3A_16, %dma_wait3A_31] : memref<327680x128xf32, #tpu.memory_space<hbm>> -> memref<128x128xf32, #tpu.memory_space<hbm>>
        %dma_wait3A_33 = arith.constant 0 : i32
        %dma_wait3A_34 = tpu.memref_slice %arg3[%add3A_16, %dma_wait3A_33] : memref<327680x128xf32, #tpu.memory_space<hbm>> -> memref<128x128xf32, #tpu.memory_space<hbm>>
        tpu.wait_dma2 semaphore(%run_scoped3A : memref<!tpu.dma_semaphore, #tpu.memory_space<semaphore_mem>>) src(%dma_wait3A_34 : memref<128x128xf32, #tpu.memory_space<hbm>>) dst(%arg10 : memref<128x128xf32, #tpu.memory_space<vmem>>)
        tpu.yield
      }) : () -> ()
      %dma_start3A = arith.constant 0 : i32
      %dma_start3A_17 = arith.constant 0 : i32
      %dma_start3A_18 = tpu.memref_slice %arg2[%dma_start3A, %dma_start3A_17] : memref<10240x128xf32, #tpu.memory_space<hbm>> -> memref<10240x128xf32, #tpu.memory_space<hbm>>
      tpu.enqueue_indirect_dma source(%dma_start3A_18 : memref<10240x128xf32, #tpu.memory_space<hbm>>) target(%arg11 : memref<128x128xf32, #tpu.memory_space<vmem>>) offsets(%arg8 : memref<128xi32, #tpu.memory_space<vmem>>) semaphore(%arg13 : memref<!tpu.dma_semaphore, #tpu.memory_space<semaphore_mem>>)
      %dma_wait3A = arith.constant 0 : i32
      %dma_wait3A_19 = arith.constant 0 : i32
      %dma_wait3A_20 = tpu.memref_slice %arg2[%dma_wait3A, %dma_wait3A_19] : memref<10240x128xf32, #tpu.memory_space<hbm>> -> memref<10240x128xf32, #tpu.memory_space<hbm>>
      tpu.wait_indirect_dma semaphore(%arg13 : memref<!tpu.dma_semaphore, #tpu.memory_space<semaphore_mem>>) src(%dma_wait3A_20 : memref<10240x128xf32, #tpu.memory_space<hbm>>) dst(%arg11 : memref<128x128xf32, #tpu.memory_space<vmem>>)
      %scan3A_21 = arith.constant 0 : i32
      %scan3A_22 = arith.constant 0 : i32
      %scan3A_23 = arith.constant 128 : i32
      %scan3A_24 = arith.addi %scan3A_22, %scan3A_23 : i32
      %scan3A_25 = arith.constant 1 : i32
      scf.for %scan3A_27 = %scan3A_22 to %scan3A_24 step %scan3A_25  : i32 {
        %get3A = arith.index_cast %scan3A_27 : i32 to index
        %get3A_28 = arith.constant 0 : index
        %get3A_29 = tpu.vector_load %arg11[%get3A, %get3A_28] {strides = array<i32>} : memref<128x128xf32, #tpu.memory_space<vmem>>, vector<1x16xf32>,
        %get3A_30 = vector.shape_cast %get3A_29 : vector<1x16xf32> to vector<16xf32>
        %get3A_31 = arith.index_cast %scan3A_27 : i32 to index
        %get3A_32 = arith.constant 0 : index
        %get3A_33 = tpu.vector_load %arg10[%get3A_31, %get3A_32] {strides = array<i32>} : memref<128x128xf32, #tpu.memory_space<vmem>>, vector<1x16xf32>,
        %get3A_34 = vector.shape_cast %get3A_33 : vector<1x16xf32> to vector<16xf32>
        %mul3A_35 = arith.mulf %get3A_30, %get3A_34 : vector<16xf32>
        %swap3A = arith.index_cast %scan3A_27 : i32 to index
        %swap3A_36 = arith.constant 0 : index
        %swap3A_37 = tpu.vector_load %arg11[%swap3A, %swap3A_36] {strides = array<i32>} : memref<128x128xf32, #tpu.memory_space<vmem>>, vector<1x16xf32>,
        %swap3A_38 = vector.shape_cast %swap3A_37 : vector<1x16xf32> to vector<16xf32>
        %swap3A_39 = vector.shape_cast %mul3A_35 : vector<16xf32> to vector<1x16xf32>
        tpu.vector_store %arg11[%swap3A, %swap3A_36], %swap3A_39 {strides = array<i32>} : memref<128x128xf32, #tpu.memory_space<vmem>>, vector<1x16xf32>,
        %get3A_40 = arith.index_cast %scan3A_27 : i32 to index
        %get3A_41 = arith.constant 16 : index
        %get3A_42 = tpu.vector_load %arg11[%get3A_40, %get3A_41] {strides = array<i32>} : memref<128x128xf32, #tpu.memory_space<vmem>>, vector<1x16xf32>,
        %get3A_43 = vector.shape_cast %get3A_42 : vector<1x16xf32> to vector<16xf32>
        %get3A_44 = arith.index_cast %scan3A_27 : i32 to index
        %get3A_45 = arith.constant 16 : index
        %get3A_46 = tpu.vector_load %arg10[%get3A_44, %get3A_45] {strides = array<i32>} : memref<128x128xf32, #tpu.memory_space<vmem>>, vector<1x16xf32>,
        %get3A_47 = vector.shape_cast %get3A_46 : vector<1x16xf32> to vector<16xf32>
        %mul3A_48 = arith.mulf %get3A_43, %get3A_47 : vector<16xf32>
        %swap3A_49 = arith.index_cast %scan3A_27 : i32 to index
        %swap3A_50 = arith.constant 16 : index
        %swap3A_51 = tpu.vector_load %arg11[%swap3A_49, %swap3A_50] {strides = array<i32>} : memref<128x128xf32, #tpu.memory_space<vmem>>, vector<1x16xf32>,
        %swap3A_52 = vector.shape_cast %swap3A_51 : vector<1x16xf32> to vector<16xf32>
        %swap3A_53 = vector.shape_cast %mul3A_48 : vector<16xf32> to vector<1x16xf32>
        tpu.vector_store %arg11[%swap3A_49, %swap3A_50], %swap3A_53 {strides = array<i32>} : memref<128x128xf32, #tpu.memory_space<vmem>>, vector<1x16xf32>,
        %get3A_54 = arith.index_cast %scan3A_27 : i32 to index
        %get3A_55 = arith.constant 32 : index
        %get3A_56 = tpu.vector_load %arg11[%get3A_54, %get3A_55] {strides = array<i32>} : memref<128x128xf32, #tpu.memory_space<vmem>>, vector<1x16xf32>,
        %get3A_57 = vector.shape_cast %get3A_56 : vector<1x16xf32> to vector<16xf32>
        %get3A_58 = arith.index_cast %scan3A_27 : i32 to index
        %get3A_59 = arith.constant 32 : index
        %get3A_60 = tpu.vector_load %arg10[%get3A_58, %get3A_59] {strides = array<i32>} : memref<128x128xf32, #tpu.memory_space<vmem>>, vector<1x16xf32>,
        %get3A_61 = vector.shape_cast %get3A_60 : vector<1x16xf32> to vector<16xf32>
        %mul3A_62 = arith.mulf %get3A_57, %get3A_61 : vector<16xf32>
        %swap3A_63 = arith.index_cast %scan3A_27 : i32 to index
        %swap3A_64 = arith.constant 32 : index
        %swap3A_65 = tpu.vector_load %arg11[%swap3A_63, %swap3A_64] {strides = array<i32>} : memref<128x128xf32, #tpu.memory_space<vmem>>, vector<1x16xf32>,
        %swap3A_66 = vector.shape_cast %swap3A_65 : vector<1x16xf32> to vector<16xf32>
        %swap3A_67 = vector.shape_cast %mul3A_62 : vector<16xf32> to vector<1x16xf32>
        tpu.vector_store %arg11[%swap3A_63, %swap3A_64], %swap3A_67 {strides = array<i32>} : memref<128x128xf32, #tpu.memory_space<vmem>>, vector<1x16xf32>,
        %get3A_68 = arith.index_cast %scan3A_27 : i32 to index
        %get3A_69 = arith.constant 48 : index
        %get3A_70 = tpu.vector_load %arg11[%get3A_68, %get3A_69] {strides = array<i32>} : memref<128x128xf32, #tpu.memory_space<vmem>>, vector<1x16xf32>,
        %get3A_71 = vector.shape_cast %get3A_70 : vector<1x16xf32> to vector<16xf32>
        %get3A_72 = arith.index_cast %scan3A_27 : i32 to index
        %get3A_73 = arith.constant 48 : index
        %get3A_74 = tpu.vector_load %arg10[%get3A_72, %get3A_73] {strides = array<i32>} : memref<128x128xf32, #tpu.memory_space<vmem>>, vector<1x16xf32>,
        %get3A_75 = vector.shape_cast %get3A_74 : vector<1x16xf32> to vector<16xf32>
        %mul3A_76 = arith.mulf %get3A_71, %get3A_75 : vector<16xf32>
        %swap3A_77 = arith.index_cast %scan3A_27 : i32 to index
        %swap3A_78 = arith.constant 48 : index
        %swap3A_79 = tpu.vector_load %arg11[%swap3A_77, %swap3A_78] {strides = array<i32>} : memref<128x128xf32, #tpu.memory_space<vmem>>, vector<1x16xf32>,
        %swap3A_80 = vector.shape_cast %swap3A_79 : vector<1x16xf32> to vector<16xf32>
        %swap3A_81 = vector.shape_cast %mul3A_76 : vector<16xf32> to vector<1x16xf32>
        tpu.vector_store %arg11[%swap3A_77, %swap3A_78], %swap3A_81 {strides = array<i32>} : memref<128x128xf32, #tpu.memory_space<vmem>>, vector<1x16xf32>,
        %get3A_82 = arith.index_cast %scan3A_27 : i32 to index
        %get3A_83 = arith.constant 64 : index
        %get3A_84 = tpu.vector_load %arg11[%get3A_82, %get3A_83] {strides = array<i32>} : memref<128x128xf32, #tpu.memory_space<vmem>>, vector<1x16xf32>,
        %get3A_85 = vector.shape_cast %get3A_84 : vector<1x16xf32> to vector<16xf32>
        %get3A_86 = arith.index_cast %scan3A_27 : i32 to index
        %get3A_87 = arith.constant 64 : index
        %get3A_88 = tpu.vector_load %arg10[%get3A_86, %get3A_87] {strides = array<i32>} : memref<128x128xf32, #tpu.memory_space<vmem>>, vector<1x16xf32>,
        %get3A_89 = vector.shape_cast %get3A_88 : vector<1x16xf32> to vector<16xf32>
        %mul3A_90 = arith.mulf %get3A_85, %get3A_89 : vector<16xf32>
        %swap3A_91 = arith.index_cast %scan3A_27 : i32 to index
        %swap3A_92 = arith.constant 64 : index
        %swap3A_93 = tpu.vector_load %arg11[%swap3A_91, %swap3A_92] {strides = array<i32>} : memref<128x128xf32, #tpu.memory_space<vmem>>, vector<1x16xf32>,
        %swap3A_94 = vector.shape_cast %swap3A_93 : vector<1x16xf32> to vector<16xf32>
        %swap3A_95 = vector.shape_cast %mul3A_90 : vector<16xf32> to vector<1x16xf32>
        tpu.vector_store %arg11[%swap3A_91, %swap3A_92], %swap3A_95 {strides = array<i32>} : memref<128x128xf32, #tpu.memory_space<vmem>>, vector<1x16xf32>,
        %get3A_96 = arith.index_cast %scan3A_27 : i32 to index
        %get3A_97 = arith.constant 80 : index
        %get3A_98 = tpu.vector_load %arg11[%get3A_96, %get3A_97] {strides = array<i32>} : memref<128x128xf32, #tpu.memory_space<vmem>>, vector<1x16xf32>,
        %get3A_99 = vector.shape_cast %get3A_98 : vector<1x16xf32> to vector<16xf32>
        %get3A_100 = arith.index_cast %scan3A_27 : i32 to index
        %get3A_101 = arith.constant 80 : index
        %get3A_102 = tpu.vector_load %arg10[%get3A_100, %get3A_101] {strides = array<i32>} : memref<128x128xf32, #tpu.memory_space<vmem>>, vector<1x16xf32>,
        %get3A_103 = vector.shape_cast %get3A_102 : vector<1x16xf32> to vector<16xf32>
        %mul3A_104 = arith.mulf %get3A_99, %get3A_103 : vector<16xf32>
        %swap3A_105 = arith.index_cast %scan3A_27 : i32 to index
        %swap3A_106 = arith.constant 80 : index
        %swap3A_107 = tpu.vector_load %arg11[%swap3A_105, %swap3A_106] {strides = array<i32>} : memref<128x128xf32, #tpu.memory_space<vmem>>, vector<1x16xf32>,
        %swap3A_108 = vector.shape_cast %swap3A_107 : vector<1x16xf32> to vector<16xf32>
        %swap3A_109 = vector.shape_cast %mul3A_104 : vector<16xf32> to vector<1x16xf32>
        tpu.vector_store %arg11[%swap3A_105, %swap3A_106], %swap3A_109 {strides = array<i32>} : memref<128x128xf32, #tpu.memory_space<vmem>>, vector<1x16xf32>,
        %get3A_110 = arith.index_cast %scan3A_27 : i32 to index
        %get3A_111 = arith.constant 96 : index
        %get3A_112 = tpu.vector_load %arg11[%get3A_110, %get3A_111] {strides = array<i32>} : memref<128x128xf32, #tpu.memory_space<vmem>>, vector<1x16xf32>,
        %get3A_113 = vector.shape_cast %get3A_112 : vector<1x16xf32> to vector<16xf32>
        %get3A_114 = arith.index_cast %scan3A_27 : i32 to index
        %get3A_115 = arith.constant 96 : index
        %get3A_116 = tpu.vector_load %arg10[%get3A_114, %get3A_115] {strides = array<i32>} : memref<128x128xf32, #tpu.memory_space<vmem>>, vector<1x16xf32>,
        %get3A_117 = vector.shape_cast %get3A_116 : vector<1x16xf32> to vector<16xf32>
        %mul3A_118 = arith.mulf %get3A_113, %get3A_117 : vector<16xf32>
        %swap3A_119 = arith.index_cast %scan3A_27 : i32 to index
        %swap3A_120 = arith.constant 96 : index
        %swap3A_121 = tpu.vector_load %arg11[%swap3A_119, %swap3A_120] {strides = array<i32>} : memref<128x128xf32, #tpu.memory_space<vmem>>, vector<1x16xf32>,
        %swap3A_122 = vector.shape_cast %swap3A_121 : vector<1x16xf32> to vector<16xf32>
        %swap3A_123 = vector.shape_cast %mul3A_118 : vector<16xf32> to vector<1x16xf32>
        tpu.vector_store %arg11[%swap3A_119, %swap3A_120], %swap3A_123 {strides = array<i32>} : memref<128x128xf32, #tpu.memory_space<vmem>>, vector<1x16xf32>,
        %get3A_124 = arith.index_cast %scan3A_27 : i32 to index
        %get3A_125 = arith.constant 112 : index
        %get3A_126 = tpu.vector_load %arg11[%get3A_124, %get3A_125] {strides = array<i32>} : memref<128x128xf32, #tpu.memory_space<vmem>>, vector<1x16xf32>,
        %get3A_127 = vector.shape_cast %get3A_126 : vector<1x16xf32> to vector<16xf32>
        %get3A_128 = arith.index_cast %scan3A_27 : i32 to index
        %get3A_129 = arith.constant 112 : index
        %get3A_130 = tpu.vector_load %arg10[%get3A_128, %get3A_129] {strides = array<i32>} : memref<128x128xf32, #tpu.memory_space<vmem>>, vector<1x16xf32>,
        %get3A_131 = vector.shape_cast %get3A_130 : vector<1x16xf32> to vector<16xf32>
        %mul3A_132 = arith.mulf %get3A_127, %get3A_131 : vector<16xf32>
        %swap3A_133 = arith.index_cast %scan3A_27 : i32 to index
        %swap3A_134 = arith.constant 112 : index
        %swap3A_135 = tpu.vector_load %arg11[%swap3A_133, %swap3A_134] {strides = array<i32>} : memref<128x128xf32, #tpu.memory_space<vmem>>, vector<1x16xf32>,
        %swap3A_136 = vector.shape_cast %swap3A_135 : vector<1x16xf32> to vector<16xf32>
        %swap3A_137 = vector.shape_cast %mul3A_132 : vector<16xf32> to vector<1x16xf32>
        tpu.vector_store %arg11[%swap3A_133, %swap3A_134], %swap3A_137 {strides = array<i32>} : memref<128x128xf32, #tpu.memory_space<vmem>>, vector<1x16xf32>,
      }
      %scan3A_26 = arith.constant 128 : i32
      "tpu.region"() ({
        %run_scoped3A = tpu.sem_alloc : memref<!tpu.dma_semaphore, #tpu.memory_space<semaphore_mem>>
        %dma_start3A_27 = arith.constant 0 : i32
        %dma_start3A_28 = arith.constant 0 : i32
        %dma_start3A_29 = tpu.memref_slice %arg12[%dma_start3A_27, %dma_start3A_28] : memref<10240x128xf32, #tpu.memory_space<vmem_shared>> -> memref<10240x128xf32, #tpu.memory_space<vmem_shared>>
        tpu.enqueue_indirect_dma source(%arg11 : memref<128x128xf32, #tpu.memory_space<vmem>>) target(%dma_start3A_29 : memref<10240x128xf32, #tpu.memory_space<vmem_shared>>) offsets(%arg9 : memref<128xi32, #tpu.memory_space<vmem>>) semaphore(%run_scoped3A : memref<!tpu.dma_semaphore, #tpu.memory_space<semaphore_mem>>) {add = true}
        %dma_wait3A_30 = arith.constant 0 : i32
        %dma_wait3A_31 = arith.constant 0 : i32
        %dma_wait3A_32 = tpu.memref_slice %arg12[%dma_wait3A_30, %dma_wait3A_31] : memref<10240x128xf32, #tpu.memory_space<vmem_shared>> -> memref<10240x128xf32, #tpu.memory_space<vmem_shared>>
        tpu.wait_indirect_dma semaphore(%run_scoped3A : memref<!tpu.dma_semaphore, #tpu.memory_space<semaphore_mem>>) src(%arg11 : memref<128x128xf32, #tpu.memory_space<vmem>>) dst(%dma_wait3A_32 : memref<10240x128xf32, #tpu.memory_space<vmem_shared>>)
        tpu.yield
      }) : () -> ()
    }
    %scan3A_9 = arith.constant 80 : i32
    %barrier3A_10 = arith.constant 0 : index
    tpu.barrier barrier_id(%barrier3A_10)
    %mul3A_11 = arith.constant 640 : i32
    %mul3A_12 = arith.muli %arg1, %mul3A_11 : i32
    "tpu.region"() ({
      %run_scoped3A = tpu.sem_alloc : memref<!tpu.dma_semaphore, #tpu.memory_space<semaphore_mem>>
      %dma_start3A = arith.constant 0 : i32
      %dma_start3A_13 = tpu.memref_slice %arg7[%arg0, %mul3A_12, %dma_start3A] : memref<2x10240x128xf32, #tpu.memory_space<hbm>> -> memref<1x640x128xf32, #tpu.memory_space<hbm>>
      %dma_start3A_14 = tpu.memref_squeeze %dma_start3A_13 : memref<1x640x128xf32, #tpu.memory_space<hbm>> -> memref<640x128xf32, #tpu.memory_space<hbm>>
      %dma_start3A_15 = arith.constant 0 : i32
      %dma_start3A_16 = tpu.memref_slice %arg12[%mul3A_12, %dma_start3A_15] : memref<10240x128xf32, #tpu.memory_space<vmem_shared>> -> memref<640x128xf32, #tpu.memory_space<vmem_shared>>
      tpu.enqueue_dma source(%dma_start3A_16 : memref<640x128xf32, #tpu.memory_space<vmem_shared>>) target(%dma_start3A_14 : memref<640x128xf32, #tpu.memory_space<hbm>>) target_semaphore(%run_scoped3A : memref<!tpu.dma_semaphore, #tpu.memory_space<semaphore_mem>>)
      %dma_wait3A = arith.constant 0 : i32
      %dma_wait3A_17 = tpu.memref_slice %arg7[%arg0, %mul3A_12, %dma_wait3A] : memref<2x10240x128xf32, #tpu.memory_space<hbm>> -> memref<1x640x128xf32, #tpu.memory_space<hbm>>
      %dma_wait3A_18 = tpu.memref_squeeze %dma_wait3A_17 : memref<1x640x128xf32, #tpu.memory_space<hbm>> -> memref<640x128xf32, #tpu.memory_space<hbm>>
      %dma_wait3A_19 = arith.constant 0 : i32
      %dma_wait3A_20 = tpu.memref_slice %arg12[%mul3A_12, %dma_wait3A_19] : memref<10240x128xf32, #tpu.memory_space<vmem_shared>> -> memref<640x128xf32, #tpu.memory_space<vmem_shared>>
      tpu.wait_dma2 semaphore(%run_scoped3A : memref<!tpu.dma_semaphore, #tpu.memory_space<semaphore_mem>>) src(%dma_wait3A_20 : memref<640x128xf32, #tpu.memory_space<vmem_shared>>) dst(%dma_wait3A_18 : memref<640x128xf32, #tpu.memory_space<hbm>>)
      tpu.yield
    }) : () -> ()
    return
  }
}

#map = affine_map<(d0, d1) -> (0, 0)>
#map1 = affine_map<(d0, d1) -> (0)>
#map2 = affine_map<(d0, d1) -> (0, 0, 0)>
module attributes {stable_mosaic.version = 14 : i64} {
  func.func @_cfconv_body(%arg0: i32, %arg1: i32, %arg2: memref<10240x128xf32, #tpu.memory_space<hbm>>, %arg3: memref<327680x128xf32, #tpu.memory_space<hbm>>, %arg4: memref<327680xi32, #tpu.memory_space<hbm>>, %arg5: memref<327680xi32, #tpu.memory_space<hbm>>, %arg6: memref<640x128xf32, #tpu.memory_space<hbm>>, %arg7: memref<2x10240x128xf32, #tpu.memory_space<hbm>>, %arg8: memref<128xi32, #tpu.memory_space<vmem>>, %arg9: memref<128xi32, #tpu.memory_space<vmem>>, %arg10: memref<128x128xf32, #tpu.memory_space<vmem>>, %arg11: memref<128x128xf32, #tpu.memory_space<vmem>>, %arg12: memref<10240x128xf32, #tpu.memory_space<vmem_shared>>, %arg13: memref<!tpu.dma_semaphore, #tpu.memory_space<semaphore_mem>>) attributes {dimension_semantics = [#tpu.dimension_semantics<core_parallel>, #tpu.dimension_semantics<subcore_parallel>], iteration_bounds = array<i64: 2, 16>, scalar_prefetch = 0 : i64, scratch_operands = 6 : i64, tpu.core_type = #tpu.core_type<sc_vector_subcore>, window_params = [{transform_indices = #map}, {transform_indices = #map}, {transform_indices = #map1}, {transform_indices = #map1}, {transform_indices = #map}, {transform_indices = #map2}]} {
    %mul3A = arith.constant 640 : i32
    %mul3A_0 = arith.muli %arg1, %mul3A : i32
    "tpu.region"() ({
      %run_scoped3A = tpu.sem_alloc : memref<!tpu.dma_semaphore, #tpu.memory_space<semaphore_mem>>
      %dma_start3A = arith.constant 0 : i32
      %dma_start3A_13 = tpu.memref_slice %arg12[%mul3A_0, %dma_start3A] : memref<10240x128xf32, #tpu.memory_space<vmem_shared>> -> memref<640x128xf32, #tpu.memory_space<vmem_shared>>
      tpu.enqueue_dma source(%arg6 : memref<640x128xf32, #tpu.memory_space<hbm>>) target(%dma_start3A_13 : memref<640x128xf32, #tpu.memory_space<vmem_shared>>) target_semaphore(%run_scoped3A : memref<!tpu.dma_semaphore, #tpu.memory_space<semaphore_mem>>)
      %dma_wait3A = arith.constant 0 : i32
      %dma_wait3A_14 = tpu.memref_slice %arg12[%mul3A_0, %dma_wait3A] : memref<10240x128xf32, #tpu.memory_space<vmem_shared>> -> memref<640x128xf32, #tpu.memory_space<vmem_shared>>
      tpu.wait_dma2 semaphore(%run_scoped3A : memref<!tpu.dma_semaphore, #tpu.memory_space<semaphore_mem>>) src(%arg6 : memref<640x128xf32, #tpu.memory_space<hbm>>) dst(%dma_wait3A_14 : memref<640x128xf32, #tpu.memory_space<vmem_shared>>)
      tpu.yield
    }) : () -> ()
    %barrier3A = arith.constant 0 : index
    tpu.barrier barrier_id(%barrier3A)
    %mul3A_1 = arith.constant 2 : i32
    %mul3A_2 = arith.muli %arg1, %mul3A_1 : i32
    %add3A = arith.addi %mul3A_2, %arg0 : i32
    %mul3A_3 = arith.constant 10240 : i32
    %mul3A_4 = arith.muli %add3A, %mul3A_3 : i32
    %scan3A = arith.constant 0 : i32
    %scan3A_5 = arith.constant 0 : i32
    %scan3A_6 = arith.constant 80 : i32
    %scan3A_7 = arith.addi %scan3A_5, %scan3A_6 : i32
    %scan3A_8 = arith.constant 1 : i32
    scf.for %scan3A_13 = %scan3A_5 to %scan3A_7 step %scan3A_8  : i32 {
      %mul3A_14 = arith.constant 128 : i32
      %mul3A_15 = arith.muli %scan3A_13, %mul3A_14 : i32
      %add3A_16 = arith.addi %mul3A_4, %mul3A_15 : i32
      "tpu.region"() ({
        %run_scoped3A = tpu.sem_alloc : memref<!tpu.dma_semaphore, #tpu.memory_space<semaphore_mem>>
        %dma_start3A_27 = tpu.memref_slice %arg4[%add3A_16] : memref<327680xi32, #tpu.memory_space<hbm>> -> memref<128xi32, #tpu.memory_space<hbm>>
        %dma_start3A_28 = tpu.memref_slice %arg4[%add3A_16] : memref<327680xi32, #tpu.memory_space<hbm>> -> memref<128xi32, #tpu.memory_space<hbm>>
        tpu.enqueue_dma source(%dma_start3A_28 : memref<128xi32, #tpu.memory_space<hbm>>) target(%arg8 : memref<128xi32, #tpu.memory_space<vmem>>) target_semaphore(%run_scoped3A : memref<!tpu.dma_semaphore, #tpu.memory_space<semaphore_mem>>)
        %dma_wait3A_29 = tpu.memref_slice %arg4[%add3A_16] : memref<327680xi32, #tpu.memory_space<hbm>> -> memref<128xi32, #tpu.memory_space<hbm>>
        %dma_wait3A_30 = tpu.memref_slice %arg4[%add3A_16] : memref<327680xi32, #tpu.memory_space<hbm>> -> memref<128xi32, #tpu.memory_space<hbm>>
        tpu.wait_dma2 semaphore(%run_scoped3A : memref<!tpu.dma_semaphore, #tpu.memory_space<semaphore_mem>>) src(%dma_wait3A_30 : memref<128xi32, #tpu.memory_space<hbm>>) dst(%arg8 : memref<128xi32, #tpu.memory_space<vmem>>)
        tpu.yield
      }) : () -> ()
      "tpu.region"() ({
        %run_scoped3A = tpu.sem_alloc : memref<!tpu.dma_semaphore, #tpu.memory_space<semaphore_mem>>
        %dma_start3A_27 = tpu.memref_slice %arg5[%add3A_16] : memref<327680xi32, #tpu.memory_space<hbm>> -> memref<128xi32, #tpu.memory_space<hbm>>
        %dma_start3A_28 = tpu.memref_slice %arg5[%add3A_16] : memref<327680xi32, #tpu.memory_space<hbm>> -> memref<128xi32, #tpu.memory_space<hbm>>
        tpu.enqueue_dma source(%dma_start3A_28 : memref<128xi32, #tpu.memory_space<hbm>>) target(%arg9 : memref<128xi32, #tpu.memory_space<vmem>>) target_semaphore(%run_scoped3A : memref<!tpu.dma_semaphore, #tpu.memory_space<semaphore_mem>>)
        %dma_wait3A_29 = tpu.memref_slice %arg5[%add3A_16] : memref<327680xi32, #tpu.memory_space<hbm>> -> memref<128xi32, #tpu.memory_space<hbm>>
        %dma_wait3A_30 = tpu.memref_slice %arg5[%add3A_16] : memref<327680xi32, #tpu.memory_space<hbm>> -> memref<128xi32, #tpu.memory_space<hbm>>
        tpu.wait_dma2 semaphore(%run_scoped3A : memref<!tpu.dma_semaphore, #tpu.memory_space<semaphore_mem>>) src(%dma_wait3A_30 : memref<128xi32, #tpu.memory_space<hbm>>) dst(%arg9 : memref<128xi32, #tpu.memory_space<vmem>>)
        tpu.yield
      }) : () -> ()
      "tpu.region"() ({
        %run_scoped3A = tpu.sem_alloc : memref<!tpu.dma_semaphore, #tpu.memory_space<semaphore_mem>>
        %dma_start3A_27 = arith.constant 0 : i32
        %dma_start3A_28 = tpu.memref_slice %arg3[%add3A_16, %dma_start3A_27] : memref<327680x128xf32, #tpu.memory_space<hbm>> -> memref<128x128xf32, #tpu.memory_space<hbm>>
        %dma_start3A_29 = arith.constant 0 : i32
        %dma_start3A_30 = tpu.memref_slice %arg3[%add3A_16, %dma_start3A_29] : memref<327680x128xf32, #tpu.memory_space<hbm>> -> memref<128x128xf32, #tpu.memory_space<hbm>>
        tpu.enqueue_dma source(%dma_start3A_30 : memref<128x128xf32, #tpu.memory_space<hbm>>) target(%arg10 : memref<128x128xf32, #tpu.memory_space<vmem>>) target_semaphore(%run_scoped3A : memref<!tpu.dma_semaphore, #tpu.memory_space<semaphore_mem>>)
        %dma_wait3A_31 = arith.constant 0 : i32
        %dma_wait3A_32 = tpu.memref_slice %arg3[%add3A_16, %dma_wait3A_31] : memref<327680x128xf32, #tpu.memory_space<hbm>> -> memref<128x128xf32, #tpu.memory_space<hbm>>
        %dma_wait3A_33 = arith.constant 0 : i32
        %dma_wait3A_34 = tpu.memref_slice %arg3[%add3A_16, %dma_wait3A_33] : memref<327680x128xf32, #tpu.memory_space<hbm>> -> memref<128x128xf32, #tpu.memory_space<hbm>>
        tpu.wait_dma2 semaphore(%run_scoped3A : memref<!tpu.dma_semaphore, #tpu.memory_space<semaphore_mem>>) src(%dma_wait3A_34 : memref<128x128xf32, #tpu.memory_space<hbm>>) dst(%arg10 : memref<128x128xf32, #tpu.memory_space<vmem>>)
        tpu.yield
      }) : () -> ()
      %dma_start3A = arith.constant 0 : i32
      %dma_start3A_17 = arith.constant 0 : i32
      %dma_start3A_18 = tpu.memref_slice %arg2[%dma_start3A, %dma_start3A_17] : memref<10240x128xf32, #tpu.memory_space<hbm>> -> memref<10240x128xf32, #tpu.memory_space<hbm>>
      tpu.enqueue_indirect_dma source(%dma_start3A_18 : memref<10240x128xf32, #tpu.memory_space<hbm>>) target(%arg11 : memref<128x128xf32, #tpu.memory_space<vmem>>) offsets(%arg8 : memref<128xi32, #tpu.memory_space<vmem>>) semaphore(%arg13 : memref<!tpu.dma_semaphore, #tpu.memory_space<semaphore_mem>>)
      %dma_wait3A = arith.constant 0 : i32
      %dma_wait3A_19 = arith.constant 0 : i32
      %dma_wait3A_20 = tpu.memref_slice %arg2[%dma_wait3A, %dma_wait3A_19] : memref<10240x128xf32, #tpu.memory_space<hbm>> -> memref<10240x128xf32, #tpu.memory_space<hbm>>
      tpu.wait_indirect_dma semaphore(%arg13 : memref<!tpu.dma_semaphore, #tpu.memory_space<semaphore_mem>>) src(%dma_wait3A_20 : memref<10240x128xf32, #tpu.memory_space<hbm>>) dst(%arg11 : memref<128x128xf32, #tpu.memory_space<vmem>>)
      %scan3A_21 = arith.constant 0 : i32
      %scan3A_22 = arith.constant 0 : i32
      %scan3A_23 = arith.constant 128 : i32
      %scan3A_24 = arith.addi %scan3A_22, %scan3A_23 : i32
      %scan3A_25 = arith.constant 1 : i32
      scf.for %scan3A_27 = %scan3A_22 to %scan3A_24 step %scan3A_25  : i32 {
        %get3A = arith.index_cast %scan3A_27 : i32 to index
        %get3A_28 = arith.constant 0 : index
        %get3A_29 = tpu.vector_load %arg11[%get3A, %get3A_28] {strides = array<i32>} : memref<128x128xf32, #tpu.memory_space<vmem>>, vector<1x16xf32>,
        %get3A_30 = vector.shape_cast %get3A_29 : vector<1x16xf32> to vector<16xf32>
        %get3A_31 = arith.index_cast %scan3A_27 : i32 to index
        %get3A_32 = arith.constant 0 : index
        %get3A_33 = tpu.vector_load %arg10[%get3A_31, %get3A_32] {strides = array<i32>} : memref<128x128xf32, #tpu.memory_space<vmem>>, vector<1x16xf32>,
        %get3A_34 = vector.shape_cast %get3A_33 : vector<1x16xf32> to vector<16xf32>
        %mul3A_35 = arith.mulf %get3A_30, %get3A_34 : vector<16xf32>
        %swap3A = arith.index_cast %scan3A_27 : i32 to index
        %swap3A_36 = arith.constant 0 : index
        %swap3A_37 = tpu.vector_load %arg11[%swap3A, %swap3A_36] {strides = array<i32>} : memref<128x128xf32, #tpu.memory_space<vmem>>, vector<1x16xf32>,
        %swap3A_38 = vector.shape_cast %swap3A_37 : vector<1x16xf32> to vector<16xf32>
        %swap3A_39 = vector.shape_cast %mul3A_35 : vector<16xf32> to vector<1x16xf32>
        tpu.vector_store %arg11[%swap3A, %swap3A_36], %swap3A_39 {strides = array<i32>} : memref<128x128xf32, #tpu.memory_space<vmem>>, vector<1x16xf32>,
        %get3A_40 = arith.index_cast %scan3A_27 : i32 to index
        %get3A_41 = arith.constant 16 : index
        %get3A_42 = tpu.vector_load %arg11[%get3A_40, %get3A_41] {strides = array<i32>} : memref<128x128xf32, #tpu.memory_space<vmem>>, vector<1x16xf32>,
        %get3A_43 = vector.shape_cast %get3A_42 : vector<1x16xf32> to vector<16xf32>
        %get3A_44 = arith.index_cast %scan3A_27 : i32 to index
        %get3A_45 = arith.constant 16 : index
        %get3A_46 = tpu.vector_load %arg10[%get3A_44, %get3A_45] {strides = array<i32>} : memref<128x128xf32, #tpu.memory_space<vmem>>, vector<1x16xf32>,
        %get3A_47 = vector.shape_cast %get3A_46 : vector<1x16xf32> to vector<16xf32>
        %mul3A_48 = arith.mulf %get3A_43, %get3A_47 : vector<16xf32>
        %swap3A_49 = arith.index_cast %scan3A_27 : i32 to index
        %swap3A_50 = arith.constant 16 : index
        %swap3A_51 = tpu.vector_load %arg11[%swap3A_49, %swap3A_50] {strides = array<i32>} : memref<128x128xf32, #tpu.memory_space<vmem>>, vector<1x16xf32>,
        %swap3A_52 = vector.shape_cast %swap3A_51 : vector<1x16xf32> to vector<16xf32>
        %swap3A_53 = vector.shape_cast %mul3A_48 : vector<16xf32> to vector<1x16xf32>
        tpu.vector_store %arg11[%swap3A_49, %swap3A_50], %swap3A_53 {strides = array<i32>} : memref<128x128xf32, #tpu.memory_space<vmem>>, vector<1x16xf32>,
        %get3A_54 = arith.index_cast %scan3A_27 : i32 to index
        %get3A_55 = arith.constant 32 : index
        %get3A_56 = tpu.vector_load %arg11[%get3A_54, %get3A_55] {strides = array<i32>} : memref<128x128xf32, #tpu.memory_space<vmem>>, vector<1x16xf32>,
        %get3A_57 = vector.shape_cast %get3A_56 : vector<1x16xf32> to vector<16xf32>
        %get3A_58 = arith.index_cast %scan3A_27 : i32 to index
        %get3A_59 = arith.constant 32 : index
        %get3A_60 = tpu.vector_load %arg10[%get3A_58, %get3A_59] {strides = array<i32>} : memref<128x128xf32, #tpu.memory_space<vmem>>, vector<1x16xf32>,
        %get3A_61 = vector.shape_cast %get3A_60 : vector<1x16xf32> to vector<16xf32>
        %mul3A_62 = arith.mulf %get3A_57, %get3A_61 : vector<16xf32>
        %swap3A_63 = arith.index_cast %scan3A_27 : i32 to index
        %swap3A_64 = arith.constant 32 : index
        %swap3A_65 = tpu.vector_load %arg11[%swap3A_63, %swap3A_64] {strides = array<i32>} : memref<128x128xf32, #tpu.memory_space<vmem>>, vector<1x16xf32>,
        %swap3A_66 = vector.shape_cast %swap3A_65 : vector<1x16xf32> to vector<16xf32>
        %swap3A_67 = vector.shape_cast %mul3A_62 : vector<16xf32> to vector<1x16xf32>
        tpu.vector_store %arg11[%swap3A_63, %swap3A_64], %swap3A_67 {strides = array<i32>} : memref<128x128xf32, #tpu.memory_space<vmem>>, vector<1x16xf32>,
        %get3A_68 = arith.index_cast %scan3A_27 : i32 to index
        %get3A_69 = arith.constant 48 : index
        %get3A_70 = tpu.vector_load %arg11[%get3A_68, %get3A_69] {strides = array<i32>} : memref<128x128xf32, #tpu.memory_space<vmem>>, vector<1x16xf32>,
        %get3A_71 = vector.shape_cast %get3A_70 : vector<1x16xf32> to vector<16xf32>
        %get3A_72 = arith.index_cast %scan3A_27 : i32 to index
        %get3A_73 = arith.constant 48 : index
        %get3A_74 = tpu.vector_load %arg10[%get3A_72, %get3A_73] {strides = array<i32>} : memref<128x128xf32, #tpu.memory_space<vmem>>, vector<1x16xf32>,
        %get3A_75 = vector.shape_cast %get3A_74 : vector<1x16xf32> to vector<16xf32>
        %mul3A_76 = arith.mulf %get3A_71, %get3A_75 : vector<16xf32>
        %swap3A_77 = arith.index_cast %scan3A_27 : i32 to index
        %swap3A_78 = arith.constant 48 : index
        %swap3A_79 = tpu.vector_load %arg11[%swap3A_77, %swap3A_78] {strides = array<i32>} : memref<128x128xf32, #tpu.memory_space<vmem>>, vector<1x16xf32>,
        %swap3A_80 = vector.shape_cast %swap3A_79 : vector<1x16xf32> to vector<16xf32>
        %swap3A_81 = vector.shape_cast %mul3A_76 : vector<16xf32> to vector<1x16xf32>
        tpu.vector_store %arg11[%swap3A_77, %swap3A_78], %swap3A_81 {strides = array<i32>} : memref<128x128xf32, #tpu.memory_space<vmem>>, vector<1x16xf32>,
        %get3A_82 = arith.index_cast %scan3A_27 : i32 to index
        %get3A_83 = arith.constant 64 : index
        %get3A_84 = tpu.vector_load %arg11[%get3A_82, %get3A_83] {strides = array<i32>} : memref<128x128xf32, #tpu.memory_space<vmem>>, vector<1x16xf32>,
        %get3A_85 = vector.shape_cast %get3A_84 : vector<1x16xf32> to vector<16xf32>
        %get3A_86 = arith.index_cast %scan3A_27 : i32 to index
        %get3A_87 = arith.constant 64 : index
        %get3A_88 = tpu.vector_load %arg10[%get3A_86, %get3A_87] {strides = array<i32>} : memref<128x128xf32, #tpu.memory_space<vmem>>, vector<1x16xf32>,
        %get3A_89 = vector.shape_cast %get3A_88 : vector<1x16xf32> to vector<16xf32>
        %mul3A_90 = arith.mulf %get3A_85, %get3A_89 : vector<16xf32>
        %swap3A_91 = arith.index_cast %scan3A_27 : i32 to index
        %swap3A_92 = arith.constant 64 : index
        %swap3A_93 = tpu.vector_load %arg11[%swap3A_91, %swap3A_92] {strides = array<i32>} : memref<128x128xf32, #tpu.memory_space<vmem>>, vector<1x16xf32>,
        %swap3A_94 = vector.shape_cast %swap3A_93 : vector<1x16xf32> to vector<16xf32>
        %swap3A_95 = vector.shape_cast %mul3A_90 : vector<16xf32> to vector<1x16xf32>
        tpu.vector_store %arg11[%swap3A_91, %swap3A_92], %swap3A_95 {strides = array<i32>} : memref<128x128xf32, #tpu.memory_space<vmem>>, vector<1x16xf32>,
        %get3A_96 = arith.index_cast %scan3A_27 : i32 to index
        %get3A_97 = arith.constant 80 : index
        %get3A_98 = tpu.vector_load %arg11[%get3A_96, %get3A_97] {strides = array<i32>} : memref<128x128xf32, #tpu.memory_space<vmem>>, vector<1x16xf32>,
        %get3A_99 = vector.shape_cast %get3A_98 : vector<1x16xf32> to vector<16xf32>
        %get3A_100 = arith.index_cast %scan3A_27 : i32 to index
        %get3A_101 = arith.constant 80 : index
        %get3A_102 = tpu.vector_load %arg10[%get3A_100, %get3A_101] {strides = array<i32>} : memref<128x128xf32, #tpu.memory_space<vmem>>, vector<1x16xf32>,
        %get3A_103 = vector.shape_cast %get3A_102 : vector<1x16xf32> to vector<16xf32>
        %mul3A_104 = arith.mulf %get3A_99, %get3A_103 : vector<16xf32>
        %swap3A_105 = arith.index_cast %scan3A_27 : i32 to index
        %swap3A_106 = arith.constant 80 : index
        %swap3A_107 = tpu.vector_load %arg11[%swap3A_105, %swap3A_106] {strides = array<i32>} : memref<128x128xf32, #tpu.memory_space<vmem>>, vector<1x16xf32>,
        %swap3A_108 = vector.shape_cast %swap3A_107 : vector<1x16xf32> to vector<16xf32>
        %swap3A_109 = vector.shape_cast %mul3A_104 : vector<16xf32> to vector<1x16xf32>
        tpu.vector_store %arg11[%swap3A_105, %swap3A_106], %swap3A_109 {strides = array<i32>} : memref<128x128xf32, #tpu.memory_space<vmem>>, vector<1x16xf32>,
        %get3A_110 = arith.index_cast %scan3A_27 : i32 to index
        %get3A_111 = arith.constant 96 : index
        %get3A_112 = tpu.vector_load %arg11[%get3A_110, %get3A_111] {strides = array<i32>} : memref<128x128xf32, #tpu.memory_space<vmem>>, vector<1x16xf32>,
        %get3A_113 = vector.shape_cast %get3A_112 : vector<1x16xf32> to vector<16xf32>
        %get3A_114 = arith.index_cast %scan3A_27 : i32 to index
        %get3A_115 = arith.constant 96 : index
        %get3A_116 = tpu.vector_load %arg10[%get3A_114, %get3A_115] {strides = array<i32>} : memref<128x128xf32, #tpu.memory_space<vmem>>, vector<1x16xf32>,
        %get3A_117 = vector.shape_cast %get3A_116 : vector<1x16xf32> to vector<16xf32>
        %mul3A_118 = arith.mulf %get3A_113, %get3A_117 : vector<16xf32>
        %swap3A_119 = arith.index_cast %scan3A_27 : i32 to index
        %swap3A_120 = arith.constant 96 : index
        %swap3A_121 = tpu.vector_load %arg11[%swap3A_119, %swap3A_120] {strides = array<i32>} : memref<128x128xf32, #tpu.memory_space<vmem>>, vector<1x16xf32>,
        %swap3A_122 = vector.shape_cast %swap3A_121 : vector<1x16xf32> to vector<16xf32>
        %swap3A_123 = vector.shape_cast %mul3A_118 : vector<16xf32> to vector<1x16xf32>
        tpu.vector_store %arg11[%swap3A_119, %swap3A_120], %swap3A_123 {strides = array<i32>} : memref<128x128xf32, #tpu.memory_space<vmem>>, vector<1x16xf32>,
        %get3A_124 = arith.index_cast %scan3A_27 : i32 to index
        %get3A_125 = arith.constant 112 : index
        %get3A_126 = tpu.vector_load %arg11[%get3A_124, %get3A_125] {strides = array<i32>} : memref<128x128xf32, #tpu.memory_space<vmem>>, vector<1x16xf32>,
        %get3A_127 = vector.shape_cast %get3A_126 : vector<1x16xf32> to vector<16xf32>
        %get3A_128 = arith.index_cast %scan3A_27 : i32 to index
        %get3A_129 = arith.constant 112 : index
        %get3A_130 = tpu.vector_load %arg10[%get3A_128, %get3A_129] {strides = array<i32>} : memref<128x128xf32, #tpu.memory_space<vmem>>, vector<1x16xf32>,
        %get3A_131 = vector.shape_cast %get3A_130 : vector<1x16xf32> to vector<16xf32>
        %mul3A_132 = arith.mulf %get3A_127, %get3A_131 : vector<16xf32>
        %swap3A_133 = arith.index_cast %scan3A_27 : i32 to index
        %swap3A_134 = arith.constant 112 : index
        %swap3A_135 = tpu.vector_load %arg11[%swap3A_133, %swap3A_134] {strides = array<i32>} : memref<128x128xf32, #tpu.memory_space<vmem>>, vector<1x16xf32>,
        %swap3A_136 = vector.shape_cast %swap3A_135 : vector<1x16xf32> to vector<16xf32>
        %swap3A_137 = vector.shape_cast %mul3A_132 : vector<16xf32> to vector<1x16xf32>
        tpu.vector_store %arg11[%swap3A_133, %swap3A_134], %swap3A_137 {strides = array<i32>} : memref<128x128xf32, #tpu.memory_space<vmem>>, vector<1x16xf32>,
      }
      %scan3A_26 = arith.constant 128 : i32
      "tpu.region"() ({
        %run_scoped3A = tpu.sem_alloc : memref<!tpu.dma_semaphore, #tpu.memory_space<semaphore_mem>>
        %dma_start3A_27 = arith.constant 0 : i32
        %dma_start3A_28 = arith.constant 0 : i32
        %dma_start3A_29 = tpu.memref_slice %arg12[%dma_start3A_27, %dma_start3A_28] : memref<10240x128xf32, #tpu.memory_space<vmem_shared>> -> memref<10240x128xf32, #tpu.memory_space<vmem_shared>>
        tpu.enqueue_indirect_dma source(%arg11 : memref<128x128xf32, #tpu.memory_space<vmem>>) target(%dma_start3A_29 : memref<10240x128xf32, #tpu.memory_space<vmem_shared>>) offsets(%arg9 : memref<128xi32, #tpu.memory_space<vmem>>) semaphore(%run_scoped3A : memref<!tpu.dma_semaphore, #tpu.memory_space<semaphore_mem>>) {add = true}
        %dma_wait3A_30 = arith.constant 0 : i32
        %dma_wait3A_31 = arith.constant 0 : i32
        %dma_wait3A_32 = tpu.memref_slice %arg12[%dma_wait3A_30, %dma_wait3A_31] : memref<10240x128xf32, #tpu.memory_space<vmem_shared>> -> memref<10240x128xf32, #tpu.memory_space<vmem_shared>>
        tpu.wait_indirect_dma semaphore(%run_scoped3A : memref<!tpu.dma_semaphore, #tpu.memory_space<semaphore_mem>>) src(%arg11 : memref<128x128xf32, #tpu.memory_space<vmem>>) dst(%dma_wait3A_32 : memref<10240x128xf32, #tpu.memory_space<vmem_shared>>)
        tpu.yield
      }) : () -> ()
    }
    %scan3A_9 = arith.constant 80 : i32
    %barrier3A_10 = arith.constant 0 : index
    tpu.barrier barrier_id(%barrier3A_10)
    %mul3A_11 = arith.constant 640 : i32
    %mul3A_12 = arith.muli %arg1, %mul3A_11 : i32
    "tpu.region"() ({
      %run_scoped3A = tpu.sem_alloc : memref<!tpu.dma_semaphore, #tpu.memory_space<semaphore_mem>>
      %dma_start3A = arith.constant 0 : i32
      %dma_start3A_13 = tpu.memref_slice %arg7[%arg0, %mul3A_12, %dma_start3A] : memref<2x10240x128xf32, #tpu.memory_space<hbm>> -> memref<1x640x128xf32, #tpu.memory_space<hbm>>
      %dma_start3A_14 = tpu.memref_squeeze %dma_start3A_13 : memref<1x640x128xf32, #tpu.memory_space<hbm>> -> memref<640x128xf32, #tpu.memory_space<hbm>>
      %dma_start3A_15 = arith.constant 0 : i32
      %dma_start3A_16 = tpu.memref_slice %arg12[%mul3A_12, %dma_start3A_15] : memref<10240x128xf32, #tpu.memory_space<vmem_shared>> -> memref<640x128xf32, #tpu.memory_space<vmem_shared>>
      tpu.enqueue_dma source(%dma_start3A_16 : memref<640x128xf32, #tpu.memory_space<vmem_shared>>) target(%dma_start3A_14 : memref<640x128xf32, #tpu.memory_space<hbm>>) target_semaphore(%run_scoped3A : memref<!tpu.dma_semaphore, #tpu.memory_space<semaphore_mem>>)
      %dma_wait3A = arith.constant 0 : i32
      %dma_wait3A_17 = tpu.memref_slice %arg7[%arg0, %mul3A_12, %dma_wait3A] : memref<2x10240x128xf32, #tpu.memory_space<hbm>> -> memref<1x640x128xf32, #tpu.memory_space<hbm>>
      %dma_wait3A_18 = tpu.memref_squeeze %dma_wait3A_17 : memref<1x640x128xf32, #tpu.memory_space<hbm>> -> memref<640x128xf32, #tpu.memory_space<hbm>>
      %dma_wait3A_19 = arith.constant 0 : i32
      %dma_wait3A_20 = tpu.memref_slice %arg12[%mul3A_12, %dma_wait3A_19] : memref<10240x128xf32, #tpu.memory_space<vmem_shared>> -> memref<640x128xf32, #tpu.memory_space<vmem_shared>>
      tpu.wait_dma2 semaphore(%run_scoped3A : memref<!tpu.dma_semaphore, #tpu.memory_space<semaphore_mem>>) src(%dma_wait3A_20 : memref<640x128xf32, #tpu.memory_space<vmem_shared>>) dst(%dma_wait3A_18 : memref<640x128xf32, #tpu.memory_space<hbm>>)
      tpu.yield
    }) : () -> ()
    return
  }
}

#map = affine_map<(d0, d1) -> (0, 0)>
#map1 = affine_map<(d0, d1) -> (0)>
#map2 = affine_map<(d0, d1) -> (0, 0, 0)>
module attributes {stable_mosaic.version = 14 : i64} {
  func.func @_cfconv_body(%arg0: i32, %arg1: i32, %arg2: memref<10240x128xf32, #tpu.memory_space<hbm>>, %arg3: memref<327680x128xf32, #tpu.memory_space<hbm>>, %arg4: memref<327680xi32, #tpu.memory_space<hbm>>, %arg5: memref<327680xi32, #tpu.memory_space<hbm>>, %arg6: memref<640x128xf32, #tpu.memory_space<hbm>>, %arg7: memref<2x10240x128xf32, #tpu.memory_space<hbm>>, %arg8: memref<128xi32, #tpu.memory_space<vmem>>, %arg9: memref<128xi32, #tpu.memory_space<vmem>>, %arg10: memref<128x128xf32, #tpu.memory_space<vmem>>, %arg11: memref<128x128xf32, #tpu.memory_space<vmem>>, %arg12: memref<10240x128xf32, #tpu.memory_space<vmem_shared>>, %arg13: memref<!tpu.dma_semaphore, #tpu.memory_space<semaphore_mem>>) attributes {dimension_semantics = [#tpu.dimension_semantics<core_parallel>, #tpu.dimension_semantics<subcore_parallel>], iteration_bounds = array<i64: 2, 16>, scalar_prefetch = 0 : i64, scratch_operands = 6 : i64, tpu.core_type = #tpu.core_type<sc_vector_subcore>, window_params = [{transform_indices = #map}, {transform_indices = #map}, {transform_indices = #map1}, {transform_indices = #map1}, {transform_indices = #map}, {transform_indices = #map2}]} {
    %mul3A = arith.constant 640 : i32
    %mul3A_0 = arith.muli %arg1, %mul3A : i32
    "tpu.region"() ({
      %run_scoped3A = tpu.sem_alloc : memref<!tpu.dma_semaphore, #tpu.memory_space<semaphore_mem>>
      %dma_start3A = arith.constant 0 : i32
      %dma_start3A_13 = tpu.memref_slice %arg12[%mul3A_0, %dma_start3A] : memref<10240x128xf32, #tpu.memory_space<vmem_shared>> -> memref<640x128xf32, #tpu.memory_space<vmem_shared>>
      tpu.enqueue_dma source(%arg6 : memref<640x128xf32, #tpu.memory_space<hbm>>) target(%dma_start3A_13 : memref<640x128xf32, #tpu.memory_space<vmem_shared>>) target_semaphore(%run_scoped3A : memref<!tpu.dma_semaphore, #tpu.memory_space<semaphore_mem>>)
      %dma_wait3A = arith.constant 0 : i32
      %dma_wait3A_14 = tpu.memref_slice %arg12[%mul3A_0, %dma_wait3A] : memref<10240x128xf32, #tpu.memory_space<vmem_shared>> -> memref<640x128xf32, #tpu.memory_space<vmem_shared>>
      tpu.wait_dma2 semaphore(%run_scoped3A : memref<!tpu.dma_semaphore, #tpu.memory_space<semaphore_mem>>) src(%arg6 : memref<640x128xf32, #tpu.memory_space<hbm>>) dst(%dma_wait3A_14 : memref<640x128xf32, #tpu.memory_space<vmem_shared>>)
      tpu.yield
    }) : () -> ()
    %barrier3A = arith.constant 0 : index
    tpu.barrier barrier_id(%barrier3A)
    %mul3A_1 = arith.constant 2 : i32
    %mul3A_2 = arith.muli %arg1, %mul3A_1 : i32
    %add3A = arith.addi %mul3A_2, %arg0 : i32
    %mul3A_3 = arith.constant 10240 : i32
    %mul3A_4 = arith.muli %add3A, %mul3A_3 : i32
    %scan3A = arith.constant 0 : i32
    %scan3A_5 = arith.constant 0 : i32
    %scan3A_6 = arith.constant 80 : i32
    %scan3A_7 = arith.addi %scan3A_5, %scan3A_6 : i32
    %scan3A_8 = arith.constant 1 : i32
    scf.for %scan3A_13 = %scan3A_5 to %scan3A_7 step %scan3A_8  : i32 {
      %mul3A_14 = arith.constant 128 : i32
      %mul3A_15 = arith.muli %scan3A_13, %mul3A_14 : i32
      %add3A_16 = arith.addi %mul3A_4, %mul3A_15 : i32
      "tpu.region"() ({
        %run_scoped3A = tpu.sem_alloc : memref<!tpu.dma_semaphore, #tpu.memory_space<semaphore_mem>>
        %dma_start3A_27 = tpu.memref_slice %arg4[%add3A_16] : memref<327680xi32, #tpu.memory_space<hbm>> -> memref<128xi32, #tpu.memory_space<hbm>>
        %dma_start3A_28 = tpu.memref_slice %arg4[%add3A_16] : memref<327680xi32, #tpu.memory_space<hbm>> -> memref<128xi32, #tpu.memory_space<hbm>>
        tpu.enqueue_dma source(%dma_start3A_28 : memref<128xi32, #tpu.memory_space<hbm>>) target(%arg8 : memref<128xi32, #tpu.memory_space<vmem>>) target_semaphore(%run_scoped3A : memref<!tpu.dma_semaphore, #tpu.memory_space<semaphore_mem>>)
        %dma_wait3A_29 = tpu.memref_slice %arg4[%add3A_16] : memref<327680xi32, #tpu.memory_space<hbm>> -> memref<128xi32, #tpu.memory_space<hbm>>
        %dma_wait3A_30 = tpu.memref_slice %arg4[%add3A_16] : memref<327680xi32, #tpu.memory_space<hbm>> -> memref<128xi32, #tpu.memory_space<hbm>>
        tpu.wait_dma2 semaphore(%run_scoped3A : memref<!tpu.dma_semaphore, #tpu.memory_space<semaphore_mem>>) src(%dma_wait3A_30 : memref<128xi32, #tpu.memory_space<hbm>>) dst(%arg8 : memref<128xi32, #tpu.memory_space<vmem>>)
        tpu.yield
      }) : () -> ()
      "tpu.region"() ({
        %run_scoped3A = tpu.sem_alloc : memref<!tpu.dma_semaphore, #tpu.memory_space<semaphore_mem>>
        %dma_start3A_27 = tpu.memref_slice %arg5[%add3A_16] : memref<327680xi32, #tpu.memory_space<hbm>> -> memref<128xi32, #tpu.memory_space<hbm>>
        %dma_start3A_28 = tpu.memref_slice %arg5[%add3A_16] : memref<327680xi32, #tpu.memory_space<hbm>> -> memref<128xi32, #tpu.memory_space<hbm>>
        tpu.enqueue_dma source(%dma_start3A_28 : memref<128xi32, #tpu.memory_space<hbm>>) target(%arg9 : memref<128xi32, #tpu.memory_space<vmem>>) target_semaphore(%run_scoped3A : memref<!tpu.dma_semaphore, #tpu.memory_space<semaphore_mem>>)
        %dma_wait3A_29 = tpu.memref_slice %arg5[%add3A_16] : memref<327680xi32, #tpu.memory_space<hbm>> -> memref<128xi32, #tpu.memory_space<hbm>>
        %dma_wait3A_30 = tpu.memref_slice %arg5[%add3A_16] : memref<327680xi32, #tpu.memory_space<hbm>> -> memref<128xi32, #tpu.memory_space<hbm>>
        tpu.wait_dma2 semaphore(%run_scoped3A : memref<!tpu.dma_semaphore, #tpu.memory_space<semaphore_mem>>) src(%dma_wait3A_30 : memref<128xi32, #tpu.memory_space<hbm>>) dst(%arg9 : memref<128xi32, #tpu.memory_space<vmem>>)
        tpu.yield
      }) : () -> ()
      "tpu.region"() ({
        %run_scoped3A = tpu.sem_alloc : memref<!tpu.dma_semaphore, #tpu.memory_space<semaphore_mem>>
        %dma_start3A_27 = arith.constant 0 : i32
        %dma_start3A_28 = tpu.memref_slice %arg3[%add3A_16, %dma_start3A_27] : memref<327680x128xf32, #tpu.memory_space<hbm>> -> memref<128x128xf32, #tpu.memory_space<hbm>>
        %dma_start3A_29 = arith.constant 0 : i32
        %dma_start3A_30 = tpu.memref_slice %arg3[%add3A_16, %dma_start3A_29] : memref<327680x128xf32, #tpu.memory_space<hbm>> -> memref<128x128xf32, #tpu.memory_space<hbm>>
        tpu.enqueue_dma source(%dma_start3A_30 : memref<128x128xf32, #tpu.memory_space<hbm>>) target(%arg10 : memref<128x128xf32, #tpu.memory_space<vmem>>) target_semaphore(%run_scoped3A : memref<!tpu.dma_semaphore, #tpu.memory_space<semaphore_mem>>)
        %dma_wait3A_31 = arith.constant 0 : i32
        %dma_wait3A_32 = tpu.memref_slice %arg3[%add3A_16, %dma_wait3A_31] : memref<327680x128xf32, #tpu.memory_space<hbm>> -> memref<128x128xf32, #tpu.memory_space<hbm>>
        %dma_wait3A_33 = arith.constant 0 : i32
        %dma_wait3A_34 = tpu.memref_slice %arg3[%add3A_16, %dma_wait3A_33] : memref<327680x128xf32, #tpu.memory_space<hbm>> -> memref<128x128xf32, #tpu.memory_space<hbm>>
        tpu.wait_dma2 semaphore(%run_scoped3A : memref<!tpu.dma_semaphore, #tpu.memory_space<semaphore_mem>>) src(%dma_wait3A_34 : memref<128x128xf32, #tpu.memory_space<hbm>>) dst(%arg10 : memref<128x128xf32, #tpu.memory_space<vmem>>)
        tpu.yield
      }) : () -> ()
      %dma_start3A = arith.constant 0 : i32
      %dma_start3A_17 = arith.constant 0 : i32
      %dma_start3A_18 = tpu.memref_slice %arg2[%dma_start3A, %dma_start3A_17] : memref<10240x128xf32, #tpu.memory_space<hbm>> -> memref<10240x128xf32, #tpu.memory_space<hbm>>
      tpu.enqueue_indirect_dma source(%dma_start3A_18 : memref<10240x128xf32, #tpu.memory_space<hbm>>) target(%arg11 : memref<128x128xf32, #tpu.memory_space<vmem>>) offsets(%arg8 : memref<128xi32, #tpu.memory_space<vmem>>) semaphore(%arg13 : memref<!tpu.dma_semaphore, #tpu.memory_space<semaphore_mem>>)
      %dma_wait3A = arith.constant 0 : i32
      %dma_wait3A_19 = arith.constant 0 : i32
      %dma_wait3A_20 = tpu.memref_slice %arg2[%dma_wait3A, %dma_wait3A_19] : memref<10240x128xf32, #tpu.memory_space<hbm>> -> memref<10240x128xf32, #tpu.memory_space<hbm>>
      tpu.wait_indirect_dma semaphore(%arg13 : memref<!tpu.dma_semaphore, #tpu.memory_space<semaphore_mem>>) src(%dma_wait3A_20 : memref<10240x128xf32, #tpu.memory_space<hbm>>) dst(%arg11 : memref<128x128xf32, #tpu.memory_space<vmem>>)
      %scan3A_21 = arith.constant 0 : i32
      %scan3A_22 = arith.constant 0 : i32
      %scan3A_23 = arith.constant 128 : i32
      %scan3A_24 = arith.addi %scan3A_22, %scan3A_23 : i32
      %scan3A_25 = arith.constant 1 : i32
      scf.for %scan3A_27 = %scan3A_22 to %scan3A_24 step %scan3A_25  : i32 {
        %get3A = arith.index_cast %scan3A_27 : i32 to index
        %get3A_28 = arith.constant 0 : index
        %get3A_29 = tpu.vector_load %arg11[%get3A, %get3A_28] {strides = array<i32>} : memref<128x128xf32, #tpu.memory_space<vmem>>, vector<1x16xf32>,
        %get3A_30 = vector.shape_cast %get3A_29 : vector<1x16xf32> to vector<16xf32>
        %get3A_31 = arith.index_cast %scan3A_27 : i32 to index
        %get3A_32 = arith.constant 0 : index
        %get3A_33 = tpu.vector_load %arg10[%get3A_31, %get3A_32] {strides = array<i32>} : memref<128x128xf32, #tpu.memory_space<vmem>>, vector<1x16xf32>,
        %get3A_34 = vector.shape_cast %get3A_33 : vector<1x16xf32> to vector<16xf32>
        %mul3A_35 = arith.mulf %get3A_30, %get3A_34 : vector<16xf32>
        %swap3A = arith.index_cast %scan3A_27 : i32 to index
        %swap3A_36 = arith.constant 0 : index
        %swap3A_37 = tpu.vector_load %arg11[%swap3A, %swap3A_36] {strides = array<i32>} : memref<128x128xf32, #tpu.memory_space<vmem>>, vector<1x16xf32>,
        %swap3A_38 = vector.shape_cast %swap3A_37 : vector<1x16xf32> to vector<16xf32>
        %swap3A_39 = vector.shape_cast %mul3A_35 : vector<16xf32> to vector<1x16xf32>
        tpu.vector_store %arg11[%swap3A, %swap3A_36], %swap3A_39 {strides = array<i32>} : memref<128x128xf32, #tpu.memory_space<vmem>>, vector<1x16xf32>,
        %get3A_40 = arith.index_cast %scan3A_27 : i32 to index
        %get3A_41 = arith.constant 16 : index
        %get3A_42 = tpu.vector_load %arg11[%get3A_40, %get3A_41] {strides = array<i32>} : memref<128x128xf32, #tpu.memory_space<vmem>>, vector<1x16xf32>,
        %get3A_43 = vector.shape_cast %get3A_42 : vector<1x16xf32> to vector<16xf32>
        %get3A_44 = arith.index_cast %scan3A_27 : i32 to index
        %get3A_45 = arith.constant 16 : index
        %get3A_46 = tpu.vector_load %arg10[%get3A_44, %get3A_45] {strides = array<i32>} : memref<128x128xf32, #tpu.memory_space<vmem>>, vector<1x16xf32>,
        %get3A_47 = vector.shape_cast %get3A_46 : vector<1x16xf32> to vector<16xf32>
        %mul3A_48 = arith.mulf %get3A_43, %get3A_47 : vector<16xf32>
        %swap3A_49 = arith.index_cast %scan3A_27 : i32 to index
        %swap3A_50 = arith.constant 16 : index
        %swap3A_51 = tpu.vector_load %arg11[%swap3A_49, %swap3A_50] {strides = array<i32>} : memref<128x128xf32, #tpu.memory_space<vmem>>, vector<1x16xf32>,
        %swap3A_52 = vector.shape_cast %swap3A_51 : vector<1x16xf32> to vector<16xf32>
        %swap3A_53 = vector.shape_cast %mul3A_48 : vector<16xf32> to vector<1x16xf32>
        tpu.vector_store %arg11[%swap3A_49, %swap3A_50], %swap3A_53 {strides = array<i32>} : memref<128x128xf32, #tpu.memory_space<vmem>>, vector<1x16xf32>,
        %get3A_54 = arith.index_cast %scan3A_27 : i32 to index
        %get3A_55 = arith.constant 32 : index
        %get3A_56 = tpu.vector_load %arg11[%get3A_54, %get3A_55] {strides = array<i32>} : memref<128x128xf32, #tpu.memory_space<vmem>>, vector<1x16xf32>,
        %get3A_57 = vector.shape_cast %get3A_56 : vector<1x16xf32> to vector<16xf32>
        %get3A_58 = arith.index_cast %scan3A_27 : i32 to index
        %get3A_59 = arith.constant 32 : index
        %get3A_60 = tpu.vector_load %arg10[%get3A_58, %get3A_59] {strides = array<i32>} : memref<128x128xf32, #tpu.memory_space<vmem>>, vector<1x16xf32>,
        %get3A_61 = vector.shape_cast %get3A_60 : vector<1x16xf32> to vector<16xf32>
        %mul3A_62 = arith.mulf %get3A_57, %get3A_61 : vector<16xf32>
        %swap3A_63 = arith.index_cast %scan3A_27 : i32 to index
        %swap3A_64 = arith.constant 32 : index
        %swap3A_65 = tpu.vector_load %arg11[%swap3A_63, %swap3A_64] {strides = array<i32>} : memref<128x128xf32, #tpu.memory_space<vmem>>, vector<1x16xf32>,
        %swap3A_66 = vector.shape_cast %swap3A_65 : vector<1x16xf32> to vector<16xf32>
        %swap3A_67 = vector.shape_cast %mul3A_62 : vector<16xf32> to vector<1x16xf32>
        tpu.vector_store %arg11[%swap3A_63, %swap3A_64], %swap3A_67 {strides = array<i32>} : memref<128x128xf32, #tpu.memory_space<vmem>>, vector<1x16xf32>,
        %get3A_68 = arith.index_cast %scan3A_27 : i32 to index
        %get3A_69 = arith.constant 48 : index
        %get3A_70 = tpu.vector_load %arg11[%get3A_68, %get3A_69] {strides = array<i32>} : memref<128x128xf32, #tpu.memory_space<vmem>>, vector<1x16xf32>,
        %get3A_71 = vector.shape_cast %get3A_70 : vector<1x16xf32> to vector<16xf32>
        %get3A_72 = arith.index_cast %scan3A_27 : i32 to index
        %get3A_73 = arith.constant 48 : index
        %get3A_74 = tpu.vector_load %arg10[%get3A_72, %get3A_73] {strides = array<i32>} : memref<128x128xf32, #tpu.memory_space<vmem>>, vector<1x16xf32>,
        %get3A_75 = vector.shape_cast %get3A_74 : vector<1x16xf32> to vector<16xf32>
        %mul3A_76 = arith.mulf %get3A_71, %get3A_75 : vector<16xf32>
        %swap3A_77 = arith.index_cast %scan3A_27 : i32 to index
        %swap3A_78 = arith.constant 48 : index
        %swap3A_79 = tpu.vector_load %arg11[%swap3A_77, %swap3A_78] {strides = array<i32>} : memref<128x128xf32, #tpu.memory_space<vmem>>, vector<1x16xf32>,
        %swap3A_80 = vector.shape_cast %swap3A_79 : vector<1x16xf32> to vector<16xf32>
        %swap3A_81 = vector.shape_cast %mul3A_76 : vector<16xf32> to vector<1x16xf32>
        tpu.vector_store %arg11[%swap3A_77, %swap3A_78], %swap3A_81 {strides = array<i32>} : memref<128x128xf32, #tpu.memory_space<vmem>>, vector<1x16xf32>,
        %get3A_82 = arith.index_cast %scan3A_27 : i32 to index
        %get3A_83 = arith.constant 64 : index
        %get3A_84 = tpu.vector_load %arg11[%get3A_82, %get3A_83] {strides = array<i32>} : memref<128x128xf32, #tpu.memory_space<vmem>>, vector<1x16xf32>,
        %get3A_85 = vector.shape_cast %get3A_84 : vector<1x16xf32> to vector<16xf32>
        %get3A_86 = arith.index_cast %scan3A_27 : i32 to index
        %get3A_87 = arith.constant 64 : index
        %get3A_88 = tpu.vector_load %arg10[%get3A_86, %get3A_87] {strides = array<i32>} : memref<128x128xf32, #tpu.memory_space<vmem>>, vector<1x16xf32>,
        %get3A_89 = vector.shape_cast %get3A_88 : vector<1x16xf32> to vector<16xf32>
        %mul3A_90 = arith.mulf %get3A_85, %get3A_89 : vector<16xf32>
        %swap3A_91 = arith.index_cast %scan3A_27 : i32 to index
        %swap3A_92 = arith.constant 64 : index
        %swap3A_93 = tpu.vector_load %arg11[%swap3A_91, %swap3A_92] {strides = array<i32>} : memref<128x128xf32, #tpu.memory_space<vmem>>, vector<1x16xf32>,
        %swap3A_94 = vector.shape_cast %swap3A_93 : vector<1x16xf32> to vector<16xf32>
        %swap3A_95 = vector.shape_cast %mul3A_90 : vector<16xf32> to vector<1x16xf32>
        tpu.vector_store %arg11[%swap3A_91, %swap3A_92], %swap3A_95 {strides = array<i32>} : memref<128x128xf32, #tpu.memory_space<vmem>>, vector<1x16xf32>,
        %get3A_96 = arith.index_cast %scan3A_27 : i32 to index
        %get3A_97 = arith.constant 80 : index
        %get3A_98 = tpu.vector_load %arg11[%get3A_96, %get3A_97] {strides = array<i32>} : memref<128x128xf32, #tpu.memory_space<vmem>>, vector<1x16xf32>,
        %get3A_99 = vector.shape_cast %get3A_98 : vector<1x16xf32> to vector<16xf32>
        %get3A_100 = arith.index_cast %scan3A_27 : i32 to index
        %get3A_101 = arith.constant 80 : index
        %get3A_102 = tpu.vector_load %arg10[%get3A_100, %get3A_101] {strides = array<i32>} : memref<128x128xf32, #tpu.memory_space<vmem>>, vector<1x16xf32>,
        %get3A_103 = vector.shape_cast %get3A_102 : vector<1x16xf32> to vector<16xf32>
        %mul3A_104 = arith.mulf %get3A_99, %get3A_103 : vector<16xf32>
        %swap3A_105 = arith.index_cast %scan3A_27 : i32 to index
        %swap3A_106 = arith.constant 80 : index
        %swap3A_107 = tpu.vector_load %arg11[%swap3A_105, %swap3A_106] {strides = array<i32>} : memref<128x128xf32, #tpu.memory_space<vmem>>, vector<1x16xf32>,
        %swap3A_108 = vector.shape_cast %swap3A_107 : vector<1x16xf32> to vector<16xf32>
        %swap3A_109 = vector.shape_cast %mul3A_104 : vector<16xf32> to vector<1x16xf32>
        tpu.vector_store %arg11[%swap3A_105, %swap3A_106], %swap3A_109 {strides = array<i32>} : memref<128x128xf32, #tpu.memory_space<vmem>>, vector<1x16xf32>,
        %get3A_110 = arith.index_cast %scan3A_27 : i32 to index
        %get3A_111 = arith.constant 96 : index
        %get3A_112 = tpu.vector_load %arg11[%get3A_110, %get3A_111] {strides = array<i32>} : memref<128x128xf32, #tpu.memory_space<vmem>>, vector<1x16xf32>,
        %get3A_113 = vector.shape_cast %get3A_112 : vector<1x16xf32> to vector<16xf32>
        %get3A_114 = arith.index_cast %scan3A_27 : i32 to index
        %get3A_115 = arith.constant 96 : index
        %get3A_116 = tpu.vector_load %arg10[%get3A_114, %get3A_115] {strides = array<i32>} : memref<128x128xf32, #tpu.memory_space<vmem>>, vector<1x16xf32>,
        %get3A_117 = vector.shape_cast %get3A_116 : vector<1x16xf32> to vector<16xf32>
        %mul3A_118 = arith.mulf %get3A_113, %get3A_117 : vector<16xf32>
        %swap3A_119 = arith.index_cast %scan3A_27 : i32 to index
        %swap3A_120 = arith.constant 96 : index
        %swap3A_121 = tpu.vector_load %arg11[%swap3A_119, %swap3A_120] {strides = array<i32>} : memref<128x128xf32, #tpu.memory_space<vmem>>, vector<1x16xf32>,
        %swap3A_122 = vector.shape_cast %swap3A_121 : vector<1x16xf32> to vector<16xf32>
        %swap3A_123 = vector.shape_cast %mul3A_118 : vector<16xf32> to vector<1x16xf32>
        tpu.vector_store %arg11[%swap3A_119, %swap3A_120], %swap3A_123 {strides = array<i32>} : memref<128x128xf32, #tpu.memory_space<vmem>>, vector<1x16xf32>,
        %get3A_124 = arith.index_cast %scan3A_27 : i32 to index
        %get3A_125 = arith.constant 112 : index
        %get3A_126 = tpu.vector_load %arg11[%get3A_124, %get3A_125] {strides = array<i32>} : memref<128x128xf32, #tpu.memory_space<vmem>>, vector<1x16xf32>,
        %get3A_127 = vector.shape_cast %get3A_126 : vector<1x16xf32> to vector<16xf32>
        %get3A_128 = arith.index_cast %scan3A_27 : i32 to index
        %get3A_129 = arith.constant 112 : index
        %get3A_130 = tpu.vector_load %arg10[%get3A_128, %get3A_129] {strides = array<i32>} : memref<128x128xf32, #tpu.memory_space<vmem>>, vector<1x16xf32>,
        %get3A_131 = vector.shape_cast %get3A_130 : vector<1x16xf32> to vector<16xf32>
        %mul3A_132 = arith.mulf %get3A_127, %get3A_131 : vector<16xf32>
        %swap3A_133 = arith.index_cast %scan3A_27 : i32 to index
        %swap3A_134 = arith.constant 112 : index
        %swap3A_135 = tpu.vector_load %arg11[%swap3A_133, %swap3A_134] {strides = array<i32>} : memref<128x128xf32, #tpu.memory_space<vmem>>, vector<1x16xf32>,
        %swap3A_136 = vector.shape_cast %swap3A_135 : vector<1x16xf32> to vector<16xf32>
        %swap3A_137 = vector.shape_cast %mul3A_132 : vector<16xf32> to vector<1x16xf32>
        tpu.vector_store %arg11[%swap3A_133, %swap3A_134], %swap3A_137 {strides = array<i32>} : memref<128x128xf32, #tpu.memory_space<vmem>>, vector<1x16xf32>,
      }
      %scan3A_26 = arith.constant 128 : i32
      "tpu.region"() ({
        %run_scoped3A = tpu.sem_alloc : memref<!tpu.dma_semaphore, #tpu.memory_space<semaphore_mem>>
        %dma_start3A_27 = arith.constant 0 : i32
        %dma_start3A_28 = arith.constant 0 : i32
        %dma_start3A_29 = tpu.memref_slice %arg12[%dma_start3A_27, %dma_start3A_28] : memref<10240x128xf32, #tpu.memory_space<vmem_shared>> -> memref<10240x128xf32, #tpu.memory_space<vmem_shared>>
        tpu.enqueue_indirect_dma source(%arg11 : memref<128x128xf32, #tpu.memory_space<vmem>>) target(%dma_start3A_29 : memref<10240x128xf32, #tpu.memory_space<vmem_shared>>) offsets(%arg9 : memref<128xi32, #tpu.memory_space<vmem>>) semaphore(%run_scoped3A : memref<!tpu.dma_semaphore, #tpu.memory_space<semaphore_mem>>) {add = true}
        %dma_wait3A_30 = arith.constant 0 : i32
        %dma_wait3A_31 = arith.constant 0 : i32
        %dma_wait3A_32 = tpu.memref_slice %arg12[%dma_wait3A_30, %dma_wait3A_31] : memref<10240x128xf32, #tpu.memory_space<vmem_shared>> -> memref<10240x128xf32, #tpu.memory_space<vmem_shared>>
        tpu.wait_indirect_dma semaphore(%run_scoped3A : memref<!tpu.dma_semaphore, #tpu.memory_space<semaphore_mem>>) src(%arg11 : memref<128x128xf32, #tpu.memory_space<vmem>>) dst(%dma_wait3A_32 : memref<10240x128xf32, #tpu.memory_space<vmem_shared>>)
        tpu.yield
      }) : () -> ()
    }
    %scan3A_9 = arith.constant 80 : i32
    %barrier3A_10 = arith.constant 0 : index
    tpu.barrier barrier_id(%barrier3A_10)
    %mul3A_11 = arith.constant 640 : i32
    %mul3A_12 = arith.muli %arg1, %mul3A_11 : i32
    "tpu.region"() ({
      %run_scoped3A = tpu.sem_alloc : memref<!tpu.dma_semaphore, #tpu.memory_space<semaphore_mem>>
      %dma_start3A = arith.constant 0 : i32
      %dma_start3A_13 = tpu.memref_slice %arg7[%arg0, %mul3A_12, %dma_start3A] : memref<2x10240x128xf32, #tpu.memory_space<hbm>> -> memref<1x640x128xf32, #tpu.memory_space<hbm>>
      %dma_start3A_14 = tpu.memref_squeeze %dma_start3A_13 : memref<1x640x128xf32, #tpu.memory_space<hbm>> -> memref<640x128xf32, #tpu.memory_space<hbm>>
      %dma_start3A_15 = arith.constant 0 : i32
      %dma_start3A_16 = tpu.memref_slice %arg12[%mul3A_12, %dma_start3A_15] : memref<10240x128xf32, #tpu.memory_space<vmem_shared>> -> memref<640x128xf32, #tpu.memory_space<vmem_shared>>
      tpu.enqueue_dma source(%dma_start3A_16 : memref<640x128xf32, #tpu.memory_space<vmem_shared>>) target(%dma_start3A_14 : memref<640x128xf32, #tpu.memory_space<hbm>>) target_semaphore(%run_scoped3A : memref<!tpu.dma_semaphore, #tpu.memory_space<semaphore_mem>>)
      %dma_wait3A = arith.constant 0 : i32
      %dma_wait3A_17 = tpu.memref_slice %arg7[%arg0, %mul3A_12, %dma_wait3A] : memref<2x10240x128xf32, #tpu.memory_space<hbm>> -> memref<1x640x128xf32, #tpu.memory_space<hbm>>
      %dma_wait3A_18 = tpu.memref_squeeze %dma_wait3A_17 : memref<1x640x128xf32, #tpu.memory_space<hbm>> -> memref<640x128xf32, #tpu.memory_space<hbm>>
      %dma_wait3A_19 = arith.constant 0 : i32
      %dma_wait3A_20 = tpu.memref_slice %arg12[%mul3A_12, %dma_wait3A_19] : memref<10240x128xf32, #tpu.memory_space<vmem_shared>> -> memref<640x128xf32, #tpu.memory_space<vmem_shared>>
      tpu.wait_dma2 semaphore(%run_scoped3A : memref<!tpu.dma_semaphore, #tpu.memory_space<semaphore_mem>>) src(%dma_wait3A_20 : memref<640x128xf32, #tpu.memory_space<vmem_shared>>) dst(%dma_wait3A_18 : memref<640x128xf32, #tpu.memory_space<hbm>>)
      tpu.yield
    }) : () -> ()
    return
  }
}

#map = affine_map<(d0, d1) -> (0, 0)>
#map1 = affine_map<(d0, d1) -> (0)>
#map2 = affine_map<(d0, d1) -> (0, 0, 0)>
module attributes {stable_mosaic.version = 14 : i64} {
  func.func @_cfconv_body(%arg0: i32, %arg1: i32, %arg2: memref<10240x128xf32, #tpu.memory_space<hbm>>, %arg3: memref<327680x128xf32, #tpu.memory_space<hbm>>, %arg4: memref<327680xi32, #tpu.memory_space<hbm>>, %arg5: memref<327680xi32, #tpu.memory_space<hbm>>, %arg6: memref<640x128xf32, #tpu.memory_space<hbm>>, %arg7: memref<2x10240x128xf32, #tpu.memory_space<hbm>>, %arg8: memref<128xi32, #tpu.memory_space<vmem>>, %arg9: memref<128xi32, #tpu.memory_space<vmem>>, %arg10: memref<128x128xf32, #tpu.memory_space<vmem>>, %arg11: memref<128x128xf32, #tpu.memory_space<vmem>>, %arg12: memref<10240x128xf32, #tpu.memory_space<vmem_shared>>, %arg13: memref<!tpu.dma_semaphore, #tpu.memory_space<semaphore_mem>>) attributes {dimension_semantics = [#tpu.dimension_semantics<core_parallel>, #tpu.dimension_semantics<subcore_parallel>], iteration_bounds = array<i64: 2, 16>, scalar_prefetch = 0 : i64, scratch_operands = 6 : i64, tpu.core_type = #tpu.core_type<sc_vector_subcore>, window_params = [{transform_indices = #map}, {transform_indices = #map}, {transform_indices = #map1}, {transform_indices = #map1}, {transform_indices = #map}, {transform_indices = #map2}]} {
    %mul3A = arith.constant 640 : i32
    %mul3A_0 = arith.muli %arg1, %mul3A : i32
    "tpu.region"() ({
      %run_scoped3A = tpu.sem_alloc : memref<!tpu.dma_semaphore, #tpu.memory_space<semaphore_mem>>
      %dma_start3A = arith.constant 0 : i32
      %dma_start3A_13 = tpu.memref_slice %arg12[%mul3A_0, %dma_start3A] : memref<10240x128xf32, #tpu.memory_space<vmem_shared>> -> memref<640x128xf32, #tpu.memory_space<vmem_shared>>
      tpu.enqueue_dma source(%arg6 : memref<640x128xf32, #tpu.memory_space<hbm>>) target(%dma_start3A_13 : memref<640x128xf32, #tpu.memory_space<vmem_shared>>) target_semaphore(%run_scoped3A : memref<!tpu.dma_semaphore, #tpu.memory_space<semaphore_mem>>)
      %dma_wait3A = arith.constant 0 : i32
      %dma_wait3A_14 = tpu.memref_slice %arg12[%mul3A_0, %dma_wait3A] : memref<10240x128xf32, #tpu.memory_space<vmem_shared>> -> memref<640x128xf32, #tpu.memory_space<vmem_shared>>
      tpu.wait_dma2 semaphore(%run_scoped3A : memref<!tpu.dma_semaphore, #tpu.memory_space<semaphore_mem>>) src(%arg6 : memref<640x128xf32, #tpu.memory_space<hbm>>) dst(%dma_wait3A_14 : memref<640x128xf32, #tpu.memory_space<vmem_shared>>)
      tpu.yield
    }) : () -> ()
    %barrier3A = arith.constant 0 : index
    tpu.barrier barrier_id(%barrier3A)
    %mul3A_1 = arith.constant 2 : i32
    %mul3A_2 = arith.muli %arg1, %mul3A_1 : i32
    %add3A = arith.addi %mul3A_2, %arg0 : i32
    %mul3A_3 = arith.constant 10240 : i32
    %mul3A_4 = arith.muli %add3A, %mul3A_3 : i32
    %scan3A = arith.constant 0 : i32
    %scan3A_5 = arith.constant 0 : i32
    %scan3A_6 = arith.constant 80 : i32
    %scan3A_7 = arith.addi %scan3A_5, %scan3A_6 : i32
    %scan3A_8 = arith.constant 1 : i32
    scf.for %scan3A_13 = %scan3A_5 to %scan3A_7 step %scan3A_8  : i32 {
      %mul3A_14 = arith.constant 128 : i32
      %mul3A_15 = arith.muli %scan3A_13, %mul3A_14 : i32
      %add3A_16 = arith.addi %mul3A_4, %mul3A_15 : i32
      "tpu.region"() ({
        %run_scoped3A = tpu.sem_alloc : memref<!tpu.dma_semaphore, #tpu.memory_space<semaphore_mem>>
        %dma_start3A_27 = tpu.memref_slice %arg4[%add3A_16] : memref<327680xi32, #tpu.memory_space<hbm>> -> memref<128xi32, #tpu.memory_space<hbm>>
        %dma_start3A_28 = tpu.memref_slice %arg4[%add3A_16] : memref<327680xi32, #tpu.memory_space<hbm>> -> memref<128xi32, #tpu.memory_space<hbm>>
        tpu.enqueue_dma source(%dma_start3A_28 : memref<128xi32, #tpu.memory_space<hbm>>) target(%arg8 : memref<128xi32, #tpu.memory_space<vmem>>) target_semaphore(%run_scoped3A : memref<!tpu.dma_semaphore, #tpu.memory_space<semaphore_mem>>)
        %dma_wait3A_29 = tpu.memref_slice %arg4[%add3A_16] : memref<327680xi32, #tpu.memory_space<hbm>> -> memref<128xi32, #tpu.memory_space<hbm>>
        %dma_wait3A_30 = tpu.memref_slice %arg4[%add3A_16] : memref<327680xi32, #tpu.memory_space<hbm>> -> memref<128xi32, #tpu.memory_space<hbm>>
        tpu.wait_dma2 semaphore(%run_scoped3A : memref<!tpu.dma_semaphore, #tpu.memory_space<semaphore_mem>>) src(%dma_wait3A_30 : memref<128xi32, #tpu.memory_space<hbm>>) dst(%arg8 : memref<128xi32, #tpu.memory_space<vmem>>)
        tpu.yield
      }) : () -> ()
      "tpu.region"() ({
        %run_scoped3A = tpu.sem_alloc : memref<!tpu.dma_semaphore, #tpu.memory_space<semaphore_mem>>
        %dma_start3A_27 = tpu.memref_slice %arg5[%add3A_16] : memref<327680xi32, #tpu.memory_space<hbm>> -> memref<128xi32, #tpu.memory_space<hbm>>
        %dma_start3A_28 = tpu.memref_slice %arg5[%add3A_16] : memref<327680xi32, #tpu.memory_space<hbm>> -> memref<128xi32, #tpu.memory_space<hbm>>
        tpu.enqueue_dma source(%dma_start3A_28 : memref<128xi32, #tpu.memory_space<hbm>>) target(%arg9 : memref<128xi32, #tpu.memory_space<vmem>>) target_semaphore(%run_scoped3A : memref<!tpu.dma_semaphore, #tpu.memory_space<semaphore_mem>>)
        %dma_wait3A_29 = tpu.memref_slice %arg5[%add3A_16] : memref<327680xi32, #tpu.memory_space<hbm>> -> memref<128xi32, #tpu.memory_space<hbm>>
        %dma_wait3A_30 = tpu.memref_slice %arg5[%add3A_16] : memref<327680xi32, #tpu.memory_space<hbm>> -> memref<128xi32, #tpu.memory_space<hbm>>
        tpu.wait_dma2 semaphore(%run_scoped3A : memref<!tpu.dma_semaphore, #tpu.memory_space<semaphore_mem>>) src(%dma_wait3A_30 : memref<128xi32, #tpu.memory_space<hbm>>) dst(%arg9 : memref<128xi32, #tpu.memory_space<vmem>>)
        tpu.yield
      }) : () -> ()
      "tpu.region"() ({
        %run_scoped3A = tpu.sem_alloc : memref<!tpu.dma_semaphore, #tpu.memory_space<semaphore_mem>>
        %dma_start3A_27 = arith.constant 0 : i32
        %dma_start3A_28 = tpu.memref_slice %arg3[%add3A_16, %dma_start3A_27] : memref<327680x128xf32, #tpu.memory_space<hbm>> -> memref<128x128xf32, #tpu.memory_space<hbm>>
        %dma_start3A_29 = arith.constant 0 : i32
        %dma_start3A_30 = tpu.memref_slice %arg3[%add3A_16, %dma_start3A_29] : memref<327680x128xf32, #tpu.memory_space<hbm>> -> memref<128x128xf32, #tpu.memory_space<hbm>>
        tpu.enqueue_dma source(%dma_start3A_30 : memref<128x128xf32, #tpu.memory_space<hbm>>) target(%arg10 : memref<128x128xf32, #tpu.memory_space<vmem>>) target_semaphore(%run_scoped3A : memref<!tpu.dma_semaphore, #tpu.memory_space<semaphore_mem>>)
        %dma_wait3A_31 = arith.constant 0 : i32
        %dma_wait3A_32 = tpu.memref_slice %arg3[%add3A_16, %dma_wait3A_31] : memref<327680x128xf32, #tpu.memory_space<hbm>> -> memref<128x128xf32, #tpu.memory_space<hbm>>
        %dma_wait3A_33 = arith.constant 0 : i32
        %dma_wait3A_34 = tpu.memref_slice %arg3[%add3A_16, %dma_wait3A_33] : memref<327680x128xf32, #tpu.memory_space<hbm>> -> memref<128x128xf32, #tpu.memory_space<hbm>>
        tpu.wait_dma2 semaphore(%run_scoped3A : memref<!tpu.dma_semaphore, #tpu.memory_space<semaphore_mem>>) src(%dma_wait3A_34 : memref<128x128xf32, #tpu.memory_space<hbm>>) dst(%arg10 : memref<128x128xf32, #tpu.memory_space<vmem>>)
        tpu.yield
      }) : () -> ()
      %dma_start3A = arith.constant 0 : i32
      %dma_start3A_17 = arith.constant 0 : i32
      %dma_start3A_18 = tpu.memref_slice %arg2[%dma_start3A, %dma_start3A_17] : memref<10240x128xf32, #tpu.memory_space<hbm>> -> memref<10240x128xf32, #tpu.memory_space<hbm>>
      tpu.enqueue_indirect_dma source(%dma_start3A_18 : memref<10240x128xf32, #tpu.memory_space<hbm>>) target(%arg11 : memref<128x128xf32, #tpu.memory_space<vmem>>) offsets(%arg8 : memref<128xi32, #tpu.memory_space<vmem>>) semaphore(%arg13 : memref<!tpu.dma_semaphore, #tpu.memory_space<semaphore_mem>>)
      %dma_wait3A = arith.constant 0 : i32
      %dma_wait3A_19 = arith.constant 0 : i32
      %dma_wait3A_20 = tpu.memref_slice %arg2[%dma_wait3A, %dma_wait3A_19] : memref<10240x128xf32, #tpu.memory_space<hbm>> -> memref<10240x128xf32, #tpu.memory_space<hbm>>
      tpu.wait_indirect_dma semaphore(%arg13 : memref<!tpu.dma_semaphore, #tpu.memory_space<semaphore_mem>>) src(%dma_wait3A_20 : memref<10240x128xf32, #tpu.memory_space<hbm>>) dst(%arg11 : memref<128x128xf32, #tpu.memory_space<vmem>>)
      %scan3A_21 = arith.constant 0 : i32
      %scan3A_22 = arith.constant 0 : i32
      %scan3A_23 = arith.constant 128 : i32
      %scan3A_24 = arith.addi %scan3A_22, %scan3A_23 : i32
      %scan3A_25 = arith.constant 1 : i32
      scf.for %scan3A_27 = %scan3A_22 to %scan3A_24 step %scan3A_25  : i32 {
        %get3A = arith.index_cast %scan3A_27 : i32 to index
        %get3A_28 = arith.constant 0 : index
        %get3A_29 = tpu.vector_load %arg11[%get3A, %get3A_28] {strides = array<i32>} : memref<128x128xf32, #tpu.memory_space<vmem>>, vector<1x16xf32>,
        %get3A_30 = vector.shape_cast %get3A_29 : vector<1x16xf32> to vector<16xf32>
        %get3A_31 = arith.index_cast %scan3A_27 : i32 to index
        %get3A_32 = arith.constant 0 : index
        %get3A_33 = tpu.vector_load %arg10[%get3A_31, %get3A_32] {strides = array<i32>} : memref<128x128xf32, #tpu.memory_space<vmem>>, vector<1x16xf32>,
        %get3A_34 = vector.shape_cast %get3A_33 : vector<1x16xf32> to vector<16xf32>
        %mul3A_35 = arith.mulf %get3A_30, %get3A_34 : vector<16xf32>
        %swap3A = arith.index_cast %scan3A_27 : i32 to index
        %swap3A_36 = arith.constant 0 : index
        %swap3A_37 = tpu.vector_load %arg11[%swap3A, %swap3A_36] {strides = array<i32>} : memref<128x128xf32, #tpu.memory_space<vmem>>, vector<1x16xf32>,
        %swap3A_38 = vector.shape_cast %swap3A_37 : vector<1x16xf32> to vector<16xf32>
        %swap3A_39 = vector.shape_cast %mul3A_35 : vector<16xf32> to vector<1x16xf32>
        tpu.vector_store %arg11[%swap3A, %swap3A_36], %swap3A_39 {strides = array<i32>} : memref<128x128xf32, #tpu.memory_space<vmem>>, vector<1x16xf32>,
        %get3A_40 = arith.index_cast %scan3A_27 : i32 to index
        %get3A_41 = arith.constant 16 : index
        %get3A_42 = tpu.vector_load %arg11[%get3A_40, %get3A_41] {strides = array<i32>} : memref<128x128xf32, #tpu.memory_space<vmem>>, vector<1x16xf32>,
        %get3A_43 = vector.shape_cast %get3A_42 : vector<1x16xf32> to vector<16xf32>
        %get3A_44 = arith.index_cast %scan3A_27 : i32 to index
        %get3A_45 = arith.constant 16 : index
        %get3A_46 = tpu.vector_load %arg10[%get3A_44, %get3A_45] {strides = array<i32>} : memref<128x128xf32, #tpu.memory_space<vmem>>, vector<1x16xf32>,
        %get3A_47 = vector.shape_cast %get3A_46 : vector<1x16xf32> to vector<16xf32>
        %mul3A_48 = arith.mulf %get3A_43, %get3A_47 : vector<16xf32>
        %swap3A_49 = arith.index_cast %scan3A_27 : i32 to index
        %swap3A_50 = arith.constant 16 : index
        %swap3A_51 = tpu.vector_load %arg11[%swap3A_49, %swap3A_50] {strides = array<i32>} : memref<128x128xf32, #tpu.memory_space<vmem>>, vector<1x16xf32>,
        %swap3A_52 = vector.shape_cast %swap3A_51 : vector<1x16xf32> to vector<16xf32>
        %swap3A_53 = vector.shape_cast %mul3A_48 : vector<16xf32> to vector<1x16xf32>
        tpu.vector_store %arg11[%swap3A_49, %swap3A_50], %swap3A_53 {strides = array<i32>} : memref<128x128xf32, #tpu.memory_space<vmem>>, vector<1x16xf32>,
        %get3A_54 = arith.index_cast %scan3A_27 : i32 to index
        %get3A_55 = arith.constant 32 : index
        %get3A_56 = tpu.vector_load %arg11[%get3A_54, %get3A_55] {strides = array<i32>} : memref<128x128xf32, #tpu.memory_space<vmem>>, vector<1x16xf32>,
        %get3A_57 = vector.shape_cast %get3A_56 : vector<1x16xf32> to vector<16xf32>
        %get3A_58 = arith.index_cast %scan3A_27 : i32 to index
        %get3A_59 = arith.constant 32 : index
        %get3A_60 = tpu.vector_load %arg10[%get3A_58, %get3A_59] {strides = array<i32>} : memref<128x128xf32, #tpu.memory_space<vmem>>, vector<1x16xf32>,
        %get3A_61 = vector.shape_cast %get3A_60 : vector<1x16xf32> to vector<16xf32>
        %mul3A_62 = arith.mulf %get3A_57, %get3A_61 : vector<16xf32>
        %swap3A_63 = arith.index_cast %scan3A_27 : i32 to index
        %swap3A_64 = arith.constant 32 : index
        %swap3A_65 = tpu.vector_load %arg11[%swap3A_63, %swap3A_64] {strides = array<i32>} : memref<128x128xf32, #tpu.memory_space<vmem>>, vector<1x16xf32>,
        %swap3A_66 = vector.shape_cast %swap3A_65 : vector<1x16xf32> to vector<16xf32>
        %swap3A_67 = vector.shape_cast %mul3A_62 : vector<16xf32> to vector<1x16xf32>
        tpu.vector_store %arg11[%swap3A_63, %swap3A_64], %swap3A_67 {strides = array<i32>} : memref<128x128xf32, #tpu.memory_space<vmem>>, vector<1x16xf32>,
        %get3A_68 = arith.index_cast %scan3A_27 : i32 to index
        %get3A_69 = arith.constant 48 : index
        %get3A_70 = tpu.vector_load %arg11[%get3A_68, %get3A_69] {strides = array<i32>} : memref<128x128xf32, #tpu.memory_space<vmem>>, vector<1x16xf32>,
        %get3A_71 = vector.shape_cast %get3A_70 : vector<1x16xf32> to vector<16xf32>
        %get3A_72 = arith.index_cast %scan3A_27 : i32 to index
        %get3A_73 = arith.constant 48 : index
        %get3A_74 = tpu.vector_load %arg10[%get3A_72, %get3A_73] {strides = array<i32>} : memref<128x128xf32, #tpu.memory_space<vmem>>, vector<1x16xf32>,
        %get3A_75 = vector.shape_cast %get3A_74 : vector<1x16xf32> to vector<16xf32>
        %mul3A_76 = arith.mulf %get3A_71, %get3A_75 : vector<16xf32>
        %swap3A_77 = arith.index_cast %scan3A_27 : i32 to index
        %swap3A_78 = arith.constant 48 : index
        %swap3A_79 = tpu.vector_load %arg11[%swap3A_77, %swap3A_78] {strides = array<i32>} : memref<128x128xf32, #tpu.memory_space<vmem>>, vector<1x16xf32>,
        %swap3A_80 = vector.shape_cast %swap3A_79 : vector<1x16xf32> to vector<16xf32>
        %swap3A_81 = vector.shape_cast %mul3A_76 : vector<16xf32> to vector<1x16xf32>
        tpu.vector_store %arg11[%swap3A_77, %swap3A_78], %swap3A_81 {strides = array<i32>} : memref<128x128xf32, #tpu.memory_space<vmem>>, vector<1x16xf32>,
        %get3A_82 = arith.index_cast %scan3A_27 : i32 to index
        %get3A_83 = arith.constant 64 : index
        %get3A_84 = tpu.vector_load %arg11[%get3A_82, %get3A_83] {strides = array<i32>} : memref<128x128xf32, #tpu.memory_space<vmem>>, vector<1x16xf32>,
        %get3A_85 = vector.shape_cast %get3A_84 : vector<1x16xf32> to vector<16xf32>
        %get3A_86 = arith.index_cast %scan3A_27 : i32 to index
        %get3A_87 = arith.constant 64 : index
        %get3A_88 = tpu.vector_load %arg10[%get3A_86, %get3A_87] {strides = array<i32>} : memref<128x128xf32, #tpu.memory_space<vmem>>, vector<1x16xf32>,
        %get3A_89 = vector.shape_cast %get3A_88 : vector<1x16xf32> to vector<16xf32>
        %mul3A_90 = arith.mulf %get3A_85, %get3A_89 : vector<16xf32>
        %swap3A_91 = arith.index_cast %scan3A_27 : i32 to index
        %swap3A_92 = arith.constant 64 : index
        %swap3A_93 = tpu.vector_load %arg11[%swap3A_91, %swap3A_92] {strides = array<i32>} : memref<128x128xf32, #tpu.memory_space<vmem>>, vector<1x16xf32>,
        %swap3A_94 = vector.shape_cast %swap3A_93 : vector<1x16xf32> to vector<16xf32>
        %swap3A_95 = vector.shape_cast %mul3A_90 : vector<16xf32> to vector<1x16xf32>
        tpu.vector_store %arg11[%swap3A_91, %swap3A_92], %swap3A_95 {strides = array<i32>} : memref<128x128xf32, #tpu.memory_space<vmem>>, vector<1x16xf32>,
        %get3A_96 = arith.index_cast %scan3A_27 : i32 to index
        %get3A_97 = arith.constant 80 : index
        %get3A_98 = tpu.vector_load %arg11[%get3A_96, %get3A_97] {strides = array<i32>} : memref<128x128xf32, #tpu.memory_space<vmem>>, vector<1x16xf32>,
        %get3A_99 = vector.shape_cast %get3A_98 : vector<1x16xf32> to vector<16xf32>
        %get3A_100 = arith.index_cast %scan3A_27 : i32 to index
        %get3A_101 = arith.constant 80 : index
        %get3A_102 = tpu.vector_load %arg10[%get3A_100, %get3A_101] {strides = array<i32>} : memref<128x128xf32, #tpu.memory_space<vmem>>, vector<1x16xf32>,
        %get3A_103 = vector.shape_cast %get3A_102 : vector<1x16xf32> to vector<16xf32>
        %mul3A_104 = arith.mulf %get3A_99, %get3A_103 : vector<16xf32>
        %swap3A_105 = arith.index_cast %scan3A_27 : i32 to index
        %swap3A_106 = arith.constant 80 : index
        %swap3A_107 = tpu.vector_load %arg11[%swap3A_105, %swap3A_106] {strides = array<i32>} : memref<128x128xf32, #tpu.memory_space<vmem>>, vector<1x16xf32>,
        %swap3A_108 = vector.shape_cast %swap3A_107 : vector<1x16xf32> to vector<16xf32>
        %swap3A_109 = vector.shape_cast %mul3A_104 : vector<16xf32> to vector<1x16xf32>
        tpu.vector_store %arg11[%swap3A_105, %swap3A_106], %swap3A_109 {strides = array<i32>} : memref<128x128xf32, #tpu.memory_space<vmem>>, vector<1x16xf32>,
        %get3A_110 = arith.index_cast %scan3A_27 : i32 to index
        %get3A_111 = arith.constant 96 : index
        %get3A_112 = tpu.vector_load %arg11[%get3A_110, %get3A_111] {strides = array<i32>} : memref<128x128xf32, #tpu.memory_space<vmem>>, vector<1x16xf32>,
        %get3A_113 = vector.shape_cast %get3A_112 : vector<1x16xf32> to vector<16xf32>
        %get3A_114 = arith.index_cast %scan3A_27 : i32 to index
        %get3A_115 = arith.constant 96 : index
        %get3A_116 = tpu.vector_load %arg10[%get3A_114, %get3A_115] {strides = array<i32>} : memref<128x128xf32, #tpu.memory_space<vmem>>, vector<1x16xf32>,
        %get3A_117 = vector.shape_cast %get3A_116 : vector<1x16xf32> to vector<16xf32>
        %mul3A_118 = arith.mulf %get3A_113, %get3A_117 : vector<16xf32>
        %swap3A_119 = arith.index_cast %scan3A_27 : i32 to index
        %swap3A_120 = arith.constant 96 : index
        %swap3A_121 = tpu.vector_load %arg11[%swap3A_119, %swap3A_120] {strides = array<i32>} : memref<128x128xf32, #tpu.memory_space<vmem>>, vector<1x16xf32>,
        %swap3A_122 = vector.shape_cast %swap3A_121 : vector<1x16xf32> to vector<16xf32>
        %swap3A_123 = vector.shape_cast %mul3A_118 : vector<16xf32> to vector<1x16xf32>
        tpu.vector_store %arg11[%swap3A_119, %swap3A_120], %swap3A_123 {strides = array<i32>} : memref<128x128xf32, #tpu.memory_space<vmem>>, vector<1x16xf32>,
        %get3A_124 = arith.index_cast %scan3A_27 : i32 to index
        %get3A_125 = arith.constant 112 : index
        %get3A_126 = tpu.vector_load %arg11[%get3A_124, %get3A_125] {strides = array<i32>} : memref<128x128xf32, #tpu.memory_space<vmem>>, vector<1x16xf32>,
        %get3A_127 = vector.shape_cast %get3A_126 : vector<1x16xf32> to vector<16xf32>
        %get3A_128 = arith.index_cast %scan3A_27 : i32 to index
        %get3A_129 = arith.constant 112 : index
        %get3A_130 = tpu.vector_load %arg10[%get3A_128, %get3A_129] {strides = array<i32>} : memref<128x128xf32, #tpu.memory_space<vmem>>, vector<1x16xf32>,
        %get3A_131 = vector.shape_cast %get3A_130 : vector<1x16xf32> to vector<16xf32>
        %mul3A_132 = arith.mulf %get3A_127, %get3A_131 : vector<16xf32>
        %swap3A_133 = arith.index_cast %scan3A_27 : i32 to index
        %swap3A_134 = arith.constant 112 : index
        %swap3A_135 = tpu.vector_load %arg11[%swap3A_133, %swap3A_134] {strides = array<i32>} : memref<128x128xf32, #tpu.memory_space<vmem>>, vector<1x16xf32>,
        %swap3A_136 = vector.shape_cast %swap3A_135 : vector<1x16xf32> to vector<16xf32>
        %swap3A_137 = vector.shape_cast %mul3A_132 : vector<16xf32> to vector<1x16xf32>
        tpu.vector_store %arg11[%swap3A_133, %swap3A_134], %swap3A_137 {strides = array<i32>} : memref<128x128xf32, #tpu.memory_space<vmem>>, vector<1x16xf32>,
      }
      %scan3A_26 = arith.constant 128 : i32
      "tpu.region"() ({
        %run_scoped3A = tpu.sem_alloc : memref<!tpu.dma_semaphore, #tpu.memory_space<semaphore_mem>>
        %dma_start3A_27 = arith.constant 0 : i32
        %dma_start3A_28 = arith.constant 0 : i32
        %dma_start3A_29 = tpu.memref_slice %arg12[%dma_start3A_27, %dma_start3A_28] : memref<10240x128xf32, #tpu.memory_space<vmem_shared>> -> memref<10240x128xf32, #tpu.memory_space<vmem_shared>>
        tpu.enqueue_indirect_dma source(%arg11 : memref<128x128xf32, #tpu.memory_space<vmem>>) target(%dma_start3A_29 : memref<10240x128xf32, #tpu.memory_space<vmem_shared>>) offsets(%arg9 : memref<128xi32, #tpu.memory_space<vmem>>) semaphore(%run_scoped3A : memref<!tpu.dma_semaphore, #tpu.memory_space<semaphore_mem>>) {add = true}
        %dma_wait3A_30 = arith.constant 0 : i32
        %dma_wait3A_31 = arith.constant 0 : i32
        %dma_wait3A_32 = tpu.memref_slice %arg12[%dma_wait3A_30, %dma_wait3A_31] : memref<10240x128xf32, #tpu.memory_space<vmem_shared>> -> memref<10240x128xf32, #tpu.memory_space<vmem_shared>>
        tpu.wait_indirect_dma semaphore(%run_scoped3A : memref<!tpu.dma_semaphore, #tpu.memory_space<semaphore_mem>>) src(%arg11 : memref<128x128xf32, #tpu.memory_space<vmem>>) dst(%dma_wait3A_32 : memref<10240x128xf32, #tpu.memory_space<vmem_shared>>)
        tpu.yield
      }) : () -> ()
    }
    %scan3A_9 = arith.constant 80 : i32
    %barrier3A_10 = arith.constant 0 : index
    tpu.barrier barrier_id(%barrier3A_10)
    %mul3A_11 = arith.constant 640 : i32
    %mul3A_12 = arith.muli %arg1, %mul3A_11 : i32
    "tpu.region"() ({
      %run_scoped3A = tpu.sem_alloc : memref<!tpu.dma_semaphore, #tpu.memory_space<semaphore_mem>>
      %dma_start3A = arith.constant 0 : i32
      %dma_start3A_13 = tpu.memref_slice %arg7[%arg0, %mul3A_12, %dma_start3A] : memref<2x10240x128xf32, #tpu.memory_space<hbm>> -> memref<1x640x128xf32, #tpu.memory_space<hbm>>
      %dma_start3A_14 = tpu.memref_squeeze %dma_start3A_13 : memref<1x640x128xf32, #tpu.memory_space<hbm>> -> memref<640x128xf32, #tpu.memory_space<hbm>>
      %dma_start3A_15 = arith.constant 0 : i32
      %dma_start3A_16 = tpu.memref_slice %arg12[%mul3A_12, %dma_start3A_15] : memref<10240x128xf32, #tpu.memory_space<vmem_shared>> -> memref<640x128xf32, #tpu.memory_space<vmem_shared>>
      tpu.enqueue_dma source(%dma_start3A_16 : memref<640x128xf32, #tpu.memory_space<vmem_shared>>) target(%dma_start3A_14 : memref<640x128xf32, #tpu.memory_space<hbm>>) target_semaphore(%run_scoped3A : memref<!tpu.dma_semaphore, #tpu.memory_space<semaphore_mem>>)
      %dma_wait3A = arith.constant 0 : i32
      %dma_wait3A_17 = tpu.memref_slice %arg7[%arg0, %mul3A_12, %dma_wait3A] : memref<2x10240x128xf32, #tpu.memory_space<hbm>> -> memref<1x640x128xf32, #tpu.memory_space<hbm>>
      %dma_wait3A_18 = tpu.memref_squeeze %dma_wait3A_17 : memref<1x640x128xf32, #tpu.memory_space<hbm>> -> memref<640x128xf32, #tpu.memory_space<hbm>>
      %dma_wait3A_19 = arith.constant 0 : i32
      %dma_wait3A_20 = tpu.memref_slice %arg12[%mul3A_12, %dma_wait3A_19] : memref<10240x128xf32, #tpu.memory_space<vmem_shared>> -> memref<640x128xf32, #tpu.memory_space<vmem_shared>>
      tpu.wait_dma2 semaphore(%run_scoped3A : memref<!tpu.dma_semaphore, #tpu.memory_space<semaphore_mem>>) src(%dma_wait3A_20 : memref<640x128xf32, #tpu.memory_space<vmem_shared>>) dst(%dma_wait3A_18 : memref<640x128xf32, #tpu.memory_space<hbm>>)
      tpu.yield
    }) : () -> ()
    return
  }
}

#map = affine_map<(d0, d1) -> (0, 0)>
#map1 = affine_map<(d0, d1) -> (0)>
#map2 = affine_map<(d0, d1) -> (0, 0, 0)>
module attributes {stable_mosaic.version = 14 : i64} {
  func.func @_cfconv_body(%arg0: i32, %arg1: i32, %arg2: memref<10240x128xf32, #tpu.memory_space<hbm>>, %arg3: memref<327680x128xf32, #tpu.memory_space<hbm>>, %arg4: memref<327680xi32, #tpu.memory_space<hbm>>, %arg5: memref<327680xi32, #tpu.memory_space<hbm>>, %arg6: memref<640x128xf32, #tpu.memory_space<hbm>>, %arg7: memref<2x10240x128xf32, #tpu.memory_space<hbm>>, %arg8: memref<128xi32, #tpu.memory_space<vmem>>, %arg9: memref<128xi32, #tpu.memory_space<vmem>>, %arg10: memref<128x128xf32, #tpu.memory_space<vmem>>, %arg11: memref<128x128xf32, #tpu.memory_space<vmem>>, %arg12: memref<10240x128xf32, #tpu.memory_space<vmem_shared>>, %arg13: memref<!tpu.dma_semaphore, #tpu.memory_space<semaphore_mem>>) attributes {dimension_semantics = [#tpu.dimension_semantics<core_parallel>, #tpu.dimension_semantics<subcore_parallel>], iteration_bounds = array<i64: 2, 16>, scalar_prefetch = 0 : i64, scratch_operands = 6 : i64, tpu.core_type = #tpu.core_type<sc_vector_subcore>, window_params = [{transform_indices = #map}, {transform_indices = #map}, {transform_indices = #map1}, {transform_indices = #map1}, {transform_indices = #map}, {transform_indices = #map2}]} {
    %mul3A = arith.constant 640 : i32
    %mul3A_0 = arith.muli %arg1, %mul3A : i32
    "tpu.region"() ({
      %run_scoped3A = tpu.sem_alloc : memref<!tpu.dma_semaphore, #tpu.memory_space<semaphore_mem>>
      %dma_start3A = arith.constant 0 : i32
      %dma_start3A_13 = tpu.memref_slice %arg12[%mul3A_0, %dma_start3A] : memref<10240x128xf32, #tpu.memory_space<vmem_shared>> -> memref<640x128xf32, #tpu.memory_space<vmem_shared>>
      tpu.enqueue_dma source(%arg6 : memref<640x128xf32, #tpu.memory_space<hbm>>) target(%dma_start3A_13 : memref<640x128xf32, #tpu.memory_space<vmem_shared>>) target_semaphore(%run_scoped3A : memref<!tpu.dma_semaphore, #tpu.memory_space<semaphore_mem>>)
      %dma_wait3A = arith.constant 0 : i32
      %dma_wait3A_14 = tpu.memref_slice %arg12[%mul3A_0, %dma_wait3A] : memref<10240x128xf32, #tpu.memory_space<vmem_shared>> -> memref<640x128xf32, #tpu.memory_space<vmem_shared>>
      tpu.wait_dma2 semaphore(%run_scoped3A : memref<!tpu.dma_semaphore, #tpu.memory_space<semaphore_mem>>) src(%arg6 : memref<640x128xf32, #tpu.memory_space<hbm>>) dst(%dma_wait3A_14 : memref<640x128xf32, #tpu.memory_space<vmem_shared>>)
      tpu.yield
    }) : () -> ()
    %barrier3A = arith.constant 0 : index
    tpu.barrier barrier_id(%barrier3A)
    %mul3A_1 = arith.constant 2 : i32
    %mul3A_2 = arith.muli %arg1, %mul3A_1 : i32
    %add3A = arith.addi %mul3A_2, %arg0 : i32
    %mul3A_3 = arith.constant 10240 : i32
    %mul3A_4 = arith.muli %add3A, %mul3A_3 : i32
    %scan3A = arith.constant 0 : i32
    %scan3A_5 = arith.constant 0 : i32
    %scan3A_6 = arith.constant 80 : i32
    %scan3A_7 = arith.addi %scan3A_5, %scan3A_6 : i32
    %scan3A_8 = arith.constant 1 : i32
    scf.for %scan3A_13 = %scan3A_5 to %scan3A_7 step %scan3A_8  : i32 {
      %mul3A_14 = arith.constant 128 : i32
      %mul3A_15 = arith.muli %scan3A_13, %mul3A_14 : i32
      %add3A_16 = arith.addi %mul3A_4, %mul3A_15 : i32
      "tpu.region"() ({
        %run_scoped3A = tpu.sem_alloc : memref<!tpu.dma_semaphore, #tpu.memory_space<semaphore_mem>>
        %dma_start3A_27 = tpu.memref_slice %arg4[%add3A_16] : memref<327680xi32, #tpu.memory_space<hbm>> -> memref<128xi32, #tpu.memory_space<hbm>>
        %dma_start3A_28 = tpu.memref_slice %arg4[%add3A_16] : memref<327680xi32, #tpu.memory_space<hbm>> -> memref<128xi32, #tpu.memory_space<hbm>>
        tpu.enqueue_dma source(%dma_start3A_28 : memref<128xi32, #tpu.memory_space<hbm>>) target(%arg8 : memref<128xi32, #tpu.memory_space<vmem>>) target_semaphore(%run_scoped3A : memref<!tpu.dma_semaphore, #tpu.memory_space<semaphore_mem>>)
        %dma_wait3A_29 = tpu.memref_slice %arg4[%add3A_16] : memref<327680xi32, #tpu.memory_space<hbm>> -> memref<128xi32, #tpu.memory_space<hbm>>
        %dma_wait3A_30 = tpu.memref_slice %arg4[%add3A_16] : memref<327680xi32, #tpu.memory_space<hbm>> -> memref<128xi32, #tpu.memory_space<hbm>>
        tpu.wait_dma2 semaphore(%run_scoped3A : memref<!tpu.dma_semaphore, #tpu.memory_space<semaphore_mem>>) src(%dma_wait3A_30 : memref<128xi32, #tpu.memory_space<hbm>>) dst(%arg8 : memref<128xi32, #tpu.memory_space<vmem>>)
        tpu.yield
      }) : () -> ()
      "tpu.region"() ({
        %run_scoped3A = tpu.sem_alloc : memref<!tpu.dma_semaphore, #tpu.memory_space<semaphore_mem>>
        %dma_start3A_27 = tpu.memref_slice %arg5[%add3A_16] : memref<327680xi32, #tpu.memory_space<hbm>> -> memref<128xi32, #tpu.memory_space<hbm>>
        %dma_start3A_28 = tpu.memref_slice %arg5[%add3A_16] : memref<327680xi32, #tpu.memory_space<hbm>> -> memref<128xi32, #tpu.memory_space<hbm>>
        tpu.enqueue_dma source(%dma_start3A_28 : memref<128xi32, #tpu.memory_space<hbm>>) target(%arg9 : memref<128xi32, #tpu.memory_space<vmem>>) target_semaphore(%run_scoped3A : memref<!tpu.dma_semaphore, #tpu.memory_space<semaphore_mem>>)
        %dma_wait3A_29 = tpu.memref_slice %arg5[%add3A_16] : memref<327680xi32, #tpu.memory_space<hbm>> -> memref<128xi32, #tpu.memory_space<hbm>>
        %dma_wait3A_30 = tpu.memref_slice %arg5[%add3A_16] : memref<327680xi32, #tpu.memory_space<hbm>> -> memref<128xi32, #tpu.memory_space<hbm>>
        tpu.wait_dma2 semaphore(%run_scoped3A : memref<!tpu.dma_semaphore, #tpu.memory_space<semaphore_mem>>) src(%dma_wait3A_30 : memref<128xi32, #tpu.memory_space<hbm>>) dst(%arg9 : memref<128xi32, #tpu.memory_space<vmem>>)
        tpu.yield
      }) : () -> ()
      "tpu.region"() ({
        %run_scoped3A = tpu.sem_alloc : memref<!tpu.dma_semaphore, #tpu.memory_space<semaphore_mem>>
        %dma_start3A_27 = arith.constant 0 : i32
        %dma_start3A_28 = tpu.memref_slice %arg3[%add3A_16, %dma_start3A_27] : memref<327680x128xf32, #tpu.memory_space<hbm>> -> memref<128x128xf32, #tpu.memory_space<hbm>>
        %dma_start3A_29 = arith.constant 0 : i32
        %dma_start3A_30 = tpu.memref_slice %arg3[%add3A_16, %dma_start3A_29] : memref<327680x128xf32, #tpu.memory_space<hbm>> -> memref<128x128xf32, #tpu.memory_space<hbm>>
        tpu.enqueue_dma source(%dma_start3A_30 : memref<128x128xf32, #tpu.memory_space<hbm>>) target(%arg10 : memref<128x128xf32, #tpu.memory_space<vmem>>) target_semaphore(%run_scoped3A : memref<!tpu.dma_semaphore, #tpu.memory_space<semaphore_mem>>)
        %dma_wait3A_31 = arith.constant 0 : i32
        %dma_wait3A_32 = tpu.memref_slice %arg3[%add3A_16, %dma_wait3A_31] : memref<327680x128xf32, #tpu.memory_space<hbm>> -> memref<128x128xf32, #tpu.memory_space<hbm>>
        %dma_wait3A_33 = arith.constant 0 : i32
        %dma_wait3A_34 = tpu.memref_slice %arg3[%add3A_16, %dma_wait3A_33] : memref<327680x128xf32, #tpu.memory_space<hbm>> -> memref<128x128xf32, #tpu.memory_space<hbm>>
        tpu.wait_dma2 semaphore(%run_scoped3A : memref<!tpu.dma_semaphore, #tpu.memory_space<semaphore_mem>>) src(%dma_wait3A_34 : memref<128x128xf32, #tpu.memory_space<hbm>>) dst(%arg10 : memref<128x128xf32, #tpu.memory_space<vmem>>)
        tpu.yield
      }) : () -> ()
      %dma_start3A = arith.constant 0 : i32
      %dma_start3A_17 = arith.constant 0 : i32
      %dma_start3A_18 = tpu.memref_slice %arg2[%dma_start3A, %dma_start3A_17] : memref<10240x128xf32, #tpu.memory_space<hbm>> -> memref<10240x128xf32, #tpu.memory_space<hbm>>
      tpu.enqueue_indirect_dma source(%dma_start3A_18 : memref<10240x128xf32, #tpu.memory_space<hbm>>) target(%arg11 : memref<128x128xf32, #tpu.memory_space<vmem>>) offsets(%arg8 : memref<128xi32, #tpu.memory_space<vmem>>) semaphore(%arg13 : memref<!tpu.dma_semaphore, #tpu.memory_space<semaphore_mem>>)
      %dma_wait3A = arith.constant 0 : i32
      %dma_wait3A_19 = arith.constant 0 : i32
      %dma_wait3A_20 = tpu.memref_slice %arg2[%dma_wait3A, %dma_wait3A_19] : memref<10240x128xf32, #tpu.memory_space<hbm>> -> memref<10240x128xf32, #tpu.memory_space<hbm>>
      tpu.wait_indirect_dma semaphore(%arg13 : memref<!tpu.dma_semaphore, #tpu.memory_space<semaphore_mem>>) src(%dma_wait3A_20 : memref<10240x128xf32, #tpu.memory_space<hbm>>) dst(%arg11 : memref<128x128xf32, #tpu.memory_space<vmem>>)
      %scan3A_21 = arith.constant 0 : i32
      %scan3A_22 = arith.constant 0 : i32
      %scan3A_23 = arith.constant 128 : i32
      %scan3A_24 = arith.addi %scan3A_22, %scan3A_23 : i32
      %scan3A_25 = arith.constant 1 : i32
      scf.for %scan3A_27 = %scan3A_22 to %scan3A_24 step %scan3A_25  : i32 {
        %get3A = arith.index_cast %scan3A_27 : i32 to index
        %get3A_28 = arith.constant 0 : index
        %get3A_29 = tpu.vector_load %arg11[%get3A, %get3A_28] {strides = array<i32>} : memref<128x128xf32, #tpu.memory_space<vmem>>, vector<1x16xf32>,
        %get3A_30 = vector.shape_cast %get3A_29 : vector<1x16xf32> to vector<16xf32>
        %get3A_31 = arith.index_cast %scan3A_27 : i32 to index
        %get3A_32 = arith.constant 0 : index
        %get3A_33 = tpu.vector_load %arg10[%get3A_31, %get3A_32] {strides = array<i32>} : memref<128x128xf32, #tpu.memory_space<vmem>>, vector<1x16xf32>,
        %get3A_34 = vector.shape_cast %get3A_33 : vector<1x16xf32> to vector<16xf32>
        %mul3A_35 = arith.mulf %get3A_30, %get3A_34 : vector<16xf32>
        %swap3A = arith.index_cast %scan3A_27 : i32 to index
        %swap3A_36 = arith.constant 0 : index
        %swap3A_37 = tpu.vector_load %arg11[%swap3A, %swap3A_36] {strides = array<i32>} : memref<128x128xf32, #tpu.memory_space<vmem>>, vector<1x16xf32>,
        %swap3A_38 = vector.shape_cast %swap3A_37 : vector<1x16xf32> to vector<16xf32>
        %swap3A_39 = vector.shape_cast %mul3A_35 : vector<16xf32> to vector<1x16xf32>
        tpu.vector_store %arg11[%swap3A, %swap3A_36], %swap3A_39 {strides = array<i32>} : memref<128x128xf32, #tpu.memory_space<vmem>>, vector<1x16xf32>,
        %get3A_40 = arith.index_cast %scan3A_27 : i32 to index
        %get3A_41 = arith.constant 16 : index
        %get3A_42 = tpu.vector_load %arg11[%get3A_40, %get3A_41] {strides = array<i32>} : memref<128x128xf32, #tpu.memory_space<vmem>>, vector<1x16xf32>,
        %get3A_43 = vector.shape_cast %get3A_42 : vector<1x16xf32> to vector<16xf32>
        %get3A_44 = arith.index_cast %scan3A_27 : i32 to index
        %get3A_45 = arith.constant 16 : index
        %get3A_46 = tpu.vector_load %arg10[%get3A_44, %get3A_45] {strides = array<i32>} : memref<128x128xf32, #tpu.memory_space<vmem>>, vector<1x16xf32>,
        %get3A_47 = vector.shape_cast %get3A_46 : vector<1x16xf32> to vector<16xf32>
        %mul3A_48 = arith.mulf %get3A_43, %get3A_47 : vector<16xf32>
        %swap3A_49 = arith.index_cast %scan3A_27 : i32 to index
        %swap3A_50 = arith.constant 16 : index
        %swap3A_51 = tpu.vector_load %arg11[%swap3A_49, %swap3A_50] {strides = array<i32>} : memref<128x128xf32, #tpu.memory_space<vmem>>, vector<1x16xf32>,
        %swap3A_52 = vector.shape_cast %swap3A_51 : vector<1x16xf32> to vector<16xf32>
        %swap3A_53 = vector.shape_cast %mul3A_48 : vector<16xf32> to vector<1x16xf32>
        tpu.vector_store %arg11[%swap3A_49, %swap3A_50], %swap3A_53 {strides = array<i32>} : memref<128x128xf32, #tpu.memory_space<vmem>>, vector<1x16xf32>,
        %get3A_54 = arith.index_cast %scan3A_27 : i32 to index
        %get3A_55 = arith.constant 32 : index
        %get3A_56 = tpu.vector_load %arg11[%get3A_54, %get3A_55] {strides = array<i32>} : memref<128x128xf32, #tpu.memory_space<vmem>>, vector<1x16xf32>,
        %get3A_57 = vector.shape_cast %get3A_56 : vector<1x16xf32> to vector<16xf32>
        %get3A_58 = arith.index_cast %scan3A_27 : i32 to index
        %get3A_59 = arith.constant 32 : index
        %get3A_60 = tpu.vector_load %arg10[%get3A_58, %get3A_59] {strides = array<i32>} : memref<128x128xf32, #tpu.memory_space<vmem>>, vector<1x16xf32>,
        %get3A_61 = vector.shape_cast %get3A_60 : vector<1x16xf32> to vector<16xf32>
        %mul3A_62 = arith.mulf %get3A_57, %get3A_61 : vector<16xf32>
        %swap3A_63 = arith.index_cast %scan3A_27 : i32 to index
        %swap3A_64 = arith.constant 32 : index
        %swap3A_65 = tpu.vector_load %arg11[%swap3A_63, %swap3A_64] {strides = array<i32>} : memref<128x128xf32, #tpu.memory_space<vmem>>, vector<1x16xf32>,
        %swap3A_66 = vector.shape_cast %swap3A_65 : vector<1x16xf32> to vector<16xf32>
        %swap3A_67 = vector.shape_cast %mul3A_62 : vector<16xf32> to vector<1x16xf32>
        tpu.vector_store %arg11[%swap3A_63, %swap3A_64], %swap3A_67 {strides = array<i32>} : memref<128x128xf32, #tpu.memory_space<vmem>>, vector<1x16xf32>,
        %get3A_68 = arith.index_cast %scan3A_27 : i32 to index
        %get3A_69 = arith.constant 48 : index
        %get3A_70 = tpu.vector_load %arg11[%get3A_68, %get3A_69] {strides = array<i32>} : memref<128x128xf32, #tpu.memory_space<vmem>>, vector<1x16xf32>,
        %get3A_71 = vector.shape_cast %get3A_70 : vector<1x16xf32> to vector<16xf32>
        %get3A_72 = arith.index_cast %scan3A_27 : i32 to index
        %get3A_73 = arith.constant 48 : index
        %get3A_74 = tpu.vector_load %arg10[%get3A_72, %get3A_73] {strides = array<i32>} : memref<128x128xf32, #tpu.memory_space<vmem>>, vector<1x16xf32>,
        %get3A_75 = vector.shape_cast %get3A_74 : vector<1x16xf32> to vector<16xf32>
        %mul3A_76 = arith.mulf %get3A_71, %get3A_75 : vector<16xf32>
        %swap3A_77 = arith.index_cast %scan3A_27 : i32 to index
        %swap3A_78 = arith.constant 48 : index
        %swap3A_79 = tpu.vector_load %arg11[%swap3A_77, %swap3A_78] {strides = array<i32>} : memref<128x128xf32, #tpu.memory_space<vmem>>, vector<1x16xf32>,
        %swap3A_80 = vector.shape_cast %swap3A_79 : vector<1x16xf32> to vector<16xf32>
        %swap3A_81 = vector.shape_cast %mul3A_76 : vector<16xf32> to vector<1x16xf32>
        tpu.vector_store %arg11[%swap3A_77, %swap3A_78], %swap3A_81 {strides = array<i32>} : memref<128x128xf32, #tpu.memory_space<vmem>>, vector<1x16xf32>,
        %get3A_82 = arith.index_cast %scan3A_27 : i32 to index
        %get3A_83 = arith.constant 64 : index
        %get3A_84 = tpu.vector_load %arg11[%get3A_82, %get3A_83] {strides = array<i32>} : memref<128x128xf32, #tpu.memory_space<vmem>>, vector<1x16xf32>,
        %get3A_85 = vector.shape_cast %get3A_84 : vector<1x16xf32> to vector<16xf32>
        %get3A_86 = arith.index_cast %scan3A_27 : i32 to index
        %get3A_87 = arith.constant 64 : index
        %get3A_88 = tpu.vector_load %arg10[%get3A_86, %get3A_87] {strides = array<i32>} : memref<128x128xf32, #tpu.memory_space<vmem>>, vector<1x16xf32>,
        %get3A_89 = vector.shape_cast %get3A_88 : vector<1x16xf32> to vector<16xf32>
        %mul3A_90 = arith.mulf %get3A_85, %get3A_89 : vector<16xf32>
        %swap3A_91 = arith.index_cast %scan3A_27 : i32 to index
        %swap3A_92 = arith.constant 64 : index
        %swap3A_93 = tpu.vector_load %arg11[%swap3A_91, %swap3A_92] {strides = array<i32>} : memref<128x128xf32, #tpu.memory_space<vmem>>, vector<1x16xf32>,
        %swap3A_94 = vector.shape_cast %swap3A_93 : vector<1x16xf32> to vector<16xf32>
        %swap3A_95 = vector.shape_cast %mul3A_90 : vector<16xf32> to vector<1x16xf32>
        tpu.vector_store %arg11[%swap3A_91, %swap3A_92], %swap3A_95 {strides = array<i32>} : memref<128x128xf32, #tpu.memory_space<vmem>>, vector<1x16xf32>,
        %get3A_96 = arith.index_cast %scan3A_27 : i32 to index
        %get3A_97 = arith.constant 80 : index
        %get3A_98 = tpu.vector_load %arg11[%get3A_96, %get3A_97] {strides = array<i32>} : memref<128x128xf32, #tpu.memory_space<vmem>>, vector<1x16xf32>,
        %get3A_99 = vector.shape_cast %get3A_98 : vector<1x16xf32> to vector<16xf32>
        %get3A_100 = arith.index_cast %scan3A_27 : i32 to index
        %get3A_101 = arith.constant 80 : index
        %get3A_102 = tpu.vector_load %arg10[%get3A_100, %get3A_101] {strides = array<i32>} : memref<128x128xf32, #tpu.memory_space<vmem>>, vector<1x16xf32>,
        %get3A_103 = vector.shape_cast %get3A_102 : vector<1x16xf32> to vector<16xf32>
        %mul3A_104 = arith.mulf %get3A_99, %get3A_103 : vector<16xf32>
        %swap3A_105 = arith.index_cast %scan3A_27 : i32 to index
        %swap3A_106 = arith.constant 80 : index
        %swap3A_107 = tpu.vector_load %arg11[%swap3A_105, %swap3A_106] {strides = array<i32>} : memref<128x128xf32, #tpu.memory_space<vmem>>, vector<1x16xf32>,
        %swap3A_108 = vector.shape_cast %swap3A_107 : vector<1x16xf32> to vector<16xf32>
        %swap3A_109 = vector.shape_cast %mul3A_104 : vector<16xf32> to vector<1x16xf32>
        tpu.vector_store %arg11[%swap3A_105, %swap3A_106], %swap3A_109 {strides = array<i32>} : memref<128x128xf32, #tpu.memory_space<vmem>>, vector<1x16xf32>,
        %get3A_110 = arith.index_cast %scan3A_27 : i32 to index
        %get3A_111 = arith.constant 96 : index
        %get3A_112 = tpu.vector_load %arg11[%get3A_110, %get3A_111] {strides = array<i32>} : memref<128x128xf32, #tpu.memory_space<vmem>>, vector<1x16xf32>,
        %get3A_113 = vector.shape_cast %get3A_112 : vector<1x16xf32> to vector<16xf32>
        %get3A_114 = arith.index_cast %scan3A_27 : i32 to index
        %get3A_115 = arith.constant 96 : index
        %get3A_116 = tpu.vector_load %arg10[%get3A_114, %get3A_115] {strides = array<i32>} : memref<128x128xf32, #tpu.memory_space<vmem>>, vector<1x16xf32>,
        %get3A_117 = vector.shape_cast %get3A_116 : vector<1x16xf32> to vector<16xf32>
        %mul3A_118 = arith.mulf %get3A_113, %get3A_117 : vector<16xf32>
        %swap3A_119 = arith.index_cast %scan3A_27 : i32 to index
        %swap3A_120 = arith.constant 96 : index
        %swap3A_121 = tpu.vector_load %arg11[%swap3A_119, %swap3A_120] {strides = array<i32>} : memref<128x128xf32, #tpu.memory_space<vmem>>, vector<1x16xf32>,
        %swap3A_122 = vector.shape_cast %swap3A_121 : vector<1x16xf32> to vector<16xf32>
        %swap3A_123 = vector.shape_cast %mul3A_118 : vector<16xf32> to vector<1x16xf32>
        tpu.vector_store %arg11[%swap3A_119, %swap3A_120], %swap3A_123 {strides = array<i32>} : memref<128x128xf32, #tpu.memory_space<vmem>>, vector<1x16xf32>,
        %get3A_124 = arith.index_cast %scan3A_27 : i32 to index
        %get3A_125 = arith.constant 112 : index
        %get3A_126 = tpu.vector_load %arg11[%get3A_124, %get3A_125] {strides = array<i32>} : memref<128x128xf32, #tpu.memory_space<vmem>>, vector<1x16xf32>,
        %get3A_127 = vector.shape_cast %get3A_126 : vector<1x16xf32> to vector<16xf32>
        %get3A_128 = arith.index_cast %scan3A_27 : i32 to index
        %get3A_129 = arith.constant 112 : index
        %get3A_130 = tpu.vector_load %arg10[%get3A_128, %get3A_129] {strides = array<i32>} : memref<128x128xf32, #tpu.memory_space<vmem>>, vector<1x16xf32>,
        %get3A_131 = vector.shape_cast %get3A_130 : vector<1x16xf32> to vector<16xf32>
        %mul3A_132 = arith.mulf %get3A_127, %get3A_131 : vector<16xf32>
        %swap3A_133 = arith.index_cast %scan3A_27 : i32 to index
        %swap3A_134 = arith.constant 112 : index
        %swap3A_135 = tpu.vector_load %arg11[%swap3A_133, %swap3A_134] {strides = array<i32>} : memref<128x128xf32, #tpu.memory_space<vmem>>, vector<1x16xf32>,
        %swap3A_136 = vector.shape_cast %swap3A_135 : vector<1x16xf32> to vector<16xf32>
        %swap3A_137 = vector.shape_cast %mul3A_132 : vector<16xf32> to vector<1x16xf32>
        tpu.vector_store %arg11[%swap3A_133, %swap3A_134], %swap3A_137 {strides = array<i32>} : memref<128x128xf32, #tpu.memory_space<vmem>>, vector<1x16xf32>,
      }
      %scan3A_26 = arith.constant 128 : i32
      "tpu.region"() ({
        %run_scoped3A = tpu.sem_alloc : memref<!tpu.dma_semaphore, #tpu.memory_space<semaphore_mem>>
        %dma_start3A_27 = arith.constant 0 : i32
        %dma_start3A_28 = arith.constant 0 : i32
        %dma_start3A_29 = tpu.memref_slice %arg12[%dma_start3A_27, %dma_start3A_28] : memref<10240x128xf32, #tpu.memory_space<vmem_shared>> -> memref<10240x128xf32, #tpu.memory_space<vmem_shared>>
        tpu.enqueue_indirect_dma source(%arg11 : memref<128x128xf32, #tpu.memory_space<vmem>>) target(%dma_start3A_29 : memref<10240x128xf32, #tpu.memory_space<vmem_shared>>) offsets(%arg9 : memref<128xi32, #tpu.memory_space<vmem>>) semaphore(%run_scoped3A : memref<!tpu.dma_semaphore, #tpu.memory_space<semaphore_mem>>) {add = true}
        %dma_wait3A_30 = arith.constant 0 : i32
        %dma_wait3A_31 = arith.constant 0 : i32
        %dma_wait3A_32 = tpu.memref_slice %arg12[%dma_wait3A_30, %dma_wait3A_31] : memref<10240x128xf32, #tpu.memory_space<vmem_shared>> -> memref<10240x128xf32, #tpu.memory_space<vmem_shared>>
        tpu.wait_indirect_dma semaphore(%run_scoped3A : memref<!tpu.dma_semaphore, #tpu.memory_space<semaphore_mem>>) src(%arg11 : memref<128x128xf32, #tpu.memory_space<vmem>>) dst(%dma_wait3A_32 : memref<10240x128xf32, #tpu.memory_space<vmem_shared>>)
        tpu.yield
      }) : () -> ()
    }
    %scan3A_9 = arith.constant 80 : i32
    %barrier3A_10 = arith.constant 0 : index
    tpu.barrier barrier_id(%barrier3A_10)
    %mul3A_11 = arith.constant 640 : i32
    %mul3A_12 = arith.muli %arg1, %mul3A_11 : i32
    "tpu.region"() ({
      %run_scoped3A = tpu.sem_alloc : memref<!tpu.dma_semaphore, #tpu.memory_space<semaphore_mem>>
      %dma_start3A = arith.constant 0 : i32
      %dma_start3A_13 = tpu.memref_slice %arg7[%arg0, %mul3A_12, %dma_start3A] : memref<2x10240x128xf32, #tpu.memory_space<hbm>> -> memref<1x640x128xf32, #tpu.memory_space<hbm>>
      %dma_start3A_14 = tpu.memref_squeeze %dma_start3A_13 : memref<1x640x128xf32, #tpu.memory_space<hbm>> -> memref<640x128xf32, #tpu.memory_space<hbm>>
      %dma_start3A_15 = arith.constant 0 : i32
      %dma_start3A_16 = tpu.memref_slice %arg12[%mul3A_12, %dma_start3A_15] : memref<10240x128xf32, #tpu.memory_space<vmem_shared>> -> memref<640x128xf32, #tpu.memory_space<vmem_shared>>
      tpu.enqueue_dma source(%dma_start3A_16 : memref<640x128xf32, #tpu.memory_space<vmem_shared>>) target(%dma_start3A_14 : memref<640x128xf32, #tpu.memory_space<hbm>>) target_semaphore(%run_scoped3A : memref<!tpu.dma_semaphore, #tpu.memory_space<semaphore_mem>>)
      %dma_wait3A = arith.constant 0 : i32
      %dma_wait3A_17 = tpu.memref_slice %arg7[%arg0, %mul3A_12, %dma_wait3A] : memref<2x10240x128xf32, #tpu.memory_space<hbm>> -> memref<1x640x128xf32, #tpu.memory_space<hbm>>
      %dma_wait3A_18 = tpu.memref_squeeze %dma_wait3A_17 : memref<1x640x128xf32, #tpu.memory_space<hbm>> -> memref<640x128xf32, #tpu.memory_space<hbm>>
      %dma_wait3A_19 = arith.constant 0 : i32
      %dma_wait3A_20 = tpu.memref_slice %arg12[%mul3A_12, %dma_wait3A_19] : memref<10240x128xf32, #tpu.memory_space<vmem_shared>> -> memref<640x128xf32, #tpu.memory_space<vmem_shared>>
      tpu.wait_dma2 semaphore(%run_scoped3A : memref<!tpu.dma_semaphore, #tpu.memory_space<semaphore_mem>>) src(%dma_wait3A_20 : memref<640x128xf32, #tpu.memory_space<vmem_shared>>) dst(%dma_wait3A_18 : memref<640x128xf32, #tpu.memory_space<hbm>>)
      tpu.yield
    }) : () -> ()
    return
  }
}

module attributes {stable_mosaic.version = 14 : i64} {
  func.func @_embed_body(%arg0: i32, %arg1: memref<1024x1xi32, #tpu.memory_space<vmem>>, %arg2: memref<100x128xf32, #tpu.memory_space<vmem>>, %arg3: memref<128x128xf32, #tpu.memory_space<vmem>>, %arg4: memref<1024x128xf32, #tpu.memory_space<vmem>>, %arg5: memref<1024x128xf32, #tpu.memory_space<vmem>>) attributes {dimension_semantics = [#tpu.dimension_semantics<arbitrary>], iteration_bounds = array<i64: 10>, scalar_prefetch = 0 : i64, scratch_operands = 0 : i64, tpu.core_type = #tpu.core_type<tc>, window_params = [{transform_indices = @transform_0, window_bounds = array<i64: 1024, 1>}, {pipeline_mode = #tpu.pipeline_mode<synchronous>, transform_indices = @transform_1, window_bounds = array<i64: 100, 128>}, {pipeline_mode = #tpu.pipeline_mode<synchronous>, transform_indices = @transform_2, window_bounds = array<i64: 128, 128>}, {transform_indices = @transform_3, window_bounds = array<i64: 1024, 128>}, {transform_indices = @transform_4, window_bounds = array<i64: 1024, 128>}]} {
    %iota3A = tpu.iota {dimensions = array<i32: 1>} : vector<1024x100xi32>
    %get3A = arith.constant 0 : index
    %get3A_0 = arith.constant 0 : index
    %get3A_1 = vector.load %arg1[%get3A, %get3A_0] : memref<1024x1xi32, #tpu.memory_space<vmem>>, vector<1024x1xi32>
    %eq3A = vector.broadcast %get3A_1 : vector<1024x1xi32> to vector<1024x100xi32>
    %eq3A_2 = arith.cmpi eq, %eq3A, %iota3A : vector<1024x100xi32>
    %convert_element_type3A = arith.extui %eq3A_2 : vector<1024x100xi1> to vector<1024x100xi32>
    %convert_element_type3A_3 = arith.sitofp %convert_element_type3A : vector<1024x100xi32> to vector<1024x100xf32>
    %get3A_4 = arith.constant 0 : index
    %get3A_5 = arith.constant 0 : index
    %get3A_6 = vector.load %arg2[%get3A_4, %get3A_5] : memref<100x128xf32, #tpu.memory_space<vmem>>, vector<100x128xf32>
    %dot_general3A = arith.constant dense<0.000000e+00> : vector<1024x128xf32>
    %dot_general3A_7 = tpu.matmul %convert_element_type3A_3, %get3A_6, %dot_general3A {dimension_numbers = #tpu.dot_dimension_numbers<[1], [0], [0], [1], [0, 0, 1, 1], [], []>, transpose_lhs_hint = false} : vector<1024x100xf32>, vector<100x128xf32>, vector<1024x128xf32> -> vector<1024x128xf32>
    %swap3A = arith.constant 0 : index
    %swap3A_8 = arith.constant 0 : index
    %swap3A_9 = vector.load %arg4[%swap3A, %swap3A_8] : memref<1024x128xf32, #tpu.memory_space<vmem>>, vector<1024x128xf32>
    tpu.vector_store %arg4[%swap3A, %swap3A_8], %dot_general3A_7 {strides = array<i32>} : memref<1024x128xf32, #tpu.memory_space<vmem>>, vector<1024x128xf32>,
    %get3A_10 = arith.constant 0 : index
    %get3A_11 = arith.constant 0 : index
    %get3A_12 = vector.load %arg3[%get3A_10, %get3A_11] : memref<128x128xf32, #tpu.memory_space<vmem>>, vector<128x128xf32>
    %dot_general3A_13 = arith.constant dense<0.000000e+00> : vector<1024x128xf32>
    %dot_general3A_14 = tpu.matmul %dot_general3A_7, %get3A_12, %dot_general3A_13 {dimension_numbers = #tpu.dot_dimension_numbers<[1], [0], [0], [1], [0, 0, 1, 1], [], []>, transpose_lhs_hint = false} : vector<1024x128xf32>, vector<128x128xf32>, vector<1024x128xf32> -> vector<1024x128xf32>
    %swap3A_15 = arith.constant 0 : index
    %swap3A_16 = arith.constant 0 : index
    %swap3A_17 = vector.load %arg5[%swap3A_15, %swap3A_16] : memref<1024x128xf32, #tpu.memory_space<vmem>>, vector<1024x128xf32>
    tpu.vector_store %arg5[%swap3A_15, %swap3A_16], %dot_general3A_14 {strides = array<i32>} : memref<1024x128xf32, #tpu.memory_space<vmem>>, vector<1024x128xf32>,
    return
  }
  func.func @transform_0(%arg0: i32) -> (i32, i32) {
    %c0_i32 = arith.constant 0 : i32
    %c0_i32_0 = arith.constant 0 : i32
    return %arg0, %c0_i32 : i32, i32
  }
  func.func @transform_1(%arg0: i32) -> (i32, i32) {
    %c0_i32 = arith.constant 0 : i32
    %c0_i32_0 = arith.constant 0 : i32
    %c0_i32_1 = arith.constant 0 : i32
    return %c0_i32, %c0_i32_0 : i32, i32
  }
  func.func @transform_2(%arg0: i32) -> (i32, i32) {
    %c0_i32 = arith.constant 0 : i32
    %c0_i32_0 = arith.constant 0 : i32
    %c0_i32_1 = arith.constant 0 : i32
    return %c0_i32, %c0_i32_0 : i32, i32
  }
  func.func @transform_3(%arg0: i32) -> (i32, i32) {
    %c0_i32 = arith.constant 0 : i32
    %c0_i32_0 = arith.constant 0 : i32
    return %arg0, %c0_i32 : i32, i32
  }
  func.func @transform_4(%arg0: i32) -> (i32, i32) {
    %c0_i32 = arith.constant 0 : i32
    %c0_i32_0 = arith.constant 0 : i32
    return %arg0, %c0_i32 : i32, i32
  }
}

module attributes {stable_mosaic.version = 14 : i64} {
  func.func @_filter_body(%arg0: i32, %arg1: memref<2048x1xf32, #tpu.memory_space<vmem>>, %arg2: memref<50x128xf32, #tpu.memory_space<vmem>>, %arg3: memref<1x128xf32, #tpu.memory_space<vmem>>, %arg4: memref<128x128xf32, #tpu.memory_space<vmem>>, %arg5: memref<1x128xf32, #tpu.memory_space<vmem>>, %arg6: memref<2048x128xf32, #tpu.memory_space<vmem>>) attributes {dimension_semantics = [#tpu.dimension_semantics<arbitrary>], iteration_bounds = array<i64: 160>, scalar_prefetch = 0 : i64, scratch_operands = 0 : i64, tpu.core_type = #tpu.core_type<tc>, window_params = [{transform_indices = @transform_0, window_bounds = array<i64: 2048, 1>}, {pipeline_mode = #tpu.pipeline_mode<synchronous>, transform_indices = @transform_1, window_bounds = array<i64: 50, 128>}, {pipeline_mode = #tpu.pipeline_mode<synchronous>, transform_indices = @transform_2, window_bounds = array<i64: 1, 128>}, {pipeline_mode = #tpu.pipeline_mode<synchronous>, transform_indices = @transform_3, window_bounds = array<i64: 128, 128>}, {pipeline_mode = #tpu.pipeline_mode<synchronous>, transform_indices = @transform_4, window_bounds = array<i64: 1, 128>}, {transform_indices = @transform_5, window_bounds = array<i64: 2048, 128>}]} {
    %get3A = arith.constant 0 : index
    %get3A_0 = arith.constant 0 : index
    %get3A_1 = vector.load %arg1[%get3A, %get3A_0] : memref<2048x1xf32, #tpu.memory_space<vmem>>, vector<2048x1xf32>
    %iota3A = tpu.iota {dimensions = array<i32: 1>} : vector<1x50xi32>
    %convert_element_type3A = arith.sitofp %iota3A : vector<1x50xi32> to vector<1x50xf32>
    %mul3A = arith.constant 0.20408164 : f32
    %mul3A_2 = vector.broadcast %mul3A : f32 to vector<1x50xf32>
    %mul3A_3 = arith.mulf %mul3A_2, %convert_element_type3A : vector<1x50xf32>
    %sub3A = vector.broadcast %get3A_1 : vector<2048x1xf32> to vector<2048x50xf32>
    %sub3A_4 = vector.broadcast %mul3A_3 : vector<1x50xf32> to vector<2048x50xf32>
    %sub3A_5 = arith.subf %sub3A, %sub3A_4 : vector<2048x50xf32>
    %integer_pow3A = arith.mulf %sub3A_5, %sub3A_5 : vector<2048x50xf32>
    %mul3A_6 = arith.constant -1.200500e+01 : f32
    %mul3A_7 = vector.broadcast %mul3A_6 : f32 to vector<2048x50xf32>
    %mul3A_8 = arith.mulf %mul3A_7, %integer_pow3A : vector<2048x50xf32>
    %exp3A = math.exp %mul3A_8 : vector<2048x50xf32>
    %get3A_9 = arith.constant 0 : index
    %get3A_10 = arith.constant 0 : index
    %get3A_11 = vector.load %arg2[%get3A_9, %get3A_10] : memref<50x128xf32, #tpu.memory_space<vmem>>, vector<50x128xf32>
    %dot_general3A = arith.constant dense<0.000000e+00> : vector<2048x128xf32>
    %dot_general3A_12 = tpu.matmul %exp3A, %get3A_11, %dot_general3A {dimension_numbers = #tpu.dot_dimension_numbers<[1], [0], [0], [1], [0, 0, 1, 1], [], []>, transpose_lhs_hint = false} : vector<2048x50xf32>, vector<50x128xf32>, vector<2048x128xf32> -> vector<2048x128xf32>
    %get3A_13 = arith.constant 0 : index
    %get3A_14 = arith.constant 0 : index
    %get3A_15 = vector.load %arg3[%get3A_13, %get3A_14] : memref<1x128xf32, #tpu.memory_space<vmem>>, vector<1x128xf32>
    %add3A = vector.broadcast %get3A_15 : vector<1x128xf32> to vector<2048x128xf32>
    %add3A_16 = arith.addf %dot_general3A_12, %add3A : vector<2048x128xf32>
    %custom_jvp_call3A = arith.constant 0.000000e+00 : f32
    %max3A = vector.broadcast %custom_jvp_call3A : f32 to vector<2048x128xf32>
    %max3A_17 = arith.maximumf %add3A_16, %max3A : vector<2048x128xf32>
    %sub3A_18 = vector.broadcast %custom_jvp_call3A : f32 to vector<2048x128xf32>
    %sub3A_19 = arith.subf %add3A_16, %sub3A_18 : vector<2048x128xf32>
    %ne3A = arith.cmpf one, %sub3A_19, %sub3A_19 : vector<2048x128xf32>
    %add3A_20 = vector.broadcast %custom_jvp_call3A : f32 to vector<2048x128xf32>
    %add3A_21 = arith.addf %add3A_16, %add3A_20 : vector<2048x128xf32>
    %abs3A = math.absf %sub3A_19 : vector<2048x128xf32>
    %neg3A = arith.constant 0.000000e+00 : f32
    %neg3A_22 = vector.broadcast %neg3A : f32 to vector<2048x128xf32>
    %neg3A_23 = arith.subf %neg3A_22, %abs3A : vector<2048x128xf32>
    %exp3A_24 = math.exp %neg3A_23 : vector<2048x128xf32>
    %log1p3A = math.log1p %exp3A_24 : vector<2048x128xf32>
    %add3A_25 = arith.addf %max3A_17, %log1p3A : vector<2048x128xf32>
    %select_n3A = arith.select %ne3A, %add3A_21, %add3A_25 : vector<2048x128xi1>, vector<2048x128xf32>
    %log3A = arith.constant 2.000000e+00 : f32
    %log3A_26 = math.log %log3A : f32
    %sub3A_27 = vector.broadcast %log3A_26 : f32 to vector<2048x128xf32>
    %sub3A_28 = arith.subf %select_n3A, %sub3A_27 : vector<2048x128xf32>
    %get3A_29 = arith.constant 0 : index
    %get3A_30 = arith.constant 0 : index
    %get3A_31 = vector.load %arg4[%get3A_29, %get3A_30] : memref<128x128xf32, #tpu.memory_space<vmem>>, vector<128x128xf32>
    %dot_general3A_32 = arith.constant dense<0.000000e+00> : vector<2048x128xf32>
    %dot_general3A_33 = tpu.matmul %sub3A_28, %get3A_31, %dot_general3A_32 {dimension_numbers = #tpu.dot_dimension_numbers<[1], [0], [0], [1], [0, 0, 1, 1], [], []>, transpose_lhs_hint = false} : vector<2048x128xf32>, vector<128x128xf32>, vector<2048x128xf32> -> vector<2048x128xf32>
    %get3A_34 = arith.constant 0 : index
    %get3A_35 = arith.constant 0 : index
    %get3A_36 = vector.load %arg5[%get3A_34, %get3A_35] : memref<1x128xf32, #tpu.memory_space<vmem>>, vector<1x128xf32>
    %add3A_37 = vector.broadcast %get3A_36 : vector<1x128xf32> to vector<2048x128xf32>
    %add3A_38 = arith.addf %dot_general3A_33, %add3A_37 : vector<2048x128xf32>
    %mul3A_39 = arith.constant 0.314159274 : f32
    %mul3A_40 = vector.broadcast %mul3A_39 : f32 to vector<2048x1xf32>
    %mul3A_41 = arith.mulf %get3A_1, %mul3A_40 : vector<2048x1xf32>
    %cos3A = math.cos %mul3A_41 : vector<2048x1xf32>
    %add3A_42 = arith.constant 1.000000e+00 : f32
    %add3A_43 = vector.broadcast %add3A_42 : f32 to vector<2048x1xf32>
    %add3A_44 = arith.addf %cos3A, %add3A_43 : vector<2048x1xf32>
    %mul3A_45 = arith.constant 5.000000e-01 : f32
    %mul3A_46 = vector.broadcast %mul3A_45 : f32 to vector<2048x1xf32>
    %mul3A_47 = arith.mulf %mul3A_46, %add3A_44 : vector<2048x1xf32>
    %mul3A_48 = vector.broadcast %mul3A_47 : vector<2048x1xf32> to vector<2048x128xf32>
    %mul3A_49 = arith.mulf %add3A_38, %mul3A_48 : vector<2048x128xf32>
    %swap3A = arith.constant 0 : index
    %swap3A_50 = arith.constant 0 : index
    %swap3A_51 = vector.load %arg6[%swap3A, %swap3A_50] : memref<2048x128xf32, #tpu.memory_space<vmem>>, vector<2048x128xf32>
    tpu.vector_store %arg6[%swap3A, %swap3A_50], %mul3A_49 {strides = array<i32>} : memref<2048x128xf32, #tpu.memory_space<vmem>>, vector<2048x128xf32>,
    return
  }
  func.func @transform_0(%arg0: i32) -> (i32, i32) {
    %c0_i32 = arith.constant 0 : i32
    %c0_i32_0 = arith.constant 0 : i32
    return %arg0, %c0_i32 : i32, i32
  }
  func.func @transform_1(%arg0: i32) -> (i32, i32) {
    %c0_i32 = arith.constant 0 : i32
    %c0_i32_0 = arith.constant 0 : i32
    %c0_i32_1 = arith.constant 0 : i32
    return %c0_i32, %c0_i32_0 : i32, i32
  }
  func.func @transform_2(%arg0: i32) -> (i32, i32) {
    %c0_i32 = arith.constant 0 : i32
    %c0_i32_0 = arith.constant 0 : i32
    %c0_i32_1 = arith.constant 0 : i32
    return %c0_i32, %c0_i32_0 : i32, i32
  }
  func.func @transform_3(%arg0: i32) -> (i32, i32) {
    %c0_i32 = arith.constant 0 : i32
    %c0_i32_0 = arith.constant 0 : i32
    %c0_i32_1 = arith.constant 0 : i32
    return %c0_i32, %c0_i32_0 : i32, i32
  }
  func.func @transform_4(%arg0: i32) -> (i32, i32) {
    %c0_i32 = arith.constant 0 : i32
    %c0_i32_0 = arith.constant 0 : i32
    %c0_i32_1 = arith.constant 0 : i32
    return %c0_i32, %c0_i32_0 : i32, i32
  }
  func.func @transform_5(%arg0: i32) -> (i32, i32) {
    %c0_i32 = arith.constant 0 : i32
    %c0_i32_0 = arith.constant 0 : i32
    return %arg0, %c0_i32 : i32, i32
  }
}

module attributes {stable_mosaic.version = 14 : i64} {
  func.func @_update_body(%arg0: i32, %arg1: memref<2x1024x128xf32, #tpu.memory_space<vmem>>, %arg2: memref<1024x128xf32, #tpu.memory_space<vmem>>, %arg3: memref<128x128xf32, #tpu.memory_space<vmem>>, %arg4: memref<1x128xf32, #tpu.memory_space<vmem>>, %arg5: memref<128x128xf32, #tpu.memory_space<vmem>>, %arg6: memref<1x128xf32, #tpu.memory_space<vmem>>, %arg7: memref<128x128xf32, #tpu.memory_space<vmem>>, %arg8: memref<1024x128xf32, #tpu.memory_space<vmem>>, %arg9: memref<1024x128xf32, #tpu.memory_space<vmem>>) attributes {dimension_semantics = [#tpu.dimension_semantics<arbitrary>], iteration_bounds = array<i64: 10>, scalar_prefetch = 0 : i64, scratch_operands = 0 : i64, tpu.core_type = #tpu.core_type<tc>, window_params = [{transform_indices = @transform_0, window_bounds = array<i64: 2, 1024, 128>}, {transform_indices = @transform_1, window_bounds = array<i64: 1024, 128>}, {pipeline_mode = #tpu.pipeline_mode<synchronous>, transform_indices = @transform_2, window_bounds = array<i64: 128, 128>}, {pipeline_mode = #tpu.pipeline_mode<synchronous>, transform_indices = @transform_3, window_bounds = array<i64: 1, 128>}, {pipeline_mode = #tpu.pipeline_mode<synchronous>, transform_indices = @transform_4, window_bounds = array<i64: 128, 128>}, {pipeline_mode = #tpu.pipeline_mode<synchronous>, transform_indices = @transform_5, window_bounds = array<i64: 1, 128>}, {pipeline_mode = #tpu.pipeline_mode<synchronous>, transform_indices = @transform_6, window_bounds = array<i64: 128, 128>}, {transform_indices = @transform_7, window_bounds = array<i64: 1024, 128>}, {transform_indices = @transform_8, window_bounds = array<i64: 1024, 128>}]} {
    %get3A = arith.constant 0 : index
    %get3A_0 = arith.constant 0 : index
    %get3A_1 = arith.constant 0 : index
    %get3A_2 = vector.load %arg1[%get3A, %get3A_0, %get3A_1] : memref<2x1024x128xf32, #tpu.memory_space<vmem>>, vector<1x1024x128xf32>
    %get3A_3 = vector.shape_cast %get3A_2 : vector<1x1024x128xf32> to vector<1024x128xf32>
    %get3A_4 = arith.constant 1 : index
    %get3A_5 = arith.constant 0 : index
    %get3A_6 = arith.constant 0 : index
    %get3A_7 = vector.load %arg1[%get3A_4, %get3A_5, %get3A_6] : memref<2x1024x128xf32, #tpu.memory_space<vmem>>, vector<1x1024x128xf32>
    %get3A_8 = vector.shape_cast %get3A_7 : vector<1x1024x128xf32> to vector<1024x128xf32>
    %add3A = arith.addf %get3A_3, %get3A_8 : vector<1024x128xf32>
    %get3A_9 = arith.constant 0 : index
    %get3A_10 = arith.constant 0 : index
    %get3A_11 = vector.load %arg3[%get3A_9, %get3A_10] : memref<128x128xf32, #tpu.memory_space<vmem>>, vector<128x128xf32>
    %dot_general3A = arith.constant dense<0.000000e+00> : vector<1024x128xf32>
    %dot_general3A_12 = tpu.matmul %add3A, %get3A_11, %dot_general3A {dimension_numbers = #tpu.dot_dimension_numbers<[1], [0], [0], [1], [0, 0, 1, 1], [], []>, transpose_lhs_hint = false} : vector<1024x128xf32>, vector<128x128xf32>, vector<1024x128xf32> -> vector<1024x128xf32>
    %get3A_13 = arith.constant 0 : index
    %get3A_14 = arith.constant 0 : index
    %get3A_15 = vector.load %arg4[%get3A_13, %get3A_14] : memref<1x128xf32, #tpu.memory_space<vmem>>, vector<1x128xf32>
    %add3A_16 = vector.broadcast %get3A_15 : vector<1x128xf32> to vector<1024x128xf32>
    %add3A_17 = arith.addf %dot_general3A_12, %add3A_16 : vector<1024x128xf32>
    %custom_jvp_call3A = arith.constant 0.000000e+00 : f32
    %max3A = vector.broadcast %custom_jvp_call3A : f32 to vector<1024x128xf32>
    %max3A_18 = arith.maximumf %add3A_17, %max3A : vector<1024x128xf32>
    %sub3A = vector.broadcast %custom_jvp_call3A : f32 to vector<1024x128xf32>
    %sub3A_19 = arith.subf %add3A_17, %sub3A : vector<1024x128xf32>
    %ne3A = arith.cmpf one, %sub3A_19, %sub3A_19 : vector<1024x128xf32>
    %add3A_20 = vector.broadcast %custom_jvp_call3A : f32 to vector<1024x128xf32>
    %add3A_21 = arith.addf %add3A_17, %add3A_20 : vector<1024x128xf32>
    %abs3A = math.absf %sub3A_19 : vector<1024x128xf32>
    %neg3A = arith.constant 0.000000e+00 : f32
    %neg3A_22 = vector.broadcast %neg3A : f32 to vector<1024x128xf32>
    %neg3A_23 = arith.subf %neg3A_22, %abs3A : vector<1024x128xf32>
    %exp3A = math.exp %neg3A_23 : vector<1024x128xf32>
    %log1p3A = math.log1p %exp3A : vector<1024x128xf32>
    %add3A_24 = arith.addf %max3A_18, %log1p3A : vector<1024x128xf32>
    %select_n3A = arith.select %ne3A, %add3A_21, %add3A_24 : vector<1024x128xi1>, vector<1024x128xf32>
    %log3A = arith.constant 2.000000e+00 : f32
    %log3A_25 = math.log %log3A : f32
    %sub3A_26 = vector.broadcast %log3A_25 : f32 to vector<1024x128xf32>
    %sub3A_27 = arith.subf %select_n3A, %sub3A_26 : vector<1024x128xf32>
    %get3A_28 = arith.constant 0 : index
    %get3A_29 = arith.constant 0 : index
    %get3A_30 = vector.load %arg5[%get3A_28, %get3A_29] : memref<128x128xf32, #tpu.memory_space<vmem>>, vector<128x128xf32>
    %dot_general3A_31 = arith.constant dense<0.000000e+00> : vector<1024x128xf32>
    %dot_general3A_32 = tpu.matmul %sub3A_27, %get3A_30, %dot_general3A_31 {dimension_numbers = #tpu.dot_dimension_numbers<[1], [0], [0], [1], [0, 0, 1, 1], [], []>, transpose_lhs_hint = false} : vector<1024x128xf32>, vector<128x128xf32>, vector<1024x128xf32> -> vector<1024x128xf32>
    %get3A_33 = arith.constant 0 : index
    %get3A_34 = arith.constant 0 : index
    %get3A_35 = vector.load %arg6[%get3A_33, %get3A_34] : memref<1x128xf32, #tpu.memory_space<vmem>>, vector<1x128xf32>
    %add3A_36 = vector.broadcast %get3A_35 : vector<1x128xf32> to vector<1024x128xf32>
    %add3A_37 = arith.addf %dot_general3A_32, %add3A_36 : vector<1024x128xf32>
    %get3A_38 = arith.constant 0 : index
    %get3A_39 = arith.constant 0 : index
    %get3A_40 = vector.load %arg2[%get3A_38, %get3A_39] : memref<1024x128xf32, #tpu.memory_space<vmem>>, vector<1024x128xf32>
    %add3A_41 = arith.addf %get3A_40, %add3A_37 : vector<1024x128xf32>
    %swap3A = arith.constant 0 : index
    %swap3A_42 = arith.constant 0 : index
    %swap3A_43 = vector.load %arg8[%swap3A, %swap3A_42] : memref<1024x128xf32, #tpu.memory_space<vmem>>, vector<1024x128xf32>
    tpu.vector_store %arg8[%swap3A, %swap3A_42], %add3A_41 {strides = array<i32>} : memref<1024x128xf32, #tpu.memory_space<vmem>>, vector<1024x128xf32>,
    %get3A_44 = arith.constant 0 : index
    %get3A_45 = arith.constant 0 : index
    %get3A_46 = vector.load %arg7[%get3A_44, %get3A_45] : memref<128x128xf32, #tpu.memory_space<vmem>>, vector<128x128xf32>
    %dot_general3A_47 = arith.constant dense<0.000000e+00> : vector<1024x128xf32>
    %dot_general3A_48 = tpu.matmul %add3A_41, %get3A_46, %dot_general3A_47 {dimension_numbers = #tpu.dot_dimension_numbers<[1], [0], [0], [1], [0, 0, 1, 1], [], []>, transpose_lhs_hint = false} : vector<1024x128xf32>, vector<128x128xf32>, vector<1024x128xf32> -> vector<1024x128xf32>
    %swap3A_49 = arith.constant 0 : index
    %swap3A_50 = arith.constant 0 : index
    %swap3A_51 = vector.load %arg9[%swap3A_49, %swap3A_50] : memref<1024x128xf32, #tpu.memory_space<vmem>>, vector<1024x128xf32>
    tpu.vector_store %arg9[%swap3A_49, %swap3A_50], %dot_general3A_48 {strides = array<i32>} : memref<1024x128xf32, #tpu.memory_space<vmem>>, vector<1024x128xf32>,
    return
  }
  func.func @transform_0(%arg0: i32) -> (i32, i32, i32) {
    %c0_i32 = arith.constant 0 : i32
    %c0_i32_0 = arith.constant 0 : i32
    %c0_i32_1 = arith.constant 0 : i32
    return %c0_i32, %arg0, %c0_i32_0 : i32, i32, i32
  }
  func.func @transform_1(%arg0: i32) -> (i32, i32) {
    %c0_i32 = arith.constant 0 : i32
    %c0_i32_0 = arith.constant 0 : i32
    return %arg0, %c0_i32 : i32, i32
  }
  func.func @transform_2(%arg0: i32) -> (i32, i32) {
    %c0_i32 = arith.constant 0 : i32
    %c0_i32_0 = arith.constant 0 : i32
    %c0_i32_1 = arith.constant 0 : i32
    return %c0_i32, %c0_i32_0 : i32, i32
  }
  func.func @transform_3(%arg0: i32) -> (i32, i32) {
    %c0_i32 = arith.constant 0 : i32
    %c0_i32_0 = arith.constant 0 : i32
    %c0_i32_1 = arith.constant 0 : i32
    return %c0_i32, %c0_i32_0 : i32, i32
  }
  func.func @transform_4(%arg0: i32) -> (i32, i32) {
    %c0_i32 = arith.constant 0 : i32
    %c0_i32_0 = arith.constant 0 : i32
    %c0_i32_1 = arith.constant 0 : i32
    return %c0_i32, %c0_i32_0 : i32, i32
  }
  func.func @transform_5(%arg0: i32) -> (i32, i32) {
    %c0_i32 = arith.constant 0 : i32
    %c0_i32_0 = arith.constant 0 : i32
    %c0_i32_1 = arith.constant 0 : i32
    return %c0_i32, %c0_i32_0 : i32, i32
  }
  func.func @transform_6(%arg0: i32) -> (i32, i32) {
    %c0_i32 = arith.constant 0 : i32
    %c0_i32_0 = arith.constant 0 : i32
    %c0_i32_1 = arith.constant 0 : i32
    return %c0_i32, %c0_i32_0 : i32, i32
  }
  func.func @transform_7(%arg0: i32) -> (i32, i32) {
    %c0_i32 = arith.constant 0 : i32
    %c0_i32_0 = arith.constant 0 : i32
    return %arg0, %c0_i32 : i32, i32
  }
  func.func @transform_8(%arg0: i32) -> (i32, i32) {
    %c0_i32 = arith.constant 0 : i32
    %c0_i32_0 = arith.constant 0 : i32
    return %arg0, %c0_i32 : i32, i32
  }
}

module attributes {stable_mosaic.version = 14 : i64} {
  func.func @_update_body(%arg0: i32, %arg1: memref<2x1024x128xf32, #tpu.memory_space<vmem>>, %arg2: memref<1024x128xf32, #tpu.memory_space<vmem>>, %arg3: memref<128x128xf32, #tpu.memory_space<vmem>>, %arg4: memref<1x128xf32, #tpu.memory_space<vmem>>, %arg5: memref<128x128xf32, #tpu.memory_space<vmem>>, %arg6: memref<1x128xf32, #tpu.memory_space<vmem>>, %arg7: memref<128x128xf32, #tpu.memory_space<vmem>>, %arg8: memref<1024x128xf32, #tpu.memory_space<vmem>>, %arg9: memref<1024x128xf32, #tpu.memory_space<vmem>>) attributes {dimension_semantics = [#tpu.dimension_semantics<arbitrary>], iteration_bounds = array<i64: 10>, scalar_prefetch = 0 : i64, scratch_operands = 0 : i64, tpu.core_type = #tpu.core_type<tc>, window_params = [{transform_indices = @transform_0, window_bounds = array<i64: 2, 1024, 128>}, {transform_indices = @transform_1, window_bounds = array<i64: 1024, 128>}, {pipeline_mode = #tpu.pipeline_mode<synchronous>, transform_indices = @transform_2, window_bounds = array<i64: 128, 128>}, {pipeline_mode = #tpu.pipeline_mode<synchronous>, transform_indices = @transform_3, window_bounds = array<i64: 1, 128>}, {pipeline_mode = #tpu.pipeline_mode<synchronous>, transform_indices = @transform_4, window_bounds = array<i64: 128, 128>}, {pipeline_mode = #tpu.pipeline_mode<synchronous>, transform_indices = @transform_5, window_bounds = array<i64: 1, 128>}, {pipeline_mode = #tpu.pipeline_mode<synchronous>, transform_indices = @transform_6, window_bounds = array<i64: 128, 128>}, {transform_indices = @transform_7, window_bounds = array<i64: 1024, 128>}, {transform_indices = @transform_8, window_bounds = array<i64: 1024, 128>}]} {
    %get3A = arith.constant 0 : index
    %get3A_0 = arith.constant 0 : index
    %get3A_1 = arith.constant 0 : index
    %get3A_2 = vector.load %arg1[%get3A, %get3A_0, %get3A_1] : memref<2x1024x128xf32, #tpu.memory_space<vmem>>, vector<1x1024x128xf32>
    %get3A_3 = vector.shape_cast %get3A_2 : vector<1x1024x128xf32> to vector<1024x128xf32>
    %get3A_4 = arith.constant 1 : index
    %get3A_5 = arith.constant 0 : index
    %get3A_6 = arith.constant 0 : index
    %get3A_7 = vector.load %arg1[%get3A_4, %get3A_5, %get3A_6] : memref<2x1024x128xf32, #tpu.memory_space<vmem>>, vector<1x1024x128xf32>
    %get3A_8 = vector.shape_cast %get3A_7 : vector<1x1024x128xf32> to vector<1024x128xf32>
    %add3A = arith.addf %get3A_3, %get3A_8 : vector<1024x128xf32>
    %get3A_9 = arith.constant 0 : index
    %get3A_10 = arith.constant 0 : index
    %get3A_11 = vector.load %arg3[%get3A_9, %get3A_10] : memref<128x128xf32, #tpu.memory_space<vmem>>, vector<128x128xf32>
    %dot_general3A = arith.constant dense<0.000000e+00> : vector<1024x128xf32>
    %dot_general3A_12 = tpu.matmul %add3A, %get3A_11, %dot_general3A {dimension_numbers = #tpu.dot_dimension_numbers<[1], [0], [0], [1], [0, 0, 1, 1], [], []>, transpose_lhs_hint = false} : vector<1024x128xf32>, vector<128x128xf32>, vector<1024x128xf32> -> vector<1024x128xf32>
    %get3A_13 = arith.constant 0 : index
    %get3A_14 = arith.constant 0 : index
    %get3A_15 = vector.load %arg4[%get3A_13, %get3A_14] : memref<1x128xf32, #tpu.memory_space<vmem>>, vector<1x128xf32>
    %add3A_16 = vector.broadcast %get3A_15 : vector<1x128xf32> to vector<1024x128xf32>
    %add3A_17 = arith.addf %dot_general3A_12, %add3A_16 : vector<1024x128xf32>
    %custom_jvp_call3A = arith.constant 0.000000e+00 : f32
    %max3A = vector.broadcast %custom_jvp_call3A : f32 to vector<1024x128xf32>
    %max3A_18 = arith.maximumf %add3A_17, %max3A : vector<1024x128xf32>
    %sub3A = vector.broadcast %custom_jvp_call3A : f32 to vector<1024x128xf32>
    %sub3A_19 = arith.subf %add3A_17, %sub3A : vector<1024x128xf32>
    %ne3A = arith.cmpf one, %sub3A_19, %sub3A_19 : vector<1024x128xf32>
    %add3A_20 = vector.broadcast %custom_jvp_call3A : f32 to vector<1024x128xf32>
    %add3A_21 = arith.addf %add3A_17, %add3A_20 : vector<1024x128xf32>
    %abs3A = math.absf %sub3A_19 : vector<1024x128xf32>
    %neg3A = arith.constant 0.000000e+00 : f32
    %neg3A_22 = vector.broadcast %neg3A : f32 to vector<1024x128xf32>
    %neg3A_23 = arith.subf %neg3A_22, %abs3A : vector<1024x128xf32>
    %exp3A = math.exp %neg3A_23 : vector<1024x128xf32>
    %log1p3A = math.log1p %exp3A : vector<1024x128xf32>
    %add3A_24 = arith.addf %max3A_18, %log1p3A : vector<1024x128xf32>
    %select_n3A = arith.select %ne3A, %add3A_21, %add3A_24 : vector<1024x128xi1>, vector<1024x128xf32>
    %log3A = arith.constant 2.000000e+00 : f32
    %log3A_25 = math.log %log3A : f32
    %sub3A_26 = vector.broadcast %log3A_25 : f32 to vector<1024x128xf32>
    %sub3A_27 = arith.subf %select_n3A, %sub3A_26 : vector<1024x128xf32>
    %get3A_28 = arith.constant 0 : index
    %get3A_29 = arith.constant 0 : index
    %get3A_30 = vector.load %arg5[%get3A_28, %get3A_29] : memref<128x128xf32, #tpu.memory_space<vmem>>, vector<128x128xf32>
    %dot_general3A_31 = arith.constant dense<0.000000e+00> : vector<1024x128xf32>
    %dot_general3A_32 = tpu.matmul %sub3A_27, %get3A_30, %dot_general3A_31 {dimension_numbers = #tpu.dot_dimension_numbers<[1], [0], [0], [1], [0, 0, 1, 1], [], []>, transpose_lhs_hint = false} : vector<1024x128xf32>, vector<128x128xf32>, vector<1024x128xf32> -> vector<1024x128xf32>
    %get3A_33 = arith.constant 0 : index
    %get3A_34 = arith.constant 0 : index
    %get3A_35 = vector.load %arg6[%get3A_33, %get3A_34] : memref<1x128xf32, #tpu.memory_space<vmem>>, vector<1x128xf32>
    %add3A_36 = vector.broadcast %get3A_35 : vector<1x128xf32> to vector<1024x128xf32>
    %add3A_37 = arith.addf %dot_general3A_32, %add3A_36 : vector<1024x128xf32>
    %get3A_38 = arith.constant 0 : index
    %get3A_39 = arith.constant 0 : index
    %get3A_40 = vector.load %arg2[%get3A_38, %get3A_39] : memref<1024x128xf32, #tpu.memory_space<vmem>>, vector<1024x128xf32>
    %add3A_41 = arith.addf %get3A_40, %add3A_37 : vector<1024x128xf32>
    %swap3A = arith.constant 0 : index
    %swap3A_42 = arith.constant 0 : index
    %swap3A_43 = vector.load %arg8[%swap3A, %swap3A_42] : memref<1024x128xf32, #tpu.memory_space<vmem>>, vector<1024x128xf32>
    tpu.vector_store %arg8[%swap3A, %swap3A_42], %add3A_41 {strides = array<i32>} : memref<1024x128xf32, #tpu.memory_space<vmem>>, vector<1024x128xf32>,
    %get3A_44 = arith.constant 0 : index
    %get3A_45 = arith.constant 0 : index
    %get3A_46 = vector.load %arg7[%get3A_44, %get3A_45] : memref<128x128xf32, #tpu.memory_space<vmem>>, vector<128x128xf32>
    %dot_general3A_47 = arith.constant dense<0.000000e+00> : vector<1024x128xf32>
    %dot_general3A_48 = tpu.matmul %add3A_41, %get3A_46, %dot_general3A_47 {dimension_numbers = #tpu.dot_dimension_numbers<[1], [0], [0], [1], [0, 0, 1, 1], [], []>, transpose_lhs_hint = false} : vector<1024x128xf32>, vector<128x128xf32>, vector<1024x128xf32> -> vector<1024x128xf32>
    %swap3A_49 = arith.constant 0 : index
    %swap3A_50 = arith.constant 0 : index
    %swap3A_51 = vector.load %arg9[%swap3A_49, %swap3A_50] : memref<1024x128xf32, #tpu.memory_space<vmem>>, vector<1024x128xf32>
    tpu.vector_store %arg9[%swap3A_49, %swap3A_50], %dot_general3A_48 {strides = array<i32>} : memref<1024x128xf32, #tpu.memory_space<vmem>>, vector<1024x128xf32>,
    return
  }
  func.func @transform_0(%arg0: i32) -> (i32, i32, i32) {
    %c0_i32 = arith.constant 0 : i32
    %c0_i32_0 = arith.constant 0 : i32
    %c0_i32_1 = arith.constant 0 : i32
    return %c0_i32, %arg0, %c0_i32_0 : i32, i32, i32
  }
  func.func @transform_1(%arg0: i32) -> (i32, i32) {
    %c0_i32 = arith.constant 0 : i32
    %c0_i32_0 = arith.constant 0 : i32
    return %arg0, %c0_i32 : i32, i32
  }
  func.func @transform_2(%arg0: i32) -> (i32, i32) {
    %c0_i32 = arith.constant 0 : i32
    %c0_i32_0 = arith.constant 0 : i32
    %c0_i32_1 = arith.constant 0 : i32
    return %c0_i32, %c0_i32_0 : i32, i32
  }
  func.func @transform_3(%arg0: i32) -> (i32, i32) {
    %c0_i32 = arith.constant 0 : i32
    %c0_i32_0 = arith.constant 0 : i32
    %c0_i32_1 = arith.constant 0 : i32
    return %c0_i32, %c0_i32_0 : i32, i32
  }
  func.func @transform_4(%arg0: i32) -> (i32, i32) {
    %c0_i32 = arith.constant 0 : i32
    %c0_i32_0 = arith.constant 0 : i32
    %c0_i32_1 = arith.constant 0 : i32
    return %c0_i32, %c0_i32_0 : i32, i32
  }
  func.func @transform_5(%arg0: i32) -> (i32, i32) {
    %c0_i32 = arith.constant 0 : i32
    %c0_i32_0 = arith.constant 0 : i32
    %c0_i32_1 = arith.constant 0 : i32
    return %c0_i32, %c0_i32_0 : i32, i32
  }
  func.func @transform_6(%arg0: i32) -> (i32, i32) {
    %c0_i32 = arith.constant 0 : i32
    %c0_i32_0 = arith.constant 0 : i32
    %c0_i32_1 = arith.constant 0 : i32
    return %c0_i32, %c0_i32_0 : i32, i32
  }
  func.func @transform_7(%arg0: i32) -> (i32, i32) {
    %c0_i32 = arith.constant 0 : i32
    %c0_i32_0 = arith.constant 0 : i32
    return %arg0, %c0_i32 : i32, i32
  }
  func.func @transform_8(%arg0: i32) -> (i32, i32) {
    %c0_i32 = arith.constant 0 : i32
    %c0_i32_0 = arith.constant 0 : i32
    return %arg0, %c0_i32 : i32, i32
  }
}

module attributes {stable_mosaic.version = 14 : i64} {
  func.func @_readout_body(%arg0: i32, %arg1: memref<1024x128xf32, #tpu.memory_space<vmem>>, %arg2: memref<128x64xf32, #tpu.memory_space<vmem>>, %arg3: memref<1x64xf32, #tpu.memory_space<vmem>>, %arg4: memref<64x64xf32, #tpu.memory_space<vmem>>, %arg5: memref<1x64xf32, #tpu.memory_space<vmem>>, %arg6: memref<64x12xf32, #tpu.memory_space<vmem>>, %arg7: memref<1x12xf32, #tpu.memory_space<vmem>>, %arg8: memref<1x12xf32, #tpu.memory_space<vmem>>, %arg9: memref<1x64xf32, #tpu.memory_space<vmem>>) attributes {dimension_semantics = [#tpu.dimension_semantics<arbitrary>], iteration_bounds = array<i64: 10>, scalar_prefetch = 0 : i64, scratch_operands = 1 : i64, tpu.core_type = #tpu.core_type<tc>, window_params = [{transform_indices = @transform_0, window_bounds = array<i64: 1024, 128>}, {pipeline_mode = #tpu.pipeline_mode<synchronous>, transform_indices = @transform_1, window_bounds = array<i64: 128, 64>}, {pipeline_mode = #tpu.pipeline_mode<synchronous>, transform_indices = @transform_2, window_bounds = array<i64: 1, 64>}, {pipeline_mode = #tpu.pipeline_mode<synchronous>, transform_indices = @transform_3, window_bounds = array<i64: 64, 64>}, {pipeline_mode = #tpu.pipeline_mode<synchronous>, transform_indices = @transform_4, window_bounds = array<i64: 1, 64>}, {pipeline_mode = #tpu.pipeline_mode<synchronous>, transform_indices = @transform_5, window_bounds = array<i64: 64, 12>}, {pipeline_mode = #tpu.pipeline_mode<synchronous>, transform_indices = @transform_6, window_bounds = array<i64: 1, 12>}, {pipeline_mode = #tpu.pipeline_mode<synchronous>, transform_indices = @transform_7, window_bounds = array<i64: 1, 12>}]} {
    %eq3A = arith.constant 0 : i32
    %eq3A_0 = arith.cmpi eq, %arg0, %eq3A : i32
    %convert_element_type3A = arith.extui %eq3A_0 : i1 to i32
    %cond3A = arith.constant 0 : i32
    %cond3A_1 = arith.cmpi ne, %convert_element_type3A, %cond3A : i32
    scf.if %cond3A_1 {
      %broadcast_in_dim3A_43 = arith.constant 0.000000e+00 : f32
      %broadcast_in_dim3A_44 = vector.broadcast %broadcast_in_dim3A_43 : f32 to vector<1x64xf32>
      %swap3A_45 = arith.constant 0 : index
      %swap3A_46 = arith.constant 0 : index
      %swap3A_47 = vector.load %arg9[%swap3A_45, %swap3A_46] : memref<1x64xf32, #tpu.memory_space<vmem>>, vector<1x64xf32>
      tpu.vector_store %arg9[%swap3A_45, %swap3A_46], %broadcast_in_dim3A_44 {strides = array<i32>} : memref<1x64xf32, #tpu.memory_space<vmem>>, vector<1x64xf32>,
    } else {
    }
    %mul3A = arith.constant 1024 : i32
    %mul3A_2 = arith.muli %arg0, %mul3A : i32
    %iota3A = tpu.iota {dimensions = array<i32: 0>} : vector<1024x1xi32>
    %add3A = vector.broadcast %mul3A_2 : i32 to vector<1024x1xi32>
    %add3A_3 = arith.addi %add3A, %iota3A : vector<1024x1xi32>
    %lt3A = arith.constant 10000 : i32
    %lt3A_4 = vector.broadcast %lt3A : i32 to vector<1024x1xi32>
    %lt3A_5 = arith.cmpi slt, %add3A_3, %lt3A_4 : vector<1024x1xi32>
    %convert_element_type3A_6 = arith.extui %lt3A_5 : vector<1024x1xi1> to vector<1024x1xi32>
    %convert_element_type3A_7 = arith.sitofp %convert_element_type3A_6 : vector<1024x1xi32> to vector<1024x1xf32>
    %get3A = arith.constant 0 : index
    %get3A_8 = arith.constant 0 : index
    %get3A_9 = vector.load %arg1[%get3A, %get3A_8] : memref<1024x128xf32, #tpu.memory_space<vmem>>, vector<1024x128xf32>
    %get3A_10 = arith.constant 0 : index
    %get3A_11 = arith.constant 0 : index
    %get3A_12 = vector.load %arg2[%get3A_10, %get3A_11] : memref<128x64xf32, #tpu.memory_space<vmem>>, vector<128x64xf32>
    %dot_general3A = arith.constant dense<0.000000e+00> : vector<1024x64xf32>
    %dot_general3A_13 = tpu.matmul %get3A_9, %get3A_12, %dot_general3A {dimension_numbers = #tpu.dot_dimension_numbers<[1], [0], [0], [1], [0, 0, 1, 1], [], []>, transpose_lhs_hint = false} : vector<1024x128xf32>, vector<128x64xf32>, vector<1024x64xf32> -> vector<1024x64xf32>
    %get3A_14 = arith.constant 0 : index
    %get3A_15 = arith.constant 0 : index
    %get3A_16 = vector.load %arg3[%get3A_14, %get3A_15] : memref<1x64xf32, #tpu.memory_space<vmem>>, vector<1x64xf32>
    %add3A_17 = vector.broadcast %get3A_16 : vector<1x64xf32> to vector<1024x64xf32>
    %add3A_18 = arith.addf %dot_general3A_13, %add3A_17 : vector<1024x64xf32>
    %custom_jvp_call3A = arith.constant 0.000000e+00 : f32
    %max3A = vector.broadcast %custom_jvp_call3A : f32 to vector<1024x64xf32>
    %max3A_19 = arith.maximumf %add3A_18, %max3A : vector<1024x64xf32>
    %sub3A = vector.broadcast %custom_jvp_call3A : f32 to vector<1024x64xf32>
    %sub3A_20 = arith.subf %add3A_18, %sub3A : vector<1024x64xf32>
    %ne3A = arith.cmpf one, %sub3A_20, %sub3A_20 : vector<1024x64xf32>
    %add3A_21 = vector.broadcast %custom_jvp_call3A : f32 to vector<1024x64xf32>
    %add3A_22 = arith.addf %add3A_18, %add3A_21 : vector<1024x64xf32>
    %abs3A = math.absf %sub3A_20 : vector<1024x64xf32>
    %neg3A = arith.constant 0.000000e+00 : f32
    %neg3A_23 = vector.broadcast %neg3A : f32 to vector<1024x64xf32>
    %neg3A_24 = arith.subf %neg3A_23, %abs3A : vector<1024x64xf32>
    %exp3A = math.exp %neg3A_24 : vector<1024x64xf32>
    %log1p3A = math.log1p %exp3A : vector<1024x64xf32>
    %add3A_25 = arith.addf %max3A_19, %log1p3A : vector<1024x64xf32>
    %select_n3A = arith.select %ne3A, %add3A_22, %add3A_25 : vector<1024x64xi1>, vector<1024x64xf32>
    %log3A = arith.constant 2.000000e+00 : f32
    %log3A_26 = math.log %log3A : f32
    %sub3A_27 = vector.broadcast %log3A_26 : f32 to vector<1024x64xf32>
    %sub3A_28 = arith.subf %select_n3A, %sub3A_27 : vector<1024x64xf32>
    %get3A_29 = arith.constant 0 : index
    %get3A_30 = arith.constant 0 : index
    %get3A_31 = vector.load %arg9[%get3A_29, %get3A_30] : memref<1x64xf32, #tpu.memory_space<vmem>>, vector<1x64xf32>
    %mul3A_32 = vector.broadcast %convert_element_type3A_7 : vector<1024x1xf32> to vector<1024x64xf32>
    %mul3A_33 = arith.mulf %sub3A_28, %mul3A_32 : vector<1024x64xf32>
    %reduce_sum3A = arith.constant dense<0.000000e+00> : vector<64xf32>
    %reduce_sum3A_34 = vector.multi_reduction <add>, %mul3A_33, %reduce_sum3A [0] : vector<1024x64xf32> to vector<64xf32>
    %broadcast_in_dim3A = vector.shape_cast %reduce_sum3A_34 : vector<64xf32> to vector<1x64xf32>
    %add3A_35 = arith.addf %get3A_31, %broadcast_in_dim3A : vector<1x64xf32>
    %swap3A = arith.constant 0 : index
    %swap3A_36 = arith.constant 0 : index
    %swap3A_37 = vector.load %arg9[%swap3A, %swap3A_36] : memref<1x64xf32, #tpu.memory_space<vmem>>, vector<1x64xf32>
    tpu.vector_store %arg9[%swap3A, %swap3A_36], %add3A_35 {strides = array<i32>} : memref<1x64xf32, #tpu.memory_space<vmem>>, vector<1x64xf32>,
    %eq3A_38 = arith.constant 9 : i32
    %eq3A_39 = arith.cmpi eq, %arg0, %eq3A_38 : i32
    %convert_element_type3A_40 = arith.extui %eq3A_39 : i1 to i32
    %cond3A_41 = arith.constant 0 : i32
    %cond3A_42 = arith.cmpi ne, %convert_element_type3A_40, %cond3A_41 : i32
    scf.if %cond3A_42 {
      %get3A_43 = arith.constant 0 : index
      %get3A_44 = arith.constant 0 : index
      %get3A_45 = vector.load %arg9[%get3A_43, %get3A_44] : memref<1x64xf32, #tpu.memory_space<vmem>>, vector<1x64xf32>
      %get3A_46 = arith.constant 0 : index
      %get3A_47 = arith.constant 0 : index
      %get3A_48 = vector.load %arg4[%get3A_46, %get3A_47] : memref<64x64xf32, #tpu.memory_space<vmem>>, vector<64x64xf32>
      %dot_general3A_49 = arith.constant dense<0.000000e+00> : vector<1x64xf32>
      %dot_general3A_50 = tpu.matmul %get3A_45, %get3A_48, %dot_general3A_49 {dimension_numbers = #tpu.dot_dimension_numbers<[1], [0], [0], [1], [0, 0, 1, 1], [], []>, transpose_lhs_hint = false} : vector<1x64xf32>, vector<64x64xf32>, vector<1x64xf32> -> vector<1x64xf32>
      %get3A_51 = arith.constant 0 : index
      %get3A_52 = arith.constant 0 : index
      %get3A_53 = vector.load %arg5[%get3A_51, %get3A_52] : memref<1x64xf32, #tpu.memory_space<vmem>>, vector<1x64xf32>
      %mul3A_54 = arith.constant 1.000000e+04 : f32
      %mul3A_55 = vector.broadcast %mul3A_54 : f32 to vector<1x64xf32>
      %mul3A_56 = arith.mulf %mul3A_55, %get3A_53 : vector<1x64xf32>
      %add3A_57 = arith.addf %dot_general3A_50, %mul3A_56 : vector<1x64xf32>
      %get3A_58 = arith.constant 0 : index
      %get3A_59 = arith.constant 0 : index
      %get3A_60 = vector.load %arg6[%get3A_58, %get3A_59] : memref<64x12xf32, #tpu.memory_space<vmem>>, vector<64x12xf32>
      %dot_general3A_61 = arith.constant dense<0.000000e+00> : vector<1x12xf32>
      %dot_general3A_62 = tpu.matmul %add3A_57, %get3A_60, %dot_general3A_61 {dimension_numbers = #tpu.dot_dimension_numbers<[1], [0], [0], [1], [0, 0, 1, 1], [], []>, transpose_lhs_hint = false} : vector<1x64xf32>, vector<64x12xf32>, vector<1x12xf32> -> vector<1x12xf32>
      %get3A_63 = arith.constant 0 : index
      %get3A_64 = arith.constant 0 : index
      %get3A_65 = vector.load %arg7[%get3A_63, %get3A_64] : memref<1x12xf32, #tpu.memory_space<vmem>>, vector<1x12xf32>
      %add3A_66 = arith.addf %dot_general3A_62, %get3A_65 : vector<1x12xf32>
      %swap3A_67 = arith.constant 0 : index
      %swap3A_68 = arith.constant 0 : index
      %swap3A_69 = vector.load %arg8[%swap3A_67, %swap3A_68] : memref<1x12xf32, #tpu.memory_space<vmem>>, vector<1x12xf32>
      tpu.vector_store %arg8[%swap3A_67, %swap3A_68], %add3A_66 {strides = array<i32>} : memref<1x12xf32, #tpu.memory_space<vmem>>, vector<1x12xf32>,
    } else {
    }
    return
  }
  func.func @transform_0(%arg0: i32) -> (i32, i32) {
    %c0_i32 = arith.constant 0 : i32
    %c0_i32_0 = arith.constant 0 : i32
    return %arg0, %c0_i32 : i32, i32
  }
  func.func @transform_1(%arg0: i32) -> (i32, i32) {
    %c0_i32 = arith.constant 0 : i32
    %c0_i32_0 = arith.constant 0 : i32
    %c0_i32_1 = arith.constant 0 : i32
    return %c0_i32, %c0_i32_0 : i32, i32
  }
  func.func @transform_2(%arg0: i32) -> (i32, i32) {
    %c0_i32 = arith.constant 0 : i32
    %c0_i32_0 = arith.constant 0 : i32
    %c0_i32_1 = arith.constant 0 : i32
    return %c0_i32, %c0_i32_0 : i32, i32
  }
  func.func @transform_3(%arg0: i32) -> (i32, i32) {
    %c0_i32 = arith.constant 0 : i32
    %c0_i32_0 = arith.constant 0 : i32
    %c0_i32_1 = arith.constant 0 : i32
    return %c0_i32, %c0_i32_0 : i32, i32
  }
  func.func @transform_4(%arg0: i32) -> (i32, i32) {
    %c0_i32 = arith.constant 0 : i32
    %c0_i32_0 = arith.constant 0 : i32
    %c0_i32_1 = arith.constant 0 : i32
    return %c0_i32, %c0_i32_0 : i32, i32
  }
  func.func @transform_5(%arg0: i32) -> (i32, i32) {
    %c0_i32 = arith.constant 0 : i32
    %c0_i32_0 = arith.constant 0 : i32
    %c0_i32_1 = arith.constant 0 : i32
    return %c0_i32, %c0_i32_0 : i32, i32
  }
  func.func @transform_6(%arg0: i32) -> (i32, i32) {
    %c0_i32 = arith.constant 0 : i32
    %c0_i32_0 = arith.constant 0 : i32
    %c0_i32_1 = arith.constant 0 : i32
    return %c0_i32, %c0_i32_0 : i32, i32
  }
  func.func @transform_7(%arg0: i32) -> (i32, i32) {
    %c0_i32 = arith.constant 0 : i32
    %c0_i32_0 = arith.constant 0 : i32
    %c0_i32_1 = arith.constant 0 : i32
    return %c0_i32, %c0_i32_0 : i32, i32
  }
}

</mosaic_0001>

<sc_bundles>
// kernel: kernel.22.cloned.1.call-start
scs
__scs_entry_jumppad:
0x0: {  	(pc) =	sbr.rel $0x88, $3  }
0x1: {  	(tag) =	ssettag $0x0;
	lr =	simm.s32 $0x1  }
0x2: {  	[smem:$0x3F8E] =	sst lr;
	_ =	strace $0xD0000000  }
0x3: {  	_ = 	snop  }
0x4: {  	_ = 	snop  }
0x5: {  	_ = 	snop  }
0x6: {  	_ = 	snop  }
0x7: {  	_ = 	snop  }
__scs_overlays_trampoline_lowered:
0x8: {  	[smem:$0x3F9D] =	sst s0  }
0x9: {  	[smem:$0x3F9E] =	sst s1  }
0xa: {  	[smem:$0x3F9F] =	sst s2  }
0xb: {  	[smem:$0x3FA0] =	sst s3  }
0xc: {  	[smem:$0x3FA1] =	sst s4  }
0xd: {  	[smem:$0x3FA2] =	sst s5  }
0xe: {  	[smem:$0x3FA3] =	sst s6  }
0xf: {  	[smem:$0x3FA4] =	sst s7  }
0x10: {  	[smem:$0x3FA5] =	sst s8  }
0x11: {  	[smem:$0x3FA6] =	sst s9;
	s0 =	simm.s32 @!p0 $0x0  }
0x12: {  	s1 =	sld [smem:$0x3F8C];
	s0 =	simm.s32 @p0 $0x1  }
0x13: {  	[smem:$0x3FA7] =	sst s0;
	s0 =	simm.s32 @!p1 $0x0  }
0x14: {  	s2 =	sld [smem:$0x3F8B];
	s0 =	simm.s32 @p1 $0x1  }
0x15: {  	[smem:$0x3FA8] =	sst s0;
	s0 =	simm.s32 @!p2 $0x0  }
0x16: {  	s3 =	sld [smem:$0x3FDB];
	s0 =	simm.s32 @p2 $0x1  }
0x17: {  	s4 =	simm.s32 $0x1BF5;
	[smem:$0x3FAA] =	sst s0  }
0x18: {  	s0 =	sld [smem:$0x3F8D];
	_ =	swait.ge [sflag:s4], $0x0  }
0x19: {  	s7 =	sld [smem:$0x3F8E]  }
0x1a: {  	s8 =	sadd.s32 $0xFFFFE003, lr  }
0x1b: {  	s9 =	sadd.s32 $0xFFFFFEF7, lr;
	s5 =	simm.s32 $0xFFFFFFFF;
	p2 =	slt.u32 s8, $0xFFFFF086  }
0x1c: {  	p1 =	slt.u32 s9, $0xF7A;
	s5 =	simm.s32 @!p2 $0x0  }
0x1d: {  	s5 =	simm.s32 @p1 $0x1;
	p0 =	seq.s32 s7, s2  }
0x1e: {  	s7 =	smul.u32 @!p0 $0xF7A, s2;
	p2 =	seq.s32 @!p0 s5, $0x0  }
0x1f: {  	s9 =	smul.u32 $0xF7A, s1;
	s8 =	simm.s32 @!p0 $0x1BF5;
	p2 =	por !p2, p0  }
0x20: {  	[sflag:s8] =	ssyncset.s32 @!p0 $0xFFFFF086;
	s6 =	sadd.s32 @!p0 s3, s7;
	s7 =	simm.s32 @!p0 $0x108  }
0x21: {  	s3 =	sadd.s32 s3, s9;
	s6 =	sadd.s32 @!p0 $0x88, s6;
	s7 =	simm.s32 @p2 $0x1082  }
0x22: {  	[simem:s7], [sflag:s8] =	dma.local @!p0 [hbm:s6], $0xF7A  }
0x23: {  	s9 =	sor.u32 $0xD0000000, s2;
	s6 =	simm.s32 $0x108;
	_ =	swait.ge @!p0 [sflag:s8], $0x0  }
0x24: {  	s3 =	sadd.s32 $0x88, s3;
	s6 =	simm.s32 @!p1 $0x1082;
	[sflag:s4] =	ssyncset.s32 $0xFFFFF086  }
0x25: {  	[simem:s6], [sflag:s4] =	dma.local [hbm:s3], $0xF7A  }
0x26: {  	[smem:$0x3F8E] =	sst s1;
	(tag) =	ssettag s2;
	_ =	strace s9  }
0x27: {  	s1 =	sld [smem:$0x3F9E]  }
0x28: {  	s2 =	sld [smem:$0x3F9F]  }
0x29: {  	s4 =	sld [smem:$0x3FA1]  }
0x2a: {  	p0 =	seq.s32 s5, $0x0;
	s5 =	sld [smem:$0x3FA2]  }
0x2b: {  	s6 =	sld [smem:$0x3FA3]  }
0x2c: {  	s7 =	sld [smem:$0x3FA4]  }
0x2d: {  	s3 =	simm.s32 $0x108;
	s8 =	sld [smem:$0x3FA5]  }
0x2e: {  	s3 =	simm.s32 @!p0 $0x1082;
	s9 =	sld [smem:$0x3FA6]  }
0x2f: {  	lr =	sadd.s32 s0, s3;
	s0 =	sld [smem:$0x3F9D]  }
0x30: {  	s3 =	sld [smem:$0x3FA0]  }
0x31: {  	[smem:$0x3FA9] =	sst s10  }
0x32: {  	s10 =	sld [smem:$0x3FA7];
	_ =	sdelay $0x3  }
0x33: {  	p0 =	seq.s32 s10, $0x1;
	s10 =	sld [smem:$0x3FA9];
	_ =	sdelay $0x3  }
0x34: {  	[smem:$0x3FA9] =	sst s10  }
0x35: {  	s10 =	sld [smem:$0x3FA8];
	_ =	sdelay $0x3  }
0x36: {  	p1 =	seq.s32 s10, $0x1;
	s10 =	sld [smem:$0x3FA9];
	_ =	sdelay $0x3  }
0x37: {  	[smem:$0x3FA9] =	sst s10  }
0x38: {  	s10 =	sld [smem:$0x3FAA]  }
0x39: {  	_ = 	snop;
	(pc) =	sbr.ind lr, $3  }
0x3a: {  	_ = 	snop  }
0x3b: {  	_ = 	snop  }
0x3c: {  	p2 =	seq.s32 s10, $0x1;
	s10 =	sld [smem:$0x3FA9]  }
0x3d: {  	_ =	shalt  }
0x3e: {  	_ =	shalt  }
0x3f: {  	_ =	shalt  }
0x40: {  	_ =	shalt  }
0x41: {  	_ =	shalt  }
0x42: {  	_ =	shalt  }
0x43: {  	_ =	shalt  }
0x44: {  	_ =	shalt  }
0x45: {  	_ =	shalt  }
0x46: {  	_ =	shalt  }
0x47: {  	_ =	shalt  }
0x48: {  	_ =	shalt  }
0x49: {  	_ =	shalt  }
0x4a: {  	_ =	shalt  }
0x4b: {  	_ =	shalt  }
0x4c: {  	_ =	shalt  }
0x4d: {  	_ =	shalt  }
0x4e: {  	_ =	shalt  }
0x4f: {  	_ =	shalt  }
0x50: {  	_ =	shalt  }
0x51: {  	_ =	shalt  }
0x52: {  	_ =	shalt  }
0x53: {  	_ =	shalt  }
0x54: {  	_ =	shalt  }
0x55: {  	_ =	shalt  }
0x56: {  	_ =	shalt  }
0x57: {  	_ =	shalt  }
0x58: {  	_ =	shalt  }
0x59: {  	_ =	shalt  }
0x5a: {  	_ =	shalt  }
0x5b: {  	_ =	shalt  }
0x5c: {  	_ =	shalt  }
0x5d: {  	_ =	shalt  }
0x5e: {  	_ =	shalt  }
0x5f: {  	_ =	shalt  }
0x60: {  	_ =	shalt  }
0x61: {  	_ =	shalt  }
0x62: {  	_ =	shalt  }
0x63: {  	_ =	shalt  }
0x64: {  	_ =	shalt  }
0x65: {  	_ =	shalt  }
0x66: {  	_ =	shalt  }
0x67: {  	_ =	shalt  }
0x68: {  	_ =	shalt  }
0x69: {  	_ =	shalt  }
0x6a: {  	_ =	shalt  }
0x6b: {  	_ =	shalt  }
0x6c: {  	_ =	shalt  }
0x6d: {  	_ =	shalt  }
0x6e: {  	_ =	shalt  }
0x6f: {  	_ =	shalt  }
0x70: {  	_ =	shalt  }
0x71: {  	_ =	shalt  }
0x72: {  	_ =	shalt  }
0x73: {  	_ =	shalt  }
0x74: {  	_ =	shalt  }
0x75: {  	_ =	shalt  }
0x76: {  	_ =	shalt  }
0x77: {  	_ =	shalt  }
0x78: {  	_ =	shalt  }
0x79: {  	_ =	shalt  }
0x7a: {  	_ =	shalt  }
0x7b: {  	_ =	shalt  }
0x7c: {  	_ =	shalt  }
0x7d: {  	_ =	shalt  }
0x7e: {  	_ =	shalt  }
0x7f: {  	_ =	shalt  }
0x80: {  	_ =	shalt  }
0x81: {  	_ =	shalt  }
0x82: {  	_ =	shalt  }
0x83: {  	_ =	shalt  }
0x84: {  	_ =	shalt  }
0x85: {  	_ =	shalt  }
0x86: {  	_ =	shalt  }
0x87: {  	_ =	shalt  }
.Lfunc_end0:
.L_simem_size_0:
called_computation_lowered:
.L_overlay_start_0:
0x88: {  	s2 =	sld [smem:$0x3FD9]  }
0x89: {  	s3 =	sld [smem:$0x3FFE];
	_ =	sdelay $0x1  }
0x8a: {  	s1 =	srdreg.scid  }
0x8b: {  	s0 =	sand.u32 $0x1, s1  }
0x8c: {  	s16 =	sshll.u32 s0, $0xA;
	s2 =	sadd.s32 s3, s2  }
0x8d: {  	s2 =	sadd.s32 s2, s16  }
0x8e: {  	[smem:$0x3FB5] =	sst s2  }
0x8f: {  	_ = 	snop  }
0x90: {  	(tm) =	ssettm $0x1  }
0x91: {  	s17 =	sld [smem:$0x3FFB];
	_ =	sdelay $0x3  }
0x92: {  	_ =	strace s17  }
0x93: {  	s2 =	sld [smem:$0x3FFC];
	_ =	sdelay $0x3  }
0x94: {  	_ =	strace s2  }
0x95: {  	s2 =	sld [smem:$0x3FFD];
	_ =	sdelay $0x3  }
0x96: {  	_ =	strace s2  }
0x97: {  	_ =	strace $0x8FFFFFFF  }
0x98: {  	s18 =	sld [smem:$0x3FDB];
	_ =	sdelay $0x1  }
0x99: {  	s19 =	simm.s32 $_scs_section_size  }
0x9a: {  	s4 =	simm.s32 $_size__tile_overlayer_lowered;
	s5 =	simm.s32 $_tile_overlayer_lowered  }
0x9b: {  	s22 =	simm.s32 $0x1BFF;
	s21 =	sshll.u32 s5, $0x1;
	s2 =	sadd.s32 s19, s18  }
0x9c: {  	s6 =	simm.s32 $0x0;
	s20 =	sshll.u32 s4, $0x1;
	s4 =	sadd.s32 s21, s2  }
0x9d: {  	[timem:s6], [sflag:s22] =	dma.local [hbm:s4], s20  }
0x9e: {  	_ =	swait.ge [sflag:s22], s20  }
0x9f: {  	s3 =	ssub.s32 $0x0, s20;
	[sflag:s22] =	ssyncset.done $0x0  }
0xa0: {  	[sflag:s22] =	ssyncadd.s32 s3;
	_ =	sdelay $0x1  }
0xa1: {  	s23 =	simm.s32 $0x1B8B  }
0xa2: {  	_ =	swait.ge [sflag:s23], $0x1  }
0xa3: {  	[sflag:s23] =	ssyncset.done $0x0  }
0xa4: {  	s25 =	simm.s32 $0x1B8E;
	s24 =	sld [smem:$0x3FFE];
	[sflag:s23] =	ssyncadd.s32 $0xFFFFFFFF  }
0xa5: {  	s26 =	simm.s32 $execute0_lowered;
	[smem:$0x3FD2] =	sst s25  }
0xa6: {  	s4 =	sshll.u32 s26, $0x1;
	_ =	strace $0x80000046;
	[dreg:$0x1] =	wrdreg $0xFFFFFFFF  }
0xa7: {  	s28 =	simm.s32 $_size_execute0_lowered;
	s2 =	sadd.s32 s2, s4;
	[dreg:$0x0] =	wrdreg $0x0  }
0xa8: {  	s4 =	sshll.u32 s28, $0x1;
	[dreg:$0x2] =	wrdreg s2  }
0xa9: {  	[dreg:$0x3] =	wrdreg s4  }
0xaa: {  	[dreg:$0x4] =	wrdreg $0xC0  }
0xab: {  	_ =	task [dreg:s6], $0x5FFFF  }
0xac: {  	[dreg:$0x1] =	wrdreg $0xFFFFFFFF  }
0xad: {  	[dreg:$0x0] =	wrdreg $0x60  }
0xae: {  	[dreg:$0x2] =	wrdreg s24  }
0xaf: {  	[dreg:$0x3] =	wrdreg $0x81000  }
0xb0: {  	[dreg:$0x4] =	wrdreg $0x9  }
0xb1: {  	_ =	task.clear_ibuf [dreg:s6], $0x5FFFF;
	_ =	strace $0x90000046  }
0xb2: {  	s29 =	simm.s32 $0x9;
	_ =	strace $0x80000048  }
0xb3: {  	_ =	swait.ge [sflag:s29], $0x1  }
0xb4: {  	[sflag:s29] =	ssyncadd.s32 $0xFFFFFFFF  }
0xb5: {  	_ =	strace $0x90000048  }
0xb6: {  	_ =	sfence  }
0xb7: {  	s30 =	sld [smem:$0x0];
	_ =	sdelay $0x2  }
0xb8: {  	s31 =	sshll.u32 s1, $0xD;
	s1 =	sshrl.u32 s1, $0x2  }
0xb9: {  	s3 =	sand.u32 $0x4000, s31;
	s1 =	sadd.s32 s1, s30  }
0xba: {  	s0 =	sor.u32 s3, s0;
	s1 =	sshll.u32 s1, $0x11  }
0xbb: {  	s0 =	sor.u32 s1, s0  }
0xbc: {  	s0 =	sadd.s32 $0x8F2B, s0  }
0xbd: {  	[sflag:s0] =	ssyncadd.remote.s32 $0x1  }
0xbe: {  	_ =	sfence.sel $0xFFFF  }
0xbf: {  	[dreg:$0x0] =	wrdreg $0xFFFFFFFF;
	(pc) =	sbr.abs _section_cstart, $3  }
0xc0: {  	[dreg:$0x1] =	wrdreg $0xFFFFFFFF  }
0xc1: {  	_ =	task.clear_ibuf [dreg:s6], $0x2FFFF;
	_ =	strace $0x9FFFFFFF  }
0xc2: {  	(tm) =	ssettm $0x7FFFFFFF  }
0xc3: {  	_ =	shalt  }
tec
execute0_lowered:
.L_overlay_start_1:
0x0: {  	(tag) =	ssettag $0x1  }
0x1: {  	s9 =	rddreg [dreg:$0x0]  }
0x2: {  	s1 =	rddreg [dreg:$0x1]  }
0x3: {  	s0 =	rddreg [dreg:$0x2]  }
0x4: {  	s2 =	simm.s32 $0x0;
	s3 =	srdreg.scid;
	s16 =	simm.s32 $0x100  }
0x5: {  	s17 =	simm.s32 $0x4100;
	s18 =	simm.s32 $0x1;
	s23 =	simm.s32 $0x0  }
0x6: {  	s10 =	sand.u32 $0x1, s3;
	s4 =	sadd.s32 $0x527600, s9;
	s5 =	sadd.s32 $0x577600, s9  }
0x7: {  	s3 =	stileid.u32;
	s6 =	sadd.s32 $0x51D600, s9;
	s8 =	smul.u32 $0x140000, s10  }
0x8: {  	[smem:$0x7FF] =	sst s2;
	s7 =	sadd.s32 $0x513600, s9;
	s11 =	smul.u32 $0x14000, s3  }
0x9: {  	_ =	strace $0x80000047;
	s28 =	ssub.s32 $0x2, s10;
	s14 =	smul.u32 $0x50000, s3  }
0xa: {  	s30 =	sshll.u32 s3, $0x6;
	s31 =	sshll.u32 s3, $0x1;
	s13 =	sshrl.u32 s28, $0x1  }
0xb: {  	s10 =	sor.u32 s10, s31;
	s8 =	sadd.s32 s11, s8;
	s13 =	ssub.s32 s28, s13  }
0xc: {  	s29 =	sshrl.u32 s14, $0x2;
	s10 =	smul.u32 $0x2800, s10;
	s12 =	sshrl.u32 s8, $0x3  }
0xd: {  	s14 =	simm.s32 $0x2;
	s8 =	sadd.s32 $0xA77600, s9;
	s12 =	sadd.s32 s12, s9  }
0xe: {  	s15 =	sadd.s32 s29, s1;
	s9 =	sor.u32 $0x1C02, s30;
	s11 =	sadd.s32 $0xA79E00, s12  }
0xf: {  	s12 =	smax.u32 s13, $0x1;
	s13 =	sshrl.u32 s15, $0x3;
	s15 =	simm.s32 $0x80  }
.LBB2_1:
0x10: {  	[spmem:s13], [sflag:s9] =	dma.local [hbm:s8], $0x2800  }
0x11: {  	_ =	swait.ge [sflag:s14], $0x2800  }
0x12: {  	[sflag:s14] =	ssyncset.done $0x0  }
0x13: {  	[sflag:s14] =	ssyncadd.s32 $0xFFFFD800  }
0x14: {  	s19 =	simm.s32 $0x0;
	[bflag:$0x0] =	sbarrier.arrive $0xFFFF  }
.LBB2_2:
0x15: {  	s20 =	sshll.u32 s19, $0x7  }
0x16: {  	s20 =	sadd.s32 s10, s20  }
0x17: {  	s21 =	sshrl.u32 s20, $0x3  }
0x18: {  	s22 =	sadd.s32 s6, s21  }
0x19: {  	[tilespmem:s23], [sflag:$0x2] =	stream.linear.gather [hbm4b:s22+s23], $0x80, $0x38;
	[tilespmem:$0x1C100] =	vst v63  }
0x1a: {  	_ =	swait.ge [sflag:s14], $0x80  }
0x1b: {  	[sflag:s14] =	ssyncset.done $0x0  }
0x1c: {  	s21 =	sadd.s32 s7, s21;
	[sflag:s14] =	ssyncadd.s32 $0xFFFFFF80  }
0x1d: {  	[tilespmem:s15], [sflag:$0x2] =	stream.linear.gather [hbm4b:s21+s23], $0x80, $0x38;
	[tilespmem:$0x1C100] =	vst v63  }
0x1e: {  	_ =	swait.ge [sflag:s14], $0x80  }
0x1f: {  	s20 =	sshll.u32 s20, $0x4;
	[sflag:s14] =	ssyncset.done $0x0  }
0x20: {  	s20 =	sadd.s32 s5, s20;
	[sflag:s14] =	ssyncadd.s32 $0xFFFFFF80  }
0x21: {  	[tilespmem:s16], [sflag:$0x2] =	stream.linear.gather [hbm4b:s20+s23], $0x4000, $0x38;
	[tilespmem:$0x1C100] =	vst v63  }
0x22: {  	_ =	swait.ge [sflag:s14], $0x4000  }
0x23: {  	[sflag:s14] =	ssyncset.done $0x0  }
0x24: {  	[sflag:s14] =	ssyncadd.s32 $0xFFFFC000  }
0x25: {  	[tilespmem:s17], [sflag:$0x1] =	stream.indirect.gather [hbm4b:s4+s15], $0x80, s23, s15, $0xb8;
	[tilespmem:$0x1C100] =	vst v63  }
0x26: {  	_ =	swait.ge [sflag:s18], $0x4000  }
0x27: {  	[sflag:s18] =	ssyncset.done $0x0  }
0x28: {  	s20 =	simm.s32 $0x0;
	[sflag:s18] =	ssyncadd.s32 $0xFFFFC000  }
0x29: {  	v7 =	vld [tilespmem:s20+$0x100]  }
0x2a: {  	v11 =	vld [tilespmem:s20+$0x110]  }
0x2b: {  	v5 =	vld [tilespmem:s20+$0x120]  }
0x2c: {  	v4 =	vld [tilespmem:s20+$0x130]  }
0x2d: {  	v3 =	vld [tilespmem:s20+$0x140]  }
0x2e: {  	v2 =	vld [tilespmem:s20+$0x150]  }
0x2f: {  	v1 =	vld [tilespmem:s20+$0x160]  }
0x30: {  	v0 =	vld [tilespmem:s20+$0x170]  }
0x31: {  	v12 =	vld [tilespmem:s20+$0x4100]  }
0x32: {  	v13 =	vld [tilespmem:s20+$0x4110]  }
0x33: {  	v10 =	vld [tilespmem:s20+$0x4120]  }
0x34: {  	v9 =	vld [tilespmem:s20+$0x4130]  }
0x35: {  	v8 =	vld [tilespmem:s20+$0x4140]  }
0x36: {  	v6 =	vld [tilespmem:s20+$0x4150];
	v12 =	vmul.f32 v7, v12  }
0x37: {  	s21 =	simm.s32 $0x200;
	v11 =	vmul.f32 v11, v13;
	v7 =	vld [tilespmem:s20+$0x4160]  }
.LBB2_3:
0x38: {  	s22 =	sshra.s32 s21, $0x2;
	p0 =	sne.s32 s21, $0xFE00;
	[tilespmem:s20+$0x4100] =	vst v12;
	v5 =	vmul.f32 v5, v10;
	v10 =	vld [tilespmem:s20+$0x4170]  }
0x39: {  	v12 =	vld [tilespmem:s22+$0x100];
	[tilespmem:s20+$0x4110] =	vst v11;
	v4 =	vmul.f32 v4, v9  }
0x3a: {  	v11 =	vld [tilespmem:s22+$0x110];
	[tilespmem:s20+$0x4120] =	vst v5;
	v3 =	vmul.f32 v3, v8  }
0x3b: {  	v5 =	vld [tilespmem:s22+$0x120];
	[tilespmem:s20+$0x4130] =	vst v4;
	v2 =	vmul.f32 v2, v6  }
0x3c: {  	v4 =	vld [tilespmem:s22+$0x130];
	[tilespmem:s20+$0x4140] =	vst v3;
	v1 =	vmul.f32 v1, v7  }
0x3d: {  	v3 =	vld [tilespmem:s22+$0x140];
	[tilespmem:s20+$0x4150] =	vst v2;
	v0 =	vmul.f32 v0, v10  }
0x3e: {  	v2 =	vld [tilespmem:s22+$0x150];
	[tilespmem:s20+$0x4160] =	vst v1  }
0x3f: {  	v1 =	vld [tilespmem:s22+$0x160];
	[tilespmem:s20+$0x4170] =	vst v0;
	s20 =	smov.u32 s22  }
0x40: {  	v0 =	vld [tilespmem:s20+$0x170]  }
0x41: {  	v6 =	vld [tilespmem:s20+$0x4100]  }
0x42: {  	v7 =	vld [tilespmem:s20+$0x4110]  }
.Ltmp0:
0x43: {  	v10 =	vld [tilespmem:s20+$0x4120];
	(pc) =	sbr.rel @p0 .LBB2_3-.Ltmp0, $4  }
0x44: {  	v9 =	vld [tilespmem:s20+$0x4130]  }
0x45: {  	v8 =	vld [tilespmem:s20+$0x4140]  }
0x46: {  	v12 =	vmul.f32 v12, v6;
	v6 =	vld [tilespmem:s20+$0x4150]  }
0x47: {  	s21 =	sadd.s32 $0x200, s21;
	v11 =	vmul.f32 v11, v7;
	v7 =	vld [tilespmem:s20+$0x4160]  }
0x48: {  	[tilespmem:s20+$0x4100] =	vst v12;
	v5 =	vmul.f32 v5, v10;
	v63 =	vld [tilespmem:s20+$0x4170]  }
0x49: {  	[tilespmem:s20+$0x4110] =	vst v11;
	v4 =	vmul.f32 v4, v9  }
0x4a: {  	[tilespmem:s20+$0x4120] =	vst v5;
	v3 =	vmul.f32 v3, v8  }
0x4b: {  	[tilespmem:s20+$0x4130] =	vst v4;
	v2 =	vmul.f32 v2, v6  }
0x4c: {  	[tilespmem:s20+$0x4140] =	vst v3;
	v1 =	vmul.f32 v1, v7  }
0x4d: {  	s19 =	sadd.s32 $0x1, s19;
	[tilespmem:s20+$0x4150] =	vst v2;
	v0 =	vmul.f32 v0, v63  }
0x4e: {  	p0 =	sne.s32 s19, $0x50;
	[tilespmem:s20+$0x4160] =	vst v1  }
.Ltmp1:
0x4f: {  	[tilespmem:s20+$0x4170] =	vst v0;
	(pc) =	sbr.rel @p0 .LBB2_2-.Ltmp1, $4  }
0x50: {  	[spmem:s1] =	stream.indirect.scatter.add.f32 [tilespmem:s17], [sflag:$0x2], $0x80, s15, s15, $0xb8;
	[tilespmem:$0x1C100] =	vst v63  }
0x51: {  	_ =	swait.ge [sflag:s14], $0x4000  }
0x52: {  	[sflag:s14] =	ssyncset.done $0x0  }
0x53: {  	[sflag:s14] =	ssyncadd.s32 $0xFFFFC000  }
0x54: {  	s2 =	sadd.s32 $0x1, s2  }
0x55: {  	p0 =	sne.s32 s2, s12  }
.Ltmp2:
0x56: {  	[bflag:$0x0] =	sbarrier.arrive $0xFFFF;
	(pc) =	sbr.rel @p0 .LBB2_1-.Ltmp2, $4  }
0x57: {  	[hbm:s11], [sflag:s9] =	dma.local [spmem:s13], $0x2800  }
0x58: {  	_ =	swait.ge [sflag:s14], $0x2800  }
0x59: {  	[sflag:s14] =	ssyncset.done $0x0  }
0x5a: {  	[sflag:s14] =	ssyncadd.s32 $0xFFFFD800  }
0x5b: {  	_ =	sfence.sel $0x180000  }
0x5c: {  	[bflag:$0x0] =	sbarrier.arrive $0xFFFF  }
0x5d: {  	p0 =	sne.s32 s3, $0x0;
	_ =	strace $0x90000047  }
0x5e: {  	s0 =	sadd.s32 @!p0 $0x100000, s0;
	[bflag:$0x2] =	sbarrier.arrive $0xFFFF  }
0x5f: {  	[sflag:s0] =	ssyncadd.tile.s32 @!p0 $0x1;
	_ =	shalt  }
.Lfunc_end2:
_tile_overlayer_lowered:
.L_overlay_start_2:
0x60: {  	(tag) =	ssettag $0x2  }
0x61: {  	s0 =	rddreg [dreg:$0x0];
	s2 =	stileid.u32  }
0x62: {  	s1 =	rddreg [dreg:$0x1];
	p0 =	sne.s32 s2, $0x0  }
0x63: {  	s3 =	rddreg [dreg:$0x2];
	[bflag:$0x3] =	sbarrier.arrive $0xFFFF;
	s2 =	simm.s32 @!p0 $0x1C02  }
0x64: {  	[timem:s3], [sflag:s2] =	dma.local @!p0 [hbm:s0], s1  }
0x65: {  	s0 =	simm.s32 @!p0 $0x2  }
0x66: {  	_ =	swait.ge @!p0 [sflag:s0], s1  }
0x67: {  	s1 =	ssub.s32 @!p0 $0x0, s1;
	[sflag:s0] =	ssyncset.done @!p0 $0x0  }
0x68: {  	[sflag:s0] =	ssyncadd.s32 @!p0 s1  }
0x69: {  	[bflag:$0x3] =	sbarrier.arrive $0xFFFF  }
0x6a: {  	_ =	shalt  }

// kernel: kernel.25.cloned.1.call-start
scs
__scs_entry_jumppad:
0x0: {  	(pc) =	sbr.rel $0x88, $3  }
0x1: {  	(tag) =	ssettag $0x0;
	lr =	simm.s32 $0x1  }
0x2: {  	[smem:$0x3F8E] =	sst lr;
	_ =	strace $0xD0000000  }
0x3: {  	_ = 	snop  }
0x4: {  	_ = 	snop  }
0x5: {  	_ = 	snop  }
0x6: {  	_ = 	snop  }
0x7: {  	_ = 	snop  }
__scs_overlays_trampoline_lowered:
0x8: {  	[smem:$0x3F9D] =	sst s0  }
0x9: {  	[smem:$0x3F9E] =	sst s1  }
0xa: {  	[smem:$0x3F9F] =	sst s2  }
0xb: {  	[smem:$0x3FA0] =	sst s3  }
0xc: {  	[smem:$0x3FA1] =	sst s4  }
0xd: {  	[smem:$0x3FA2] =	sst s5  }
0xe: {  	[smem:$0x3FA3] =	sst s6  }
0xf: {  	[smem:$0x3FA4] =	sst s7  }
0x10: {  	[smem:$0x3FA5] =	sst s8  }
0x11: {  	[smem:$0x3FA6] =	sst s9;
	s0 =	simm.s32 @!p0 $0x0  }
0x12: {  	s1 =	sld [smem:$0x3F8C];
	s0 =	simm.s32 @p0 $0x1  }
0x13: {  	[smem:$0x3FA7] =	sst s0;
	s0 =	simm.s32 @!p1 $0x0  }
0x14: {  	s2 =	sld [smem:$0x3F8B];
	s0 =	simm.s32 @p1 $0x1  }
0x15: {  	[smem:$0x3FA8] =	sst s0;
	s0 =	simm.s32 @!p2 $0x0  }
0x16: {  	s3 =	sld [smem:$0x3FDB];
	s0 =	simm.s32 @p2 $0x1  }
0x17: {  	s4 =	simm.s32 $0x1BF5;
	[smem:$0x3FAA] =	sst s0  }
0x18: {  	s0 =	sld [smem:$0x3F8D];
	_ =	swait.ge [sflag:s4], $0x0  }
0x19: {  	s7 =	sld [smem:$0x3F8E]  }
0x1a: {  	s8 =	sadd.s32 $0xFFFFE003, lr  }
0x1b: {  	s9 =	sadd.s32 $0xFFFFFEF7, lr;
	s5 =	simm.s32 $0xFFFFFFFF;
	p2 =	slt.u32 s8, $0xFFFFF086  }
0x1c: {  	p1 =	slt.u32 s9, $0xF7A;
	s5 =	simm.s32 @!p2 $0x0  }
0x1d: {  	s5 =	simm.s32 @p1 $0x1;
	p0 =	seq.s32 s7, s2  }
0x1e: {  	s7 =	smul.u32 @!p0 $0xF7A, s2;
	p2 =	seq.s32 @!p0 s5, $0x0  }
0x1f: {  	s9 =	smul.u32 $0xF7A, s1;
	s8 =	simm.s32 @!p0 $0x1BF5;
	p2 =	por !p2, p0  }
0x20: {  	[sflag:s8] =	ssyncset.s32 @!p0 $0xFFFFF086;
	s6 =	sadd.s32 @!p0 s3, s7;
	s7 =	simm.s32 @!p0 $0x108  }
0x21: {  	s3 =	sadd.s32 s3, s9;
	s6 =	sadd.s32 @!p0 $0x88, s6;
	s7 =	simm.s32 @p2 $0x1082  }
0x22: {  	[simem:s7], [sflag:s8] =	dma.local @!p0 [hbm:s6], $0xF7A  }
0x23: {  	s9 =	sor.u32 $0xD0000000, s2;
	s6 =	simm.s32 $0x108;
	_ =	swait.ge @!p0 [sflag:s8], $0x0  }
0x24: {  	s3 =	sadd.s32 $0x88, s3;
	s6 =	simm.s32 @!p1 $0x1082;
	[sflag:s4] =	ssyncset.s32 $0xFFFFF086  }
0x25: {  	[simem:s6], [sflag:s4] =	dma.local [hbm:s3], $0xF7A  }
0x26: {  	[smem:$0x3F8E] =	sst s1;
	(tag) =	ssettag s2;
	_ =	strace s9  }
0x27: {  	s1 =	sld [smem:$0x3F9E]  }
0x28: {  	s2 =	sld [smem:$0x3F9F]  }
0x29: {  	s4 =	sld [smem:$0x3FA1]  }
0x2a: {  	p0 =	seq.s32 s5, $0x0;
	s5 =	sld [smem:$0x3FA2]  }
0x2b: {  	s6 =	sld [smem:$0x3FA3]  }
0x2c: {  	s7 =	sld [smem:$0x3FA4]  }
0x2d: {  	s3 =	simm.s32 $0x108;
	s8 =	sld [smem:$0x3FA5]  }
0x2e: {  	s3 =	simm.s32 @!p0 $0x1082;
	s9 =	sld [smem:$0x3FA6]  }
0x2f: {  	lr =	sadd.s32 s0, s3;
	s0 =	sld [smem:$0x3F9D]  }
0x30: {  	s3 =	sld [smem:$0x3FA0]  }
0x31: {  	[smem:$0x3FA9] =	sst s10  }
0x32: {  	s10 =	sld [smem:$0x3FA7];
	_ =	sdelay $0x3  }
0x33: {  	p0 =	seq.s32 s10, $0x1;
	s10 =	sld [smem:$0x3FA9];
	_ =	sdelay $0x3  }
0x34: {  	[smem:$0x3FA9] =	sst s10  }
0x35: {  	s10 =	sld [smem:$0x3FA8];
	_ =	sdelay $0x3  }
0x36: {  	p1 =	seq.s32 s10, $0x1;
	s10 =	sld [smem:$0x3FA9];
	_ =	sdelay $0x3  }
0x37: {  	[smem:$0x3FA9] =	sst s10  }
0x38: {  	s10 =	sld [smem:$0x3FAA]  }
0x39: {  	_ = 	snop;
	(pc) =	sbr.ind lr, $3  }
0x3a: {  	_ = 	snop  }
0x3b: {  	_ = 	snop  }
0x3c: {  	p2 =	seq.s32 s10, $0x1;
	s10 =	sld [smem:$0x3FA9]  }
0x3d: {  	_ =	shalt  }
0x3e: {  	_ =	shalt  }
0x3f: {  	_ =	shalt  }
0x40: {  	_ =	shalt  }
0x41: {  	_ =	shalt  }
0x42: {  	_ =	shalt  }
0x43: {  	_ =	shalt  }
0x44: {  	_ =	shalt  }
0x45: {  	_ =	shalt  }
0x46: {  	_ =	shalt  }
0x47: {  	_ =	shalt  }
0x48: {  	_ =	shalt  }
0x49: {  	_ =	shalt  }
0x4a: {  	_ =	shalt  }
0x4b: {  	_ =	shalt  }
0x4c: {  	_ =	shalt  }
0x4d: {  	_ =	shalt  }
0x4e: {  	_ =	shalt  }
0x4f: {  	_ =	shalt  }
0x50: {  	_ =	shalt  }
0x51: {  	_ =	shalt  }
0x52: {  	_ =	shalt  }
0x53: {  	_ =	shalt  }
0x54: {  	_ =	shalt  }
0x55: {  	_ =	shalt  }
0x56: {  	_ =	shalt  }
0x57: {  	_ =	shalt  }
0x58: {  	_ =	shalt  }
0x59: {  	_ =	shalt  }
0x5a: {  	_ =	shalt  }
0x5b: {  	_ =	shalt  }
0x5c: {  	_ =	shalt  }
0x5d: {  	_ =	shalt  }
0x5e: {  	_ =	shalt  }
0x5f: {  	_ =	shalt  }
0x60: {  	_ =	shalt  }
0x61: {  	_ =	shalt  }
0x62: {  	_ =	shalt  }
0x63: {  	_ =	shalt  }
0x64: {  	_ =	shalt  }
0x65: {  	_ =	shalt  }
0x66: {  	_ =	shalt  }
0x67: {  	_ =	shalt  }
0x68: {  	_ =	shalt  }
0x69: {  	_ =	shalt  }
0x6a: {  	_ =	shalt  }
0x6b: {  	_ =	shalt  }
0x6c: {  	_ =	shalt  }
0x6d: {  	_ =	shalt  }
0x6e: {  	_ =	shalt  }
0x6f: {  	_ =	shalt  }
0x70: {  	_ =	shalt  }
0x71: {  	_ =	shalt  }
0x72: {  	_ =	shalt  }
0x73: {  	_ =	shalt  }
0x74: {  	_ =	shalt  }
0x75: {  	_ =	shalt  }
0x76: {  	_ =	shalt  }
0x77: {  	_ =	shalt  }
0x78: {  	_ =	shalt  }
0x79: {  	_ =	shalt  }
0x7a: {  	_ =	shalt  }
0x7b: {  	_ =	shalt  }
0x7c: {  	_ =	shalt  }
0x7d: {  	_ =	shalt  }
0x7e: {  	_ =	shalt  }
0x7f: {  	_ =	shalt  }
0x80: {  	_ =	shalt  }
0x81: {  	_ =	shalt  }
0x82: {  	_ =	shalt  }
0x83: {  	_ =	shalt  }
0x84: {  	_ =	shalt  }
0x85: {  	_ =	shalt  }
0x86: {  	_ =	shalt  }
0x87: {  	_ =	shalt  }
.Lfunc_end0:
.L_simem_size_0:
called_computation.1_lowered:
.L_overlay_start_0:
0x88: {  	s2 =	sld [smem:$0x3FD9]  }
0x89: {  	s3 =	sld [smem:$0x3FFE];
	_ =	sdelay $0x1  }
0x8a: {  	s1 =	srdreg.scid  }
0x8b: {  	s0 =	sand.u32 $0x1, s1  }
0x8c: {  	s16 =	sshll.u32 s0, $0xA;
	s2 =	sadd.s32 s3, s2  }
0x8d: {  	s2 =	sadd.s32 s2, s16  }
0x8e: {  	[smem:$0x3FB5] =	sst s2  }
0x8f: {  	_ = 	snop  }
0x90: {  	(tm) =	ssettm $0x1  }
0x91: {  	s17 =	sld [smem:$0x3FFB];
	_ =	sdelay $0x3  }
0x92: {  	_ =	strace s17  }
0x93: {  	s2 =	sld [smem:$0x3FFC];
	_ =	sdelay $0x3  }
0x94: {  	_ =	strace s2  }
0x95: {  	s2 =	sld [smem:$0x3FFD];
	_ =	sdelay $0x3  }
0x96: {  	_ =	strace s2  }
0x97: {  	_ =	strace $0x8FFFFFFF  }
0x98: {  	s18 =	sld [smem:$0x3FDB];
	_ =	sdelay $0x1  }
0x99: {  	s19 =	simm.s32 $_scs_section_size  }
0x9a: {  	s4 =	simm.s32 $_size__tile_overlayer_lowered;
	s5 =	simm.s32 $_tile_overlayer_lowered  }
0x9b: {  	s22 =	simm.s32 $0x1BFF;
	s21 =	sshll.u32 s5, $0x1;
	s2 =	sadd.s32 s19, s18  }
0x9c: {  	s6 =	simm.s32 $0x0;
	s20 =	sshll.u32 s4, $0x1;
	s4 =	sadd.s32 s21, s2  }
0x9d: {  	[timem:s6], [sflag:s22] =	dma.local [hbm:s4], s20  }
0x9e: {  	_ =	swait.ge [sflag:s22], s20  }
0x9f: {  	s3 =	ssub.s32 $0x0, s20;
	[sflag:s22] =	ssyncset.done $0x0  }
0xa0: {  	[sflag:s22] =	ssyncadd.s32 s3;
	_ =	sdelay $0x1  }
0xa1: {  	s23 =	simm.s32 $0x1B8B  }
0xa2: {  	_ =	swait.ge [sflag:s23], $0x1  }
0xa3: {  	[sflag:s23] =	ssyncset.done $0x0  }
0xa4: {  	s25 =	simm.s32 $0x1B8E;
	s24 =	sld [smem:$0x3FFE];
	[sflag:s23] =	ssyncadd.s32 $0xFFFFFFFF  }
0xa5: {  	s26 =	simm.s32 $execute0_lowered;
	[smem:$0x3FD2] =	sst s25  }
0xa6: {  	s4 =	sshll.u32 s26, $0x1;
	_ =	strace $0x80000049;
	[dreg:$0x1] =	wrdreg $0xFFFFFFFF  }
0xa7: {  	s28 =	simm.s32 $_size_execute0_lowered;
	s2 =	sadd.s32 s2, s4;
	[dreg:$0x0] =	wrdreg $0x0  }
0xa8: {  	s4 =	sshll.u32 s28, $0x1;
	[dreg:$0x2] =	wrdreg s2  }
0xa9: {  	[dreg:$0x3] =	wrdreg s4  }
0xaa: {  	[dreg:$0x4] =	wrdreg $0xC0  }
0xab: {  	_ =	task [dreg:s6], $0x5FFFF  }
0xac: {  	[dreg:$0x1] =	wrdreg $0xFFFFFFFF  }
0xad: {  	[dreg:$0x0] =	wrdreg $0x60  }
0xae: {  	[dreg:$0x2] =	wrdreg s24  }
0xaf: {  	[dreg:$0x3] =	wrdreg $0x81000  }
0xb0: {  	[dreg:$0x4] =	wrdreg $0x9  }
0xb1: {  	_ =	task.clear_ibuf [dreg:s6], $0x5FFFF;
	_ =	strace $0x90000049  }
0xb2: {  	s29 =	simm.s32 $0x9;
	_ =	strace $0x8000004B  }
0xb3: {  	_ =	swait.ge [sflag:s29], $0x1  }
0xb4: {  	[sflag:s29] =	ssyncadd.s32 $0xFFFFFFFF  }
0xb5: {  	_ =	strace $0x9000004B  }
0xb6: {  	_ =	sfence  }
0xb7: {  	s30 =	sld [smem:$0x0];
	_ =	sdelay $0x2  }
0xb8: {  	s31 =	sshll.u32 s1, $0xD;
	s1 =	sshrl.u32 s1, $0x2  }
0xb9: {  	s3 =	sand.u32 $0x4000, s31;
	s1 =	sadd.s32 s1, s30  }
0xba: {  	s0 =	sor.u32 s3, s0;
	s1 =	sshll.u32 s1, $0x11  }
0xbb: {  	s0 =	sor.u32 s1, s0  }
0xbc: {  	s0 =	sadd.s32 $0x8F2B, s0  }
0xbd: {  	[sflag:s0] =	ssyncadd.remote.s32 $0x1  }
0xbe: {  	_ =	sfence.sel $0xFFFF  }
0xbf: {  	[dreg:$0x0] =	wrdreg $0xFFFFFFFF;
	(pc) =	sbr.abs _section_cstart, $3  }
0xc0: {  	[dreg:$0x1] =	wrdreg $0xFFFFFFFF  }
0xc1: {  	_ =	task.clear_ibuf [dreg:s6], $0x2FFFF;
	_ =	strace $0x9FFFFFFF  }
0xc2: {  	(tm) =	ssettm $0x7FFFFFFF  }
0xc3: {  	_ =	shalt  }
tec
execute0_lowered:
.L_overlay_start_1:
0x0: {  	(tag) =	ssettag $0x1  }
0x1: {  	s9 =	rddreg [dreg:$0x0]  }
0x2: {  	s1 =	rddreg [dreg:$0x1]  }
0x3: {  	s0 =	rddreg [dreg:$0x2]  }
0x4: {  	s2 =	simm.s32 $0x0;
	s3 =	srdreg.scid;
	s16 =	simm.s32 $0x100  }
0x5: {  	s17 =	simm.s32 $0x4100;
	s18 =	simm.s32 $0x1;
	s23 =	simm.s32 $0x0  }
0x6: {  	s10 =	sand.u32 $0x1, s3;
	s4 =	sadd.s32 $0xA79E00, s9;
	s5 =	sadd.s32 $0xACAC00, s9  }
0x7: {  	s3 =	stileid.u32;
	s6 =	sadd.s32 $0x51D600, s9;
	s8 =	smul.u32 $0x140000, s10  }
0x8: {  	[smem:$0x7FF] =	sst s2;
	s7 =	sadd.s32 $0x513600, s9;
	s11 =	smul.u32 $0x14000, s3  }
0x9: {  	_ =	strace $0x8000004A;
	s28 =	ssub.s32 $0x2, s10;
	s14 =	smul.u32 $0x50000, s3  }
0xa: {  	s30 =	sshll.u32 s3, $0x6;
	s31 =	sshll.u32 s3, $0x1;
	s13 =	sshrl.u32 s28, $0x1  }
0xb: {  	s10 =	sor.u32 s10, s31;
	s8 =	sadd.s32 s11, s8;
	s13 =	ssub.s32 s28, s13  }
0xc: {  	s29 =	sshrl.u32 s14, $0x2;
	s10 =	smul.u32 $0x2800, s10;
	s12 =	sshrl.u32 s8, $0x3  }
0xd: {  	s14 =	simm.s32 $0x2;
	s8 =	sadd.s32 $0xA77600, s9;
	s12 =	sadd.s32 s12, s9  }
0xe: {  	s15 =	sadd.s32 s29, s1;
	s9 =	sor.u32 $0x1C02, s30;
	s11 =	sadd.s32 $0x527600, s12  }
0xf: {  	s12 =	smax.u32 s13, $0x1;
	s13 =	sshrl.u32 s15, $0x3;
	s15 =	simm.s32 $0x80  }
.LBB2_1:
0x10: {  	[spmem:s13], [sflag:s9] =	dma.local [hbm:s8], $0x2800  }
0x11: {  	_ =	swait.ge [sflag:s14], $0x2800  }
0x12: {  	[sflag:s14] =	ssyncset.done $0x0  }
0x13: {  	[sflag:s14] =	ssyncadd.s32 $0xFFFFD800  }
0x14: {  	s19 =	simm.s32 $0x0;
	[bflag:$0x0] =	sbarrier.arrive $0xFFFF  }
.LBB2_2:
0x15: {  	s20 =	sshll.u32 s19, $0x7  }
0x16: {  	s20 =	sadd.s32 s10, s20  }
0x17: {  	s21 =	sshrl.u32 s20, $0x3  }
0x18: {  	s22 =	sadd.s32 s6, s21  }
0x19: {  	[tilespmem:s23], [sflag:$0x2] =	stream.linear.gather [hbm4b:s22+s23], $0x80, $0x38;
	[tilespmem:$0x1C100] =	vst v63  }
0x1a: {  	_ =	swait.ge [sflag:s14], $0x80  }
0x1b: {  	[sflag:s14] =	ssyncset.done $0x0  }
0x1c: {  	s21 =	sadd.s32 s7, s21;
	[sflag:s14] =	ssyncadd.s32 $0xFFFFFF80  }
0x1d: {  	[tilespmem:s15], [sflag:$0x2] =	stream.linear.gather [hbm4b:s21+s23], $0x80, $0x38;
	[tilespmem:$0x1C100] =	vst v63  }
0x1e: {  	_ =	swait.ge [sflag:s14], $0x80  }
0x1f: {  	s20 =	sshll.u32 s20, $0x4;
	[sflag:s14] =	ssyncset.done $0x0  }
0x20: {  	s20 =	sadd.s32 s5, s20;
	[sflag:s14] =	ssyncadd.s32 $0xFFFFFF80  }
0x21: {  	[tilespmem:s16], [sflag:$0x2] =	stream.linear.gather [hbm4b:s20+s23], $0x4000, $0x38;
	[tilespmem:$0x1C100] =	vst v63  }
0x22: {  	_ =	swait.ge [sflag:s14], $0x4000  }
0x23: {  	[sflag:s14] =	ssyncset.done $0x0  }
0x24: {  	[sflag:s14] =	ssyncadd.s32 $0xFFFFC000  }
0x25: {  	[tilespmem:s17], [sflag:$0x1] =	stream.indirect.gather [hbm4b:s4+s15], $0x80, s23, s15, $0xb8;
	[tilespmem:$0x1C100] =	vst v63  }
0x26: {  	_ =	swait.ge [sflag:s18], $0x4000  }
0x27: {  	[sflag:s18] =	ssyncset.done $0x0  }
0x28: {  	s20 =	simm.s32 $0x0;
	[sflag:s18] =	ssyncadd.s32 $0xFFFFC000  }
0x29: {  	v7 =	vld [tilespmem:s20+$0x100]  }
0x2a: {  	v11 =	vld [tilespmem:s20+$0x110]  }
0x2b: {  	v5 =	vld [tilespmem:s20+$0x120]  }
0x2c: {  	v4 =	vld [tilespmem:s20+$0x130]  }
0x2d: {  	v3 =	vld [tilespmem:s20+$0x140]  }
0x2e: {  	v2 =	vld [tilespmem:s20+$0x150]  }
0x2f: {  	v1 =	vld [tilespmem:s20+$0x160]  }
0x30: {  	v0 =	vld [tilespmem:s20+$0x170]  }
0x31: {  	v12 =	vld [tilespmem:s20+$0x4100]  }
0x32: {  	v13 =	vld [tilespmem:s20+$0x4110]  }
0x33: {  	v10 =	vld [tilespmem:s20+$0x4120]  }
0x34: {  	v9 =	vld [tilespmem:s20+$0x4130]  }
0x35: {  	v8 =	vld [tilespmem:s20+$0x4140]  }
0x36: {  	v6 =	vld [tilespmem:s20+$0x4150];
	v12 =	vmul.f32 v7, v12  }
0x37: {  	s21 =	simm.s32 $0x200;
	v11 =	vmul.f32 v11, v13;
	v7 =	vld [tilespmem:s20+$0x4160]  }
.LBB2_3:
0x38: {  	s22 =	sshra.s32 s21, $0x2;
	p0 =	sne.s32 s21, $0xFE00;
	[tilespmem:s20+$0x4100] =	vst v12;
	v5 =	vmul.f32 v5, v10;
	v10 =	vld [tilespmem:s20+$0x4170]  }
0x39: {  	v12 =	vld [tilespmem:s22+$0x100];
	[tilespmem:s20+$0x4110] =	vst v11;
	v4 =	vmul.f32 v4, v9  }
0x3a: {  	v11 =	vld [tilespmem:s22+$0x110];
	[tilespmem:s20+$0x4120] =	vst v5;
	v3 =	vmul.f32 v3, v8  }
0x3b: {  	v5 =	vld [tilespmem:s22+$0x120];
	[tilespmem:s20+$0x4130] =	vst v4;
	v2 =	vmul.f32 v2, v6  }
0x3c: {  	v4 =	vld [tilespmem:s22+$0x130];
	[tilespmem:s20+$0x4140] =	vst v3;
	v1 =	vmul.f32 v1, v7  }
0x3d: {  	v3 =	vld [tilespmem:s22+$0x140];
	[tilespmem:s20+$0x4150] =	vst v2;
	v0 =	vmul.f32 v0, v10  }
0x3e: {  	v2 =	vld [tilespmem:s22+$0x150];
	[tilespmem:s20+$0x4160] =	vst v1  }
0x3f: {  	v1 =	vld [tilespmem:s22+$0x160];
	[tilespmem:s20+$0x4170] =	vst v0;
	s20 =	smov.u32 s22  }
0x40: {  	v0 =	vld [tilespmem:s20+$0x170]  }
0x41: {  	v6 =	vld [tilespmem:s20+$0x4100]  }
0x42: {  	v7 =	vld [tilespmem:s20+$0x4110]  }
.Ltmp0:
0x43: {  	v10 =	vld [tilespmem:s20+$0x4120];
	(pc) =	sbr.rel @p0 .LBB2_3-.Ltmp0, $4  }
0x44: {  	v9 =	vld [tilespmem:s20+$0x4130]  }
0x45: {  	v8 =	vld [tilespmem:s20+$0x4140]  }
0x46: {  	v12 =	vmul.f32 v12, v6;
	v6 =	vld [tilespmem:s20+$0x4150]  }
0x47: {  	s21 =	sadd.s32 $0x200, s21;
	v11 =	vmul.f32 v11, v7;
	v7 =	vld [tilespmem:s20+$0x4160]  }
0x48: {  	[tilespmem:s20+$0x4100] =	vst v12;
	v5 =	vmul.f32 v5, v10;
	v63 =	vld [tilespmem:s20+$0x4170]  }
0x49: {  	[tilespmem:s20+$0x4110] =	vst v11;
	v4 =	vmul.f32 v4, v9  }
0x4a: {  	[tilespmem:s20+$0x4120] =	vst v5;
	v3 =	vmul.f32 v3, v8  }
0x4b: {  	[tilespmem:s20+$0x4130] =	vst v4;
	v2 =	vmul.f32 v2, v6  }
0x4c: {  	[tilespmem:s20+$0x4140] =	vst v3;
	v1 =	vmul.f32 v1, v7  }
0x4d: {  	s19 =	sadd.s32 $0x1, s19;
	[tilespmem:s20+$0x4150] =	vst v2;
	v0 =	vmul.f32 v0, v63  }
0x4e: {  	p0 =	sne.s32 s19, $0x50;
	[tilespmem:s20+$0x4160] =	vst v1  }
.Ltmp1:
0x4f: {  	[tilespmem:s20+$0x4170] =	vst v0;
	(pc) =	sbr.rel @p0 .LBB2_2-.Ltmp1, $4  }
0x50: {  	[spmem:s1] =	stream.indirect.scatter.add.f32 [tilespmem:s17], [sflag:$0x2], $0x80, s15, s15, $0xb8;
	[tilespmem:$0x1C100] =	vst v63  }
0x51: {  	_ =	swait.ge [sflag:s14], $0x4000  }
0x52: {  	[sflag:s14] =	ssyncset.done $0x0  }
0x53: {  	[sflag:s14] =	ssyncadd.s32 $0xFFFFC000  }
0x54: {  	s2 =	sadd.s32 $0x1, s2  }
0x55: {  	p0 =	sne.s32 s2, s12  }
.Ltmp2:
0x56: {  	[bflag:$0x0] =	sbarrier.arrive $0xFFFF;
	(pc) =	sbr.rel @p0 .LBB2_1-.Ltmp2, $4  }
0x57: {  	[hbm:s11], [sflag:s9] =	dma.local [spmem:s13], $0x2800  }
0x58: {  	_ =	swait.ge [sflag:s14], $0x2800  }
0x59: {  	[sflag:s14] =	ssyncset.done $0x0  }
0x5a: {  	[sflag:s14] =	ssyncadd.s32 $0xFFFFD800  }
0x5b: {  	_ =	sfence.sel $0x180000  }
0x5c: {  	[bflag:$0x0] =	sbarrier.arrive $0xFFFF  }
0x5d: {  	p0 =	sne.s32 s3, $0x0;
	_ =	strace $0x9000004A  }
0x5e: {  	s0 =	sadd.s32 @!p0 $0x100000, s0;
	[bflag:$0x2] =	sbarrier.arrive $0xFFFF  }
0x5f: {  	[sflag:s0] =	ssyncadd.tile.s32 @!p0 $0x1;
	_ =	shalt  }
.Lfunc_end2:
_tile_overlayer_lowered:
.L_overlay_start_2:
0x60: {  	(tag) =	ssettag $0x2  }
0x61: {  	s0 =	rddreg [dreg:$0x0];
	s2 =	stileid.u32  }
0x62: {  	s1 =	rddreg [dreg:$0x1];
	p0 =	sne.s32 s2, $0x0  }
0x63: {  	s3 =	rddreg [dreg:$0x2];
	[bflag:$0x3] =	sbarrier.arrive $0xFFFF;
	s2 =	simm.s32 @!p0 $0x1C02  }
0x64: {  	[timem:s3], [sflag:s2] =	dma.local @!p0 [hbm:s0], s1  }
0x65: {  	s0 =	simm.s32 @!p0 $0x2  }
0x66: {  	_ =	swait.ge @!p0 [sflag:s0], s1  }
0x67: {  	s1 =	ssub.s32 @!p0 $0x0, s1;
	[sflag:s0] =	ssyncset.done @!p0 $0x0  }
0x68: {  	[sflag:s0] =	ssyncadd.s32 @!p0 s1  }
0x69: {  	[bflag:$0x3] =	sbarrier.arrive $0xFFFF  }
0x6a: {  	_ =	shalt  }

// kernel: kernel.28.cloned.1.call-start
scs
__scs_entry_jumppad:
0x0: {  	(pc) =	sbr.rel $0x88, $3  }
0x1: {  	(tag) =	ssettag $0x0;
	lr =	simm.s32 $0x1  }
0x2: {  	[smem:$0x3F8E] =	sst lr;
	_ =	strace $0xD0000000  }
0x3: {  	_ = 	snop  }
0x4: {  	_ = 	snop  }
0x5: {  	_ = 	snop  }
0x6: {  	_ = 	snop  }
0x7: {  	_ = 	snop  }
__scs_overlays_trampoline_lowered:
0x8: {  	[smem:$0x3F9D] =	sst s0  }
0x9: {  	[smem:$0x3F9E] =	sst s1  }
0xa: {  	[smem:$0x3F9F] =	sst s2  }
0xb: {  	[smem:$0x3FA0] =	sst s3  }
0xc: {  	[smem:$0x3FA1] =	sst s4  }
0xd: {  	[smem:$0x3FA2] =	sst s5  }
0xe: {  	[smem:$0x3FA3] =	sst s6  }
0xf: {  	[smem:$0x3FA4] =	sst s7  }
0x10: {  	[smem:$0x3FA5] =	sst s8  }
0x11: {  	[smem:$0x3FA6] =	sst s9;
	s0 =	simm.s32 @!p0 $0x0  }
0x12: {  	s1 =	sld [smem:$0x3F8C];
	s0 =	simm.s32 @p0 $0x1  }
0x13: {  	[smem:$0x3FA7] =	sst s0;
	s0 =	simm.s32 @!p1 $0x0  }
0x14: {  	s2 =	sld [smem:$0x3F8B];
	s0 =	simm.s32 @p1 $0x1  }
0x15: {  	[smem:$0x3FA8] =	sst s0;
	s0 =	simm.s32 @!p2 $0x0  }
0x16: {  	s3 =	sld [smem:$0x3FDB];
	s0 =	simm.s32 @p2 $0x1  }
0x17: {  	s4 =	simm.s32 $0x1BF5;
	[smem:$0x3FAA] =	sst s0  }
0x18: {  	s0 =	sld [smem:$0x3F8D];
	_ =	swait.ge [sflag:s4], $0x0  }
0x19: {  	s7 =	sld [smem:$0x3F8E]  }
0x1a: {  	s8 =	sadd.s32 $0xFFFFE003, lr  }
0x1b: {  	s9 =	sadd.s32 $0xFFFFFEF7, lr;
	s5 =	simm.s32 $0xFFFFFFFF;
	p2 =	slt.u32 s8, $0xFFFFF086  }
0x1c: {  	p1 =	slt.u32 s9, $0xF7A;
	s5 =	simm.s32 @!p2 $0x0  }
0x1d: {  	s5 =	simm.s32 @p1 $0x1;
	p0 =	seq.s32 s7, s2  }
0x1e: {  	s7 =	smul.u32 @!p0 $0xF7A, s2;
	p2 =	seq.s32 @!p0 s5, $0x0  }
0x1f: {  	s9 =	smul.u32 $0xF7A, s1;
	s8 =	simm.s32 @!p0 $0x1BF5;
	p2 =	por !p2, p0  }
0x20: {  	[sflag:s8] =	ssyncset.s32 @!p0 $0xFFFFF086;
	s6 =	sadd.s32 @!p0 s3, s7;
	s7 =	simm.s32 @!p0 $0x108  }
0x21: {  	s3 =	sadd.s32 s3, s9;
	s6 =	sadd.s32 @!p0 $0x88, s6;
	s7 =	simm.s32 @p2 $0x1082  }
0x22: {  	[simem:s7], [sflag:s8] =	dma.local @!p0 [hbm:s6], $0xF7A  }
0x23: {  	s9 =	sor.u32 $0xD0000000, s2;
	s6 =	simm.s32 $0x108;
	_ =	swait.ge @!p0 [sflag:s8], $0x0  }
0x24: {  	s3 =	sadd.s32 $0x88, s3;
	s6 =	simm.s32 @!p1 $0x1082;
	[sflag:s4] =	ssyncset.s32 $0xFFFFF086  }
0x25: {  	[simem:s6], [sflag:s4] =	dma.local [hbm:s3], $0xF7A  }
0x26: {  	[smem:$0x3F8E] =	sst s1;
	(tag) =	ssettag s2;
	_ =	strace s9  }
0x27: {  	s1 =	sld [smem:$0x3F9E]  }
0x28: {  	s2 =	sld [smem:$0x3F9F]  }
0x29: {  	s4 =	sld [smem:$0x3FA1]  }
0x2a: {  	p0 =	seq.s32 s5, $0x0;
	s5 =	sld [smem:$0x3FA2]  }
0x2b: {  	s6 =	sld [smem:$0x3FA3]  }
0x2c: {  	s7 =	sld [smem:$0x3FA4]  }
0x2d: {  	s3 =	simm.s32 $0x108;
	s8 =	sld [smem:$0x3FA5]  }
0x2e: {  	s3 =	simm.s32 @!p0 $0x1082;
	s9 =	sld [smem:$0x3FA6]  }
0x2f: {  	lr =	sadd.s32 s0, s3;
	s0 =	sld [smem:$0x3F9D]  }
0x30: {  	s3 =	sld [smem:$0x3FA0]  }
0x31: {  	[smem:$0x3FA9] =	sst s10  }
0x32: {  	s10 =	sld [smem:$0x3FA7];
	_ =	sdelay $0x3  }
0x33: {  	p0 =	seq.s32 s10, $0x1;
	s10 =	sld [smem:$0x3FA9];
	_ =	sdelay $0x3  }
0x34: {  	[smem:$0x3FA9] =	sst s10  }
0x35: {  	s10 =	sld [smem:$0x3FA8];
	_ =	sdelay $0x3  }
0x36: {  	p1 =	seq.s32 s10, $0x1;
	s10 =	sld [smem:$0x3FA9];
	_ =	sdelay $0x3  }
0x37: {  	[smem:$0x3FA9] =	sst s10  }
0x38: {  	s10 =	sld [smem:$0x3FAA]  }
0x39: {  	_ = 	snop;
	(pc) =	sbr.ind lr, $3  }
0x3a: {  	_ = 	snop  }
0x3b: {  	_ = 	snop  }
0x3c: {  	p2 =	seq.s32 s10, $0x1;
	s10 =	sld [smem:$0x3FA9]  }
0x3d: {  	_ =	shalt  }
0x3e: {  	_ =	shalt  }
0x3f: {  	_ =	shalt  }
0x40: {  	_ =	shalt  }
0x41: {  	_ =	shalt  }
0x42: {  	_ =	shalt  }
0x43: {  	_ =	shalt  }
0x44: {  	_ =	shalt  }
0x45: {  	_ =	shalt  }
0x46: {  	_ =	shalt  }
0x47: {  	_ =	shalt  }
0x48: {  	_ =	shalt  }
0x49: {  	_ =	shalt  }
0x4a: {  	_ =	shalt  }
0x4b: {  	_ =	shalt  }
0x4c: {  	_ =	shalt  }
0x4d: {  	_ =	shalt  }
0x4e: {  	_ =	shalt  }
0x4f: {  	_ =	shalt  }
0x50: {  	_ =	shalt  }
0x51: {  	_ =	shalt  }
0x52: {  	_ =	shalt  }
0x53: {  	_ =	shalt  }
0x54: {  	_ =	shalt  }
0x55: {  	_ =	shalt  }
0x56: {  	_ =	shalt  }
0x57: {  	_ =	shalt  }
0x58: {  	_ =	shalt  }
0x59: {  	_ =	shalt  }
0x5a: {  	_ =	shalt  }
0x5b: {  	_ =	shalt  }
0x5c: {  	_ =	shalt  }
0x5d: {  	_ =	shalt  }
0x5e: {  	_ =	shalt  }
0x5f: {  	_ =	shalt  }
0x60: {  	_ =	shalt  }
0x61: {  	_ =	shalt  }
0x62: {  	_ =	shalt  }
0x63: {  	_ =	shalt  }
0x64: {  	_ =	shalt  }
0x65: {  	_ =	shalt  }
0x66: {  	_ =	shalt  }
0x67: {  	_ =	shalt  }
0x68: {  	_ =	shalt  }
0x69: {  	_ =	shalt  }
0x6a: {  	_ =	shalt  }
0x6b: {  	_ =	shalt  }
0x6c: {  	_ =	shalt  }
0x6d: {  	_ =	shalt  }
0x6e: {  	_ =	shalt  }
0x6f: {  	_ =	shalt  }
0x70: {  	_ =	shalt  }
0x71: {  	_ =	shalt  }
0x72: {  	_ =	shalt  }
0x73: {  	_ =	shalt  }
0x74: {  	_ =	shalt  }
0x75: {  	_ =	shalt  }
0x76: {  	_ =	shalt  }
0x77: {  	_ =	shalt  }
0x78: {  	_ =	shalt  }
0x79: {  	_ =	shalt  }
0x7a: {  	_ =	shalt  }
0x7b: {  	_ =	shalt  }
0x7c: {  	_ =	shalt  }
0x7d: {  	_ =	shalt  }
0x7e: {  	_ =	shalt  }
0x7f: {  	_ =	shalt  }
0x80: {  	_ =	shalt  }
0x81: {  	_ =	shalt  }
0x82: {  	_ =	shalt  }
0x83: {  	_ =	shalt  }
0x84: {  	_ =	shalt  }
0x85: {  	_ =	shalt  }
0x86: {  	_ =	shalt  }
0x87: {  	_ =	shalt  }
.Lfunc_end0:
.L_simem_size_0:
called_computation.2_lowered:
.L_overlay_start_0:
0x88: {  	s2 =	sld [smem:$0x3FD9]  }
0x89: {  	s3 =	sld [smem:$0x3FFE];
	_ =	sdelay $0x1  }
0x8a: {  	s1 =	srdreg.scid  }
0x8b: {  	s0 =	sand.u32 $0x1, s1  }
0x8c: {  	s16 =	sshll.u32 s0, $0xA;
	s2 =	sadd.s32 s3, s2  }
0x8d: {  	s2 =	sadd.s32 s2, s16  }
0x8e: {  	[smem:$0x3FB5] =	sst s2  }
0x8f: {  	_ = 	snop  }
0x90: {  	(tm) =	ssettm $0x1  }
0x91: {  	s17 =	sld [smem:$0x3FFB];
	_ =	sdelay $0x3  }
0x92: {  	_ =	strace s17  }
0x93: {  	s2 =	sld [smem:$0x3FFC];
	_ =	sdelay $0x3  }
0x94: {  	_ =	strace s2  }
0x95: {  	s2 =	sld [smem:$0x3FFD];
	_ =	sdelay $0x3  }
0x96: {  	_ =	strace s2  }
0x97: {  	_ =	strace $0x8FFFFFFF  }
0x98: {  	s18 =	sld [smem:$0x3FDB];
	_ =	sdelay $0x1  }
0x99: {  	s19 =	simm.s32 $_scs_section_size  }
0x9a: {  	s4 =	simm.s32 $_size__tile_overlayer_lowered;
	s5 =	simm.s32 $_tile_overlayer_lowered  }
0x9b: {  	s22 =	simm.s32 $0x1BFF;
	s21 =	sshll.u32 s5, $0x1;
	s2 =	sadd.s32 s19, s18  }
0x9c: {  	s6 =	simm.s32 $0x0;
	s20 =	sshll.u32 s4, $0x1;
	s4 =	sadd.s32 s21, s2  }
0x9d: {  	[timem:s6], [sflag:s22] =	dma.local [hbm:s4], s20  }
0x9e: {  	_ =	swait.ge [sflag:s22], s20  }
0x9f: {  	s3 =	ssub.s32 $0x0, s20;
	[sflag:s22] =	ssyncset.done $0x0  }
0xa0: {  	[sflag:s22] =	ssyncadd.s32 s3;
	_ =	sdelay $0x1  }
0xa1: {  	s23 =	simm.s32 $0x1B8B  }
0xa2: {  	_ =	swait.ge [sflag:s23], $0x1  }
0xa3: {  	[sflag:s23] =	ssyncset.done $0x0  }
0xa4: {  	s25 =	simm.s32 $0x1B8E;
	s24 =	sld [smem:$0x3FFE];
	[sflag:s23] =	ssyncadd.s32 $0xFFFFFFFF  }
0xa5: {  	s26 =	simm.s32 $execute0_lowered;
	[smem:$0x3FD2] =	sst s25  }
0xa6: {  	s4 =	sshll.u32 s26, $0x1;
	_ =	strace $0x8000004C;
	[dreg:$0x1] =	wrdreg $0xFFFFFFFF  }
0xa7: {  	s28 =	simm.s32 $_size_execute0_lowered;
	s2 =	sadd.s32 s2, s4;
	[dreg:$0x0] =	wrdreg $0x0  }
0xa8: {  	s4 =	sshll.u32 s28, $0x1;
	[dreg:$0x2] =	wrdreg s2  }
0xa9: {  	[dreg:$0x3] =	wrdreg s4  }
0xaa: {  	[dreg:$0x4] =	wrdreg $0xC0  }
0xab: {  	_ =	task [dreg:s6], $0x5FFFF  }
0xac: {  	[dreg:$0x1] =	wrdreg $0xFFFFFFFF  }
0xad: {  	[dreg:$0x0] =	wrdreg $0x60  }
0xae: {  	[dreg:$0x2] =	wrdreg s24  }
0xaf: {  	[dreg:$0x3] =	wrdreg $0x81000  }
0xb0: {  	[dreg:$0x4] =	wrdreg $0x9  }
0xb1: {  	_ =	task.clear_ibuf [dreg:s6], $0x5FFFF;
	_ =	strace $0x9000004C  }
0xb2: {  	s29 =	simm.s32 $0x9;
	_ =	strace $0x8000004E  }
0xb3: {  	_ =	swait.ge [sflag:s29], $0x1  }
0xb4: {  	[sflag:s29] =	ssyncadd.s32 $0xFFFFFFFF  }
0xb5: {  	_ =	strace $0x9000004E  }
0xb6: {  	_ =	sfence  }
0xb7: {  	s30 =	sld [smem:$0x0];
	_ =	sdelay $0x2  }
0xb8: {  	s31 =	sshll.u32 s1, $0xD;
	s1 =	sshrl.u32 s1, $0x2  }
0xb9: {  	s3 =	sand.u32 $0x4000, s31;
	s1 =	sadd.s32 s1, s30  }
0xba: {  	s0 =	sor.u32 s3, s0;
	s1 =	sshll.u32 s1, $0x11  }
0xbb: {  	s0 =	sor.u32 s1, s0  }
0xbc: {  	s0 =	sadd.s32 $0x8F2B, s0  }
0xbd: {  	[sflag:s0] =	ssyncadd.remote.s32 $0x1  }
0xbe: {  	_ =	sfence.sel $0xFFFF  }
0xbf: {  	[dreg:$0x0] =	wrdreg $0xFFFFFFFF;
	(pc) =	sbr.abs _section_cstart, $3  }
0xc0: {  	[dreg:$0x1] =	wrdreg $0xFFFFFFFF  }
0xc1: {  	_ =	task.clear_ibuf [dreg:s6], $0x2FFFF;
	_ =	strace $0x9FFFFFFF  }
0xc2: {  	(tm) =	ssettm $0x7FFFFFFF  }
0xc3: {  	_ =	shalt  }
tec
execute0_lowered:
.L_overlay_start_1:
0x0: {  	(tag) =	ssettag $0x1  }
0x1: {  	s9 =	rddreg [dreg:$0x0]  }
0x2: {  	s1 =	rddreg [dreg:$0x1]  }
0x3: {  	s0 =	rddreg [dreg:$0x2]  }
0x4: {  	s2 =	simm.s32 $0x0;
	s3 =	srdreg.scid;
	s16 =	simm.s32 $0x100  }
0x5: {  	s17 =	simm.s32 $0x4100;
	s18 =	simm.s32 $0x1;
	s23 =	simm.s32 $0x0  }
0x6: {  	s10 =	sand.u32 $0x1, s3;
	s4 =	sadd.s32 $0x527600, s9;
	s5 =	sadd.s32 $0x577600, s9  }
0x7: {  	s3 =	stileid.u32;
	s6 =	sadd.s32 $0x51D600, s9;
	s8 =	smul.u32 $0x140000, s10  }
0x8: {  	[smem:$0x7FF] =	sst s2;
	s7 =	sadd.s32 $0x513600, s9;
	s11 =	smul.u32 $0x14000, s3  }
0x9: {  	_ =	strace $0x8000004D;
	s28 =	ssub.s32 $0x2, s10;
	s14 =	smul.u32 $0x50000, s3  }
0xa: {  	s30 =	sshll.u32 s3, $0x6;
	s31 =	sshll.u32 s3, $0x1;
	s13 =	sshrl.u32 s28, $0x1  }
0xb: {  	s10 =	sor.u32 s10, s31;
	s8 =	sadd.s32 s11, s8;
	s13 =	ssub.s32 s28, s13  }
0xc: {  	s29 =	sshrl.u32 s14, $0x2;
	s10 =	smul.u32 $0x2800, s10;
	s12 =	sshrl.u32 s8, $0x3  }
0xd: {  	s14 =	simm.s32 $0x2;
	s8 =	sadd.s32 $0xA77600, s9;
	s12 =	sadd.s32 s12, s9  }
0xe: {  	s15 =	sadd.s32 s29, s1;
	s9 =	sor.u32 $0x1C02, s30;
	s11 =	sadd.s32 $0xA79E00, s12  }
0xf: {  	s12 =	smax.u32 s13, $0x1;
	s13 =	sshrl.u32 s15, $0x3;
	s15 =	simm.s32 $0x80  }
.LBB2_1:
0x10: {  	[spmem:s13], [sflag:s9] =	dma.local [hbm:s8], $0x2800  }
0x11: {  	_ =	swait.ge [sflag:s14], $0x2800  }
0x12: {  	[sflag:s14] =	ssyncset.done $0x0  }
0x13: {  	[sflag:s14] =	ssyncadd.s32 $0xFFFFD800  }
0x14: {  	s19 =	simm.s32 $0x0;
	[bflag:$0x0] =	sbarrier.arrive $0xFFFF  }
.LBB2_2:
0x15: {  	s20 =	sshll.u32 s19, $0x7  }
0x16: {  	s20 =	sadd.s32 s10, s20  }
0x17: {  	s21 =	sshrl.u32 s20, $0x3  }
0x18: {  	s22 =	sadd.s32 s6, s21  }
0x19: {  	[tilespmem:s23], [sflag:$0x2] =	stream.linear.gather [hbm4b:s22+s23], $0x80, $0x38;
	[tilespmem:$0x1C100] =	vst v63  }
0x1a: {  	_ =	swait.ge [sflag:s14], $0x80  }
0x1b: {  	[sflag:s14] =	ssyncset.done $0x0  }
0x1c: {  	s21 =	sadd.s32 s7, s21;
	[sflag:s14] =	ssyncadd.s32 $0xFFFFFF80  }
0x1d: {  	[tilespmem:s15], [sflag:$0x2] =	stream.linear.gather [hbm4b:s21+s23], $0x80, $0x38;
	[tilespmem:$0x1C100] =	vst v63  }
0x1e: {  	_ =	swait.ge [sflag:s14], $0x80  }
0x1f: {  	s20 =	sshll.u32 s20, $0x4;
	[sflag:s14] =	ssyncset.done $0x0  }
0x20: {  	s20 =	sadd.s32 s5, s20;
	[sflag:s14] =	ssyncadd.s32 $0xFFFFFF80  }
0x21: {  	[tilespmem:s16], [sflag:$0x2] =	stream.linear.gather [hbm4b:s20+s23], $0x4000, $0x38;
	[tilespmem:$0x1C100] =	vst v63  }
0x22: {  	_ =	swait.ge [sflag:s14], $0x4000  }
0x23: {  	[sflag:s14] =	ssyncset.done $0x0  }
0x24: {  	[sflag:s14] =	ssyncadd.s32 $0xFFFFC000  }
0x25: {  	[tilespmem:s17], [sflag:$0x1] =	stream.indirect.gather [hbm4b:s4+s15], $0x80, s23, s15, $0xb8;
	[tilespmem:$0x1C100] =	vst v63  }
0x26: {  	_ =	swait.ge [sflag:s18], $0x4000  }
0x27: {  	[sflag:s18] =	ssyncset.done $0x0  }
0x28: {  	s20 =	simm.s32 $0x0;
	[sflag:s18] =	ssyncadd.s32 $0xFFFFC000  }
0x29: {  	v7 =	vld [tilespmem:s20+$0x100]  }
0x2a: {  	v11 =	vld [tilespmem:s20+$0x110]  }
0x2b: {  	v5 =	vld [tilespmem:s20+$0x120]  }
0x2c: {  	v4 =	vld [tilespmem:s20+$0x130]  }
0x2d: {  	v3 =	vld [tilespmem:s20+$0x140]  }
0x2e: {  	v2 =	vld [tilespmem:s20+$0x150]  }
0x2f: {  	v1 =	vld [tilespmem:s20+$0x160]  }
0x30: {  	v0 =	vld [tilespmem:s20+$0x170]  }
0x31: {  	v12 =	vld [tilespmem:s20+$0x4100]  }
0x32: {  	v13 =	vld [tilespmem:s20+$0x4110]  }
0x33: {  	v10 =	vld [tilespmem:s20+$0x4120]  }
0x34: {  	v9 =	vld [tilespmem:s20+$0x4130]  }
0x35: {  	v8 =	vld [tilespmem:s20+$0x4140]  }
0x36: {  	v6 =	vld [tilespmem:s20+$0x4150];
	v12 =	vmul.f32 v7, v12  }
0x37: {  	s21 =	simm.s32 $0x200;
	v11 =	vmul.f32 v11, v13;
	v7 =	vld [tilespmem:s20+$0x4160]  }
.LBB2_3:
0x38: {  	s22 =	sshra.s32 s21, $0x2;
	p0 =	sne.s32 s21, $0xFE00;
	[tilespmem:s20+$0x4100] =	vst v12;
	v5 =	vmul.f32 v5, v10;
	v10 =	vld [tilespmem:s20+$0x4170]  }
0x39: {  	v12 =	vld [tilespmem:s22+$0x100];
	[tilespmem:s20+$0x4110] =	vst v11;
	v4 =	vmul.f32 v4, v9  }
0x3a: {  	v11 =	vld [tilespmem:s22+$0x110];
	[tilespmem:s20+$0x4120] =	vst v5;
	v3 =	vmul.f32 v3, v8  }
0x3b: {  	v5 =	vld [tilespmem:s22+$0x120];
	[tilespmem:s20+$0x4130] =	vst v4;
	v2 =	vmul.f32 v2, v6  }
0x3c: {  	v4 =	vld [tilespmem:s22+$0x130];
	[tilespmem:s20+$0x4140] =	vst v3;
	v1 =	vmul.f32 v1, v7  }
0x3d: {  	v3 =	vld [tilespmem:s22+$0x140];
	[tilespmem:s20+$0x4150] =	vst v2;
	v0 =	vmul.f32 v0, v10  }
0x3e: {  	v2 =	vld [tilespmem:s22+$0x150];
	[tilespmem:s20+$0x4160] =	vst v1  }
0x3f: {  	v1 =	vld [tilespmem:s22+$0x160];
	[tilespmem:s20+$0x4170] =	vst v0;
	s20 =	smov.u32 s22  }
0x40: {  	v0 =	vld [tilespmem:s20+$0x170]  }
0x41: {  	v6 =	vld [tilespmem:s20+$0x4100]  }
0x42: {  	v7 =	vld [tilespmem:s20+$0x4110]  }
.Ltmp0:
0x43: {  	v10 =	vld [tilespmem:s20+$0x4120];
	(pc) =	sbr.rel @p0 .LBB2_3-.Ltmp0, $4  }
0x44: {  	v9 =	vld [tilespmem:s20+$0x4130]  }
0x45: {  	v8 =	vld [tilespmem:s20+$0x4140]  }
0x46: {  	v12 =	vmul.f32 v12, v6;
	v6 =	vld [tilespmem:s20+$0x4150]  }
0x47: {  	s21 =	sadd.s32 $0x200, s21;
	v11 =	vmul.f32 v11, v7;
	v7 =	vld [tilespmem:s20+$0x4160]  }
0x48: {  	[tilespmem:s20+$0x4100] =	vst v12;
	v5 =	vmul.f32 v5, v10;
	v63 =	vld [tilespmem:s20+$0x4170]  }
0x49: {  	[tilespmem:s20+$0x4110] =	vst v11;
	v4 =	vmul.f32 v4, v9  }
0x4a: {  	[tilespmem:s20+$0x4120] =	vst v5;
	v3 =	vmul.f32 v3, v8  }
0x4b: {  	[tilespmem:s20+$0x4130] =	vst v4;
	v2 =	vmul.f32 v2, v6  }
0x4c: {  	[tilespmem:s20+$0x4140] =	vst v3;
	v1 =	vmul.f32 v1, v7  }
0x4d: {  	s19 =	sadd.s32 $0x1, s19;
	[tilespmem:s20+$0x4150] =	vst v2;
	v0 =	vmul.f32 v0, v63  }
0x4e: {  	p0 =	sne.s32 s19, $0x50;
	[tilespmem:s20+$0x4160] =	vst v1  }
.Ltmp1:
0x4f: {  	[tilespmem:s20+$0x4170] =	vst v0;
	(pc) =	sbr.rel @p0 .LBB2_2-.Ltmp1, $4  }
0x50: {  	[spmem:s1] =	stream.indirect.scatter.add.f32 [tilespmem:s17], [sflag:$0x2], $0x80, s15, s15, $0xb8;
	[tilespmem:$0x1C100] =	vst v63  }
0x51: {  	_ =	swait.ge [sflag:s14], $0x4000  }
0x52: {  	[sflag:s14] =	ssyncset.done $0x0  }
0x53: {  	[sflag:s14] =	ssyncadd.s32 $0xFFFFC000  }
0x54: {  	s2 =	sadd.s32 $0x1, s2  }
0x55: {  	p0 =	sne.s32 s2, s12  }
.Ltmp2:
0x56: {  	[bflag:$0x0] =	sbarrier.arrive $0xFFFF;
	(pc) =	sbr.rel @p0 .LBB2_1-.Ltmp2, $4  }
0x57: {  	[hbm:s11], [sflag:s9] =	dma.local [spmem:s13], $0x2800  }
0x58: {  	_ =	swait.ge [sflag:s14], $0x2800  }
0x59: {  	[sflag:s14] =	ssyncset.done $0x0  }
0x5a: {  	[sflag:s14] =	ssyncadd.s32 $0xFFFFD800  }
0x5b: {  	_ =	sfence.sel $0x180000  }
0x5c: {  	[bflag:$0x0] =	sbarrier.arrive $0xFFFF  }
0x5d: {  	p0 =	sne.s32 s3, $0x0;
	_ =	strace $0x9000004D  }
0x5e: {  	s0 =	sadd.s32 @!p0 $0x100000, s0;
	[bflag:$0x2] =	sbarrier.arrive $0xFFFF  }
0x5f: {  	[sflag:s0] =	ssyncadd.tile.s32 @!p0 $0x1;
	_ =	shalt  }
.Lfunc_end2:
_tile_overlayer_lowered:
.L_overlay_start_2:
0x60: {  	(tag) =	ssettag $0x2  }
0x61: {  	s0 =	rddreg [dreg:$0x0];
	s2 =	stileid.u32  }
0x62: {  	s1 =	rddreg [dreg:$0x1];
	p0 =	sne.s32 s2, $0x0  }
0x63: {  	s3 =	rddreg [dreg:$0x2];
	[bflag:$0x3] =	sbarrier.arrive $0xFFFF;
	s2 =	simm.s32 @!p0 $0x1C02  }
0x64: {  	[timem:s3], [sflag:s2] =	dma.local @!p0 [hbm:s0], s1  }
0x65: {  	s0 =	simm.s32 @!p0 $0x2  }
0x66: {  	_ =	swait.ge @!p0 [sflag:s0], s1  }
0x67: {  	s1 =	ssub.s32 @!p0 $0x0, s1;
	[sflag:s0] =	ssyncset.done @!p0 $0x0  }
0x68: {  	[sflag:s0] =	ssyncadd.s32 @!p0 s1  }
0x69: {  	[bflag:$0x3] =	sbarrier.arrive $0xFFFF  }
0x6a: {  	_ =	shalt  }

// kernel: kernel.31.cloned.1.call-start
scs
__scs_entry_jumppad:
0x0: {  	(pc) =	sbr.rel $0x88, $3  }
0x1: {  	(tag) =	ssettag $0x0;
	lr =	simm.s32 $0x1  }
0x2: {  	[smem:$0x3F8E] =	sst lr;
	_ =	strace $0xD0000000  }
0x3: {  	_ = 	snop  }
0x4: {  	_ = 	snop  }
0x5: {  	_ = 	snop  }
0x6: {  	_ = 	snop  }
0x7: {  	_ = 	snop  }
__scs_overlays_trampoline_lowered:
0x8: {  	[smem:$0x3F9D] =	sst s0  }
0x9: {  	[smem:$0x3F9E] =	sst s1  }
0xa: {  	[smem:$0x3F9F] =	sst s2  }
0xb: {  	[smem:$0x3FA0] =	sst s3  }
0xc: {  	[smem:$0x3FA1] =	sst s4  }
0xd: {  	[smem:$0x3FA2] =	sst s5  }
0xe: {  	[smem:$0x3FA3] =	sst s6  }
0xf: {  	[smem:$0x3FA4] =	sst s7  }
0x10: {  	[smem:$0x3FA5] =	sst s8  }
0x11: {  	[smem:$0x3FA6] =	sst s9;
	s0 =	simm.s32 @!p0 $0x0  }
0x12: {  	s1 =	sld [smem:$0x3F8C];
	s0 =	simm.s32 @p0 $0x1  }
0x13: {  	[smem:$0x3FA7] =	sst s0;
	s0 =	simm.s32 @!p1 $0x0  }
0x14: {  	s2 =	sld [smem:$0x3F8B];
	s0 =	simm.s32 @p1 $0x1  }
0x15: {  	[smem:$0x3FA8] =	sst s0;
	s0 =	simm.s32 @!p2 $0x0  }
0x16: {  	s3 =	sld [smem:$0x3FDB];
	s0 =	simm.s32 @p2 $0x1  }
0x17: {  	s4 =	simm.s32 $0x1BF5;
	[smem:$0x3FAA] =	sst s0  }
0x18: {  	s0 =	sld [smem:$0x3F8D];
	_ =	swait.ge [sflag:s4], $0x0  }
0x19: {  	s7 =	sld [smem:$0x3F8E]  }
0x1a: {  	s8 =	sadd.s32 $0xFFFFE003, lr  }
0x1b: {  	s9 =	sadd.s32 $0xFFFFFEF7, lr;
	s5 =	simm.s32 $0xFFFFFFFF;
	p2 =	slt.u32 s8, $0xFFFFF086  }
0x1c: {  	p1 =	slt.u32 s9, $0xF7A;
	s5 =	simm.s32 @!p2 $0x0  }
0x1d: {  	s5 =	simm.s32 @p1 $0x1;
	p0 =	seq.s32 s7, s2  }
0x1e: {  	s7 =	smul.u32 @!p0 $0xF7A, s2;
	p2 =	seq.s32 @!p0 s5, $0x0  }
0x1f: {  	s9 =	smul.u32 $0xF7A, s1;
	s8 =	simm.s32 @!p0 $0x1BF5;
	p2 =	por !p2, p0  }
0x20: {  	[sflag:s8] =	ssyncset.s32 @!p0 $0xFFFFF086;
	s6 =	sadd.s32 @!p0 s3, s7;
	s7 =	simm.s32 @!p0 $0x108  }
0x21: {  	s3 =	sadd.s32 s3, s9;
	s6 =	sadd.s32 @!p0 $0x88, s6;
	s7 =	simm.s32 @p2 $0x1082  }
0x22: {  	[simem:s7], [sflag:s8] =	dma.local @!p0 [hbm:s6], $0xF7A  }
0x23: {  	s9 =	sor.u32 $0xD0000000, s2;
	s6 =	simm.s32 $0x108;
	_ =	swait.ge @!p0 [sflag:s8], $0x0  }
0x24: {  	s3 =	sadd.s32 $0x88, s3;
	s6 =	simm.s32 @!p1 $0x1082;
	[sflag:s4] =	ssyncset.s32 $0xFFFFF086  }
0x25: {  	[simem:s6], [sflag:s4] =	dma.local [hbm:s3], $0xF7A  }
0x26: {  	[smem:$0x3F8E] =	sst s1;
	(tag) =	ssettag s2;
	_ =	strace s9  }
0x27: {  	s1 =	sld [smem:$0x3F9E]  }
0x28: {  	s2 =	sld [smem:$0x3F9F]  }
0x29: {  	s4 =	sld [smem:$0x3FA1]  }
0x2a: {  	p0 =	seq.s32 s5, $0x0;
	s5 =	sld [smem:$0x3FA2]  }
0x2b: {  	s6 =	sld [smem:$0x3FA3]  }
0x2c: {  	s7 =	sld [smem:$0x3FA4]  }
0x2d: {  	s3 =	simm.s32 $0x108;
	s8 =	sld [smem:$0x3FA5]  }
0x2e: {  	s3 =	simm.s32 @!p0 $0x1082;
	s9 =	sld [smem:$0x3FA6]  }
0x2f: {  	lr =	sadd.s32 s0, s3;
	s0 =	sld [smem:$0x3F9D]  }
0x30: {  	s3 =	sld [smem:$0x3FA0]  }
0x31: {  	[smem:$0x3FA9] =	sst s10  }
0x32: {  	s10 =	sld [smem:$0x3FA7];
	_ =	sdelay $0x3  }
0x33: {  	p0 =	seq.s32 s10, $0x1;
	s10 =	sld [smem:$0x3FA9];
	_ =	sdelay $0x3  }
0x34: {  	[smem:$0x3FA9] =	sst s10  }
0x35: {  	s10 =	sld [smem:$0x3FA8];
	_ =	sdelay $0x3  }
0x36: {  	p1 =	seq.s32 s10, $0x1;
	s10 =	sld [smem:$0x3FA9];
	_ =	sdelay $0x3  }
0x37: {  	[smem:$0x3FA9] =	sst s10  }
0x38: {  	s10 =	sld [smem:$0x3FAA]  }
0x39: {  	_ = 	snop;
	(pc) =	sbr.ind lr, $3  }
0x3a: {  	_ = 	snop  }
0x3b: {  	_ = 	snop  }
0x3c: {  	p2 =	seq.s32 s10, $0x1;
	s10 =	sld [smem:$0x3FA9]  }
0x3d: {  	_ =	shalt  }
0x3e: {  	_ =	shalt  }
0x3f: {  	_ =	shalt  }
0x40: {  	_ =	shalt  }
0x41: {  	_ =	shalt  }
0x42: {  	_ =	shalt  }
0x43: {  	_ =	shalt  }
0x44: {  	_ =	shalt  }
0x45: {  	_ =	shalt  }
0x46: {  	_ =	shalt  }
0x47: {  	_ =	shalt  }
0x48: {  	_ =	shalt  }
0x49: {  	_ =	shalt  }
0x4a: {  	_ =	shalt  }
0x4b: {  	_ =	shalt  }
0x4c: {  	_ =	shalt  }
0x4d: {  	_ =	shalt  }
0x4e: {  	_ =	shalt  }
0x4f: {  	_ =	shalt  }
0x50: {  	_ =	shalt  }
0x51: {  	_ =	shalt  }
0x52: {  	_ =	shalt  }
0x53: {  	_ =	shalt  }
0x54: {  	_ =	shalt  }
0x55: {  	_ =	shalt  }
0x56: {  	_ =	shalt  }
0x57: {  	_ =	shalt  }
0x58: {  	_ =	shalt  }
0x59: {  	_ =	shalt  }
0x5a: {  	_ =	shalt  }
0x5b: {  	_ =	shalt  }
0x5c: {  	_ =	shalt  }
0x5d: {  	_ =	shalt  }
0x5e: {  	_ =	shalt  }
0x5f: {  	_ =	shalt  }
0x60: {  	_ =	shalt  }
0x61: {  	_ =	shalt  }
0x62: {  	_ =	shalt  }
0x63: {  	_ =	shalt  }
0x64: {  	_ =	shalt  }
0x65: {  	_ =	shalt  }
0x66: {  	_ =	shalt  }
0x67: {  	_ =	shalt  }
0x68: {  	_ =	shalt  }
0x69: {  	_ =	shalt  }
0x6a: {  	_ =	shalt  }
0x6b: {  	_ =	shalt  }
0x6c: {  	_ =	shalt  }
0x6d: {  	_ =	shalt  }
0x6e: {  	_ =	shalt  }
0x6f: {  	_ =	shalt  }
0x70: {  	_ =	shalt  }
0x71: {  	_ =	shalt  }
0x72: {  	_ =	shalt  }
0x73: {  	_ =	shalt  }
0x74: {  	_ =	shalt  }
0x75: {  	_ =	shalt  }
0x76: {  	_ =	shalt  }
0x77: {  	_ =	shalt  }
0x78: {  	_ =	shalt  }
0x79: {  	_ =	shalt  }
0x7a: {  	_ =	shalt  }
0x7b: {  	_ =	shalt  }
0x7c: {  	_ =	shalt  }
0x7d: {  	_ =	shalt  }
0x7e: {  	_ =	shalt  }
0x7f: {  	_ =	shalt  }
0x80: {  	_ =	shalt  }
0x81: {  	_ =	shalt  }
0x82: {  	_ =	shalt  }
0x83: {  	_ =	shalt  }
0x84: {  	_ =	shalt  }
0x85: {  	_ =	shalt  }
0x86: {  	_ =	shalt  }
0x87: {  	_ =	shalt  }
.Lfunc_end0:
.L_simem_size_0:
called_computation.3_lowered:
.L_overlay_start_0:
0x88: {  	s2 =	sld [smem:$0x3FD9]  }
0x89: {  	s3 =	sld [smem:$0x3FFE];
	_ =	sdelay $0x1  }
0x8a: {  	s1 =	srdreg.scid  }
0x8b: {  	s0 =	sand.u32 $0x1, s1  }
0x8c: {  	s16 =	sshll.u32 s0, $0xA;
	s2 =	sadd.s32 s3, s2  }
0x8d: {  	s2 =	sadd.s32 s2, s16  }
0x8e: {  	[smem:$0x3FB5] =	sst s2  }
0x8f: {  	_ = 	snop  }
0x90: {  	(tm) =	ssettm $0x1  }
0x91: {  	s17 =	sld [smem:$0x3FFB];
	_ =	sdelay $0x3  }
0x92: {  	_ =	strace s17  }
0x93: {  	s2 =	sld [smem:$0x3FFC];
	_ =	sdelay $0x3  }
0x94: {  	_ =	strace s2  }
0x95: {  	s2 =	sld [smem:$0x3FFD];
	_ =	sdelay $0x3  }
0x96: {  	_ =	strace s2  }
0x97: {  	_ =	strace $0x8FFFFFFF  }
0x98: {  	s18 =	sld [smem:$0x3FDB];
	_ =	sdelay $0x1  }
0x99: {  	s19 =	simm.s32 $_scs_section_size  }
0x9a: {  	s4 =	simm.s32 $_size__tile_overlayer_lowered;
	s5 =	simm.s32 $_tile_overlayer_lowered  }
0x9b: {  	s22 =	simm.s32 $0x1BFF;
	s21 =	sshll.u32 s5, $0x1;
	s2 =	sadd.s32 s19, s18  }
0x9c: {  	s6 =	simm.s32 $0x0;
	s20 =	sshll.u32 s4, $0x1;
	s4 =	sadd.s32 s21, s2  }
0x9d: {  	[timem:s6], [sflag:s22] =	dma.local [hbm:s4], s20  }
0x9e: {  	_ =	swait.ge [sflag:s22], s20  }
0x9f: {  	s3 =	ssub.s32 $0x0, s20;
	[sflag:s22] =	ssyncset.done $0x0  }
0xa0: {  	[sflag:s22] =	ssyncadd.s32 s3;
	_ =	sdelay $0x1  }
0xa1: {  	s23 =	simm.s32 $0x1B8B  }
0xa2: {  	_ =	swait.ge [sflag:s23], $0x1  }
0xa3: {  	[sflag:s23] =	ssyncset.done $0x0  }
0xa4: {  	s25 =	simm.s32 $0x1B8E;
	s24 =	sld [smem:$0x3FFE];
	[sflag:s23] =	ssyncadd.s32 $0xFFFFFFFF  }
0xa5: {  	s26 =	simm.s32 $execute0_lowered;
	[smem:$0x3FD2] =	sst s25  }
0xa6: {  	s4 =	sshll.u32 s26, $0x1;
	_ =	strace $0x8000004F;
	[dreg:$0x1] =	wrdreg $0xFFFFFFFF  }
0xa7: {  	s28 =	simm.s32 $_size_execute0_lowered;
	s2 =	sadd.s32 s2, s4;
	[dreg:$0x0] =	wrdreg $0x0  }
0xa8: {  	s4 =	sshll.u32 s28, $0x1;
	[dreg:$0x2] =	wrdreg s2  }
0xa9: {  	[dreg:$0x3] =	wrdreg s4  }
0xaa: {  	[dreg:$0x4] =	wrdreg $0xC0  }
0xab: {  	_ =	task [dreg:s6], $0x5FFFF  }
0xac: {  	[dreg:$0x1] =	wrdreg $0xFFFFFFFF  }
0xad: {  	[dreg:$0x0] =	wrdreg $0x60  }
0xae: {  	[dreg:$0x2] =	wrdreg s24  }
0xaf: {  	[dreg:$0x3] =	wrdreg $0x81000  }
0xb0: {  	[dreg:$0x4] =	wrdreg $0x9  }
0xb1: {  	_ =	task.clear_ibuf [dreg:s6], $0x5FFFF;
	_ =	strace $0x9000004F  }
0xb2: {  	s29 =	simm.s32 $0x9;
	_ =	strace $0x80000051  }
0xb3: {  	_ =	swait.ge [sflag:s29], $0x1  }
0xb4: {  	[sflag:s29] =	ssyncadd.s32 $0xFFFFFFFF  }
0xb5: {  	_ =	strace $0x90000051  }
0xb6: {  	_ =	sfence  }
0xb7: {  	s30 =	sld [smem:$0x0];
	_ =	sdelay $0x2  }
0xb8: {  	s31 =	sshll.u32 s1, $0xD;
	s1 =	sshrl.u32 s1, $0x2  }
0xb9: {  	s3 =	sand.u32 $0x4000, s31;
	s1 =	sadd.s32 s1, s30  }
0xba: {  	s0 =	sor.u32 s3, s0;
	s1 =	sshll.u32 s1, $0x11  }
0xbb: {  	s0 =	sor.u32 s1, s0  }
0xbc: {  	s0 =	sadd.s32 $0x8F2B, s0  }
0xbd: {  	[sflag:s0] =	ssyncadd.remote.s32 $0x1  }
0xbe: {  	_ =	sfence.sel $0xFFFF  }
0xbf: {  	[dreg:$0x0] =	wrdreg $0xFFFFFFFF;
	(pc) =	sbr.abs _section_cstart, $3  }
0xc0: {  	[dreg:$0x1] =	wrdreg $0xFFFFFFFF  }
0xc1: {  	_ =	task.clear_ibuf [dreg:s6], $0x2FFFF;
	_ =	strace $0x9FFFFFFF  }
0xc2: {  	(tm) =	ssettm $0x7FFFFFFF  }
0xc3: {  	_ =	shalt  }
tec
execute0_lowered:
.L_overlay_start_1:
0x0: {  	(tag) =	ssettag $0x1  }
0x1: {  	s9 =	rddreg [dreg:$0x0]  }
0x2: {  	s1 =	rddreg [dreg:$0x1]  }
0x3: {  	s0 =	rddreg [dreg:$0x2]  }
0x4: {  	s2 =	simm.s32 $0x0;
	s3 =	srdreg.scid;
	s16 =	simm.s32 $0x100  }
0x5: {  	s17 =	simm.s32 $0x4100;
	s18 =	simm.s32 $0x1;
	s23 =	simm.s32 $0x0  }
0x6: {  	s10 =	sand.u32 $0x1, s3;
	s4 =	sadd.s32 $0xA79E00, s9;
	s5 =	sadd.s32 $0xACAC00, s9  }
0x7: {  	s3 =	stileid.u32;
	s6 =	sadd.s32 $0x51D600, s9;
	s8 =	smul.u32 $0x140000, s10  }
0x8: {  	[smem:$0x7FF] =	sst s2;
	s7 =	sadd.s32 $0x513600, s9;
	s11 =	smul.u32 $0x14000, s3  }
0x9: {  	_ =	strace $0x80000050;
	s28 =	ssub.s32 $0x2, s10;
	s14 =	smul.u32 $0x50000, s3  }
0xa: {  	s30 =	sshll.u32 s3, $0x6;
	s31 =	sshll.u32 s3, $0x1;
	s13 =	sshrl.u32 s28, $0x1  }
0xb: {  	s10 =	sor.u32 s10, s31;
	s8 =	sadd.s32 s11, s8;
	s13 =	ssub.s32 s28, s13  }
0xc: {  	s29 =	sshrl.u32 s14, $0x2;
	s10 =	smul.u32 $0x2800, s10;
	s12 =	sshrl.u32 s8, $0x3  }
0xd: {  	s14 =	simm.s32 $0x2;
	s8 =	sadd.s32 $0xA77600, s9;
	s12 =	sadd.s32 s12, s9  }
0xe: {  	s15 =	sadd.s32 s29, s1;
	s9 =	sor.u32 $0x1C02, s30;
	s11 =	sadd.s32 $0x527600, s12  }
0xf: {  	s12 =	smax.u32 s13, $0x1;
	s13 =	sshrl.u32 s15, $0x3;
	s15 =	simm.s32 $0x80  }
.LBB2_1:
0x10: {  	[spmem:s13], [sflag:s9] =	dma.local [hbm:s8], $0x2800  }
0x11: {  	_ =	swait.ge [sflag:s14], $0x2800  }
0x12: {  	[sflag:s14] =	ssyncset.done $0x0  }
0x13: {  	[sflag:s14] =	ssyncadd.s32 $0xFFFFD800  }
0x14: {  	s19 =	simm.s32 $0x0;
	[bflag:$0x0] =	sbarrier.arrive $0xFFFF  }
.LBB2_2:
0x15: {  	s20 =	sshll.u32 s19, $0x7  }
0x16: {  	s20 =	sadd.s32 s10, s20  }
0x17: {  	s21 =	sshrl.u32 s20, $0x3  }
0x18: {  	s22 =	sadd.s32 s6, s21  }
0x19: {  	[tilespmem:s23], [sflag:$0x2] =	stream.linear.gather [hbm4b:s22+s23], $0x80, $0x38;
	[tilespmem:$0x1C100] =	vst v63  }
0x1a: {  	_ =	swait.ge [sflag:s14], $0x80  }
0x1b: {  	[sflag:s14] =	ssyncset.done $0x0  }
0x1c: {  	s21 =	sadd.s32 s7, s21;
	[sflag:s14] =	ssyncadd.s32 $0xFFFFFF80  }
0x1d: {  	[tilespmem:s15], [sflag:$0x2] =	stream.linear.gather [hbm4b:s21+s23], $0x80, $0x38;
	[tilespmem:$0x1C100] =	vst v63  }
0x1e: {  	_ =	swait.ge [sflag:s14], $0x80  }
0x1f: {  	s20 =	sshll.u32 s20, $0x4;
	[sflag:s14] =	ssyncset.done $0x0  }
0x20: {  	s20 =	sadd.s32 s5, s20;
	[sflag:s14] =	ssyncadd.s32 $0xFFFFFF80  }
0x21: {  	[tilespmem:s16], [sflag:$0x2] =	stream.linear.gather [hbm4b:s20+s23], $0x4000, $0x38;
	[tilespmem:$0x1C100] =	vst v63  }
0x22: {  	_ =	swait.ge [sflag:s14], $0x4000  }
0x23: {  	[sflag:s14] =	ssyncset.done $0x0  }
0x24: {  	[sflag:s14] =	ssyncadd.s32 $0xFFFFC000  }
0x25: {  	[tilespmem:s17], [sflag:$0x1] =	stream.indirect.gather [hbm4b:s4+s15], $0x80, s23, s15, $0xb8;
	[tilespmem:$0x1C100] =	vst v63  }
0x26: {  	_ =	swait.ge [sflag:s18], $0x4000  }
0x27: {  	[sflag:s18] =	ssyncset.done $0x0  }
0x28: {  	s20 =	simm.s32 $0x0;
	[sflag:s18] =	ssyncadd.s32 $0xFFFFC000  }
0x29: {  	v7 =	vld [tilespmem:s20+$0x100]  }
0x2a: {  	v11 =	vld [tilespmem:s20+$0x110]  }
0x2b: {  	v5 =	vld [tilespmem:s20+$0x120]  }
0x2c: {  	v4 =	vld [tilespmem:s20+$0x130]  }
0x2d: {  	v3 =	vld [tilespmem:s20+$0x140]  }
0x2e: {  	v2 =	vld [tilespmem:s20+$0x150]  }
0x2f: {  	v1 =	vld [tilespmem:s20+$0x160]  }
0x30: {  	v0 =	vld [tilespmem:s20+$0x170]  }
0x31: {  	v12 =	vld [tilespmem:s20+$0x4100]  }
0x32: {  	v13 =	vld [tilespmem:s20+$0x4110]  }
0x33: {  	v10 =	vld [tilespmem:s20+$0x4120]  }
0x34: {  	v9 =	vld [tilespmem:s20+$0x4130]  }
0x35: {  	v8 =	vld [tilespmem:s20+$0x4140]  }
0x36: {  	v6 =	vld [tilespmem:s20+$0x4150];
	v12 =	vmul.f32 v7, v12  }
0x37: {  	s21 =	simm.s32 $0x200;
	v11 =	vmul.f32 v11, v13;
	v7 =	vld [tilespmem:s20+$0x4160]  }
.LBB2_3:
0x38: {  	s22 =	sshra.s32 s21, $0x2;
	p0 =	sne.s32 s21, $0xFE00;
	[tilespmem:s20+$0x4100] =	vst v12;
	v5 =	vmul.f32 v5, v10;
	v10 =	vld [tilespmem:s20+$0x4170]  }
0x39: {  	v12 =	vld [tilespmem:s22+$0x100];
	[tilespmem:s20+$0x4110] =	vst v11;
	v4 =	vmul.f32 v4, v9  }
0x3a: {  	v11 =	vld [tilespmem:s22+$0x110];
	[tilespmem:s20+$0x4120] =	vst v5;
	v3 =	vmul.f32 v3, v8  }
0x3b: {  	v5 =	vld [tilespmem:s22+$0x120];
	[tilespmem:s20+$0x4130] =	vst v4;
	v2 =	vmul.f32 v2, v6  }
0x3c: {  	v4 =	vld [tilespmem:s22+$0x130];
	[tilespmem:s20+$0x4140] =	vst v3;
	v1 =	vmul.f32 v1, v7  }
0x3d: {  	v3 =	vld [tilespmem:s22+$0x140];
	[tilespmem:s20+$0x4150] =	vst v2;
	v0 =	vmul.f32 v0, v10  }
0x3e: {  	v2 =	vld [tilespmem:s22+$0x150];
	[tilespmem:s20+$0x4160] =	vst v1  }
0x3f: {  	v1 =	vld [tilespmem:s22+$0x160];
	[tilespmem:s20+$0x4170] =	vst v0;
	s20 =	smov.u32 s22  }
0x40: {  	v0 =	vld [tilespmem:s20+$0x170]  }
0x41: {  	v6 =	vld [tilespmem:s20+$0x4100]  }
0x42: {  	v7 =	vld [tilespmem:s20+$0x4110]  }
.Ltmp0:
0x43: {  	v10 =	vld [tilespmem:s20+$0x4120];
	(pc) =	sbr.rel @p0 .LBB2_3-.Ltmp0, $4  }
0x44: {  	v9 =	vld [tilespmem:s20+$0x4130]  }
0x45: {  	v8 =	vld [tilespmem:s20+$0x4140]  }
0x46: {  	v12 =	vmul.f32 v12, v6;
	v6 =	vld [tilespmem:s20+$0x4150]  }
0x47: {  	s21 =	sadd.s32 $0x200, s21;
	v11 =	vmul.f32 v11, v7;
	v7 =	vld [tilespmem:s20+$0x4160]  }
0x48: {  	[tilespmem:s20+$0x4100] =	vst v12;
	v5 =	vmul.f32 v5, v10;
	v63 =	vld [tilespmem:s20+$0x4170]  }
0x49: {  	[tilespmem:s20+$0x4110] =	vst v11;
	v4 =	vmul.f32 v4, v9  }
0x4a: {  	[tilespmem:s20+$0x4120] =	vst v5;
	v3 =	vmul.f32 v3, v8  }
0x4b: {  	[tilespmem:s20+$0x4130] =	vst v4;
	v2 =	vmul.f32 v2, v6  }
0x4c: {  	[tilespmem:s20+$0x4140] =	vst v3;
	v1 =	vmul.f32 v1, v7  }
0x4d: {  	s19 =	sadd.s32 $0x1, s19;
	[tilespmem:s20+$0x4150] =	vst v2;
	v0 =	vmul.f32 v0, v63  }
0x4e: {  	p0 =	sne.s32 s19, $0x50;
	[tilespmem:s20+$0x4160] =	vst v1  }
.Ltmp1:
0x4f: {  	[tilespmem:s20+$0x4170] =	vst v0;
	(pc) =	sbr.rel @p0 .LBB2_2-.Ltmp1, $4  }
0x50: {  	[spmem:s1] =	stream.indirect.scatter.add.f32 [tilespmem:s17], [sflag:$0x2], $0x80, s15, s15, $0xb8;
	[tilespmem:$0x1C100] =	vst v63  }
0x51: {  	_ =	swait.ge [sflag:s14], $0x4000  }
0x52: {  	[sflag:s14] =	ssyncset.done $0x0  }
0x53: {  	[sflag:s14] =	ssyncadd.s32 $0xFFFFC000  }
0x54: {  	s2 =	sadd.s32 $0x1, s2  }
0x55: {  	p0 =	sne.s32 s2, s12  }
.Ltmp2:
0x56: {  	[bflag:$0x0] =	sbarrier.arrive $0xFFFF;
	(pc) =	sbr.rel @p0 .LBB2_1-.Ltmp2, $4  }
0x57: {  	[hbm:s11], [sflag:s9] =	dma.local [spmem:s13], $0x2800  }
0x58: {  	_ =	swait.ge [sflag:s14], $0x2800  }
0x59: {  	[sflag:s14] =	ssyncset.done $0x0  }
0x5a: {  	[sflag:s14] =	ssyncadd.s32 $0xFFFFD800  }
0x5b: {  	_ =	sfence.sel $0x180000  }
0x5c: {  	[bflag:$0x0] =	sbarrier.arrive $0xFFFF  }
0x5d: {  	p0 =	sne.s32 s3, $0x0;
	_ =	strace $0x90000050  }
0x5e: {  	s0 =	sadd.s32 @!p0 $0x100000, s0;
	[bflag:$0x2] =	sbarrier.arrive $0xFFFF  }
0x5f: {  	[sflag:s0] =	ssyncadd.tile.s32 @!p0 $0x1;
	_ =	shalt  }
.Lfunc_end2:
_tile_overlayer_lowered:
.L_overlay_start_2:
0x60: {  	(tag) =	ssettag $0x2  }
0x61: {  	s0 =	rddreg [dreg:$0x0];
	s2 =	stileid.u32  }
0x62: {  	s1 =	rddreg [dreg:$0x1];
	p0 =	sne.s32 s2, $0x0  }
0x63: {  	s3 =	rddreg [dreg:$0x2];
	[bflag:$0x3] =	sbarrier.arrive $0xFFFF;
	s2 =	simm.s32 @!p0 $0x1C02  }
0x64: {  	[timem:s3], [sflag:s2] =	dma.local @!p0 [hbm:s0], s1  }
0x65: {  	s0 =	simm.s32 @!p0 $0x2  }
0x66: {  	_ =	swait.ge @!p0 [sflag:s0], s1  }
0x67: {  	s1 =	ssub.s32 @!p0 $0x0, s1;
	[sflag:s0] =	ssyncset.done @!p0 $0x0  }
0x68: {  	[sflag:s0] =	ssyncadd.s32 @!p0 s1  }
0x69: {  	[bflag:$0x3] =	sbarrier.arrive $0xFFFF  }
0x6a: {  	_ =	shalt  }

// kernel: kernel.34.cloned.1.call-start
scs
__scs_entry_jumppad:
0x0: {  	(pc) =	sbr.rel $0x88, $3  }
0x1: {  	(tag) =	ssettag $0x0;
	lr =	simm.s32 $0x1  }
0x2: {  	[smem:$0x3F8E] =	sst lr;
	_ =	strace $0xD0000000  }
0x3: {  	_ = 	snop  }
0x4: {  	_ = 	snop  }
0x5: {  	_ = 	snop  }
0x6: {  	_ = 	snop  }
0x7: {  	_ = 	snop  }
__scs_overlays_trampoline_lowered:
0x8: {  	[smem:$0x3F9D] =	sst s0  }
0x9: {  	[smem:$0x3F9E] =	sst s1  }
0xa: {  	[smem:$0x3F9F] =	sst s2  }
0xb: {  	[smem:$0x3FA0] =	sst s3  }
0xc: {  	[smem:$0x3FA1] =	sst s4  }
0xd: {  	[smem:$0x3FA2] =	sst s5  }
0xe: {  	[smem:$0x3FA3] =	sst s6  }
0xf: {  	[smem:$0x3FA4] =	sst s7  }
0x10: {  	[smem:$0x3FA5] =	sst s8  }
0x11: {  	[smem:$0x3FA6] =	sst s9;
	s0 =	simm.s32 @!p0 $0x0  }
0x12: {  	s1 =	sld [smem:$0x3F8C];
	s0 =	simm.s32 @p0 $0x1  }
0x13: {  	[smem:$0x3FA7] =	sst s0;
	s0 =	simm.s32 @!p1 $0x0  }
0x14: {  	s2 =	sld [smem:$0x3F8B];
	s0 =	simm.s32 @p1 $0x1  }
0x15: {  	[smem:$0x3FA8] =	sst s0;
	s0 =	simm.s32 @!p2 $0x0  }
0x16: {  	s3 =	sld [smem:$0x3FDB];
	s0 =	simm.s32 @p2 $0x1  }
0x17: {  	s4 =	simm.s32 $0x1BF5;
	[smem:$0x3FAA] =	sst s0  }
0x18: {  	s0 =	sld [smem:$0x3F8D];
	_ =	swait.ge [sflag:s4], $0x0  }
0x19: {  	s7 =	sld [smem:$0x3F8E]  }
0x1a: {  	s8 =	sadd.s32 $0xFFFFE003, lr  }
0x1b: {  	s9 =	sadd.s32 $0xFFFFFEF7, lr;
	s5 =	simm.s32 $0xFFFFFFFF;
	p2 =	slt.u32 s8, $0xFFFFF086  }
0x1c: {  	p1 =	slt.u32 s9, $0xF7A;
	s5 =	simm.s32 @!p2 $0x0  }
0x1d: {  	s5 =	simm.s32 @p1 $0x1;
	p0 =	seq.s32 s7, s2  }
0x1e: {  	s7 =	smul.u32 @!p0 $0xF7A, s2;
	p2 =	seq.s32 @!p0 s5, $0x0  }
0x1f: {  	s9 =	smul.u32 $0xF7A, s1;
	s8 =	simm.s32 @!p0 $0x1BF5;
	p2 =	por !p2, p0  }
0x20: {  	[sflag:s8] =	ssyncset.s32 @!p0 $0xFFFFF086;
	s6 =	sadd.s32 @!p0 s3, s7;
	s7 =	simm.s32 @!p0 $0x108  }
0x21: {  	s3 =	sadd.s32 s3, s9;
	s6 =	sadd.s32 @!p0 $0x88, s6;
	s7 =	simm.s32 @p2 $0x1082  }
0x22: {  	[simem:s7], [sflag:s8] =	dma.local @!p0 [hbm:s6], $0xF7A  }
0x23: {  	s9 =	sor.u32 $0xD0000000, s2;
	s6 =	simm.s32 $0x108;
	_ =	swait.ge @!p0 [sflag:s8], $0x0  }
0x24: {  	s3 =	sadd.s32 $0x88, s3;
	s6 =	simm.s32 @!p1 $0x1082;
	[sflag:s4] =	ssyncset.s32 $0xFFFFF086  }
0x25: {  	[simem:s6], [sflag:s4] =	dma.local [hbm:s3], $0xF7A  }
0x26: {  	[smem:$0x3F8E] =	sst s1;
	(tag) =	ssettag s2;
	_ =	strace s9  }
0x27: {  	s1 =	sld [smem:$0x3F9E]  }
0x28: {  	s2 =	sld [smem:$0x3F9F]  }
0x29: {  	s4 =	sld [smem:$0x3FA1]  }
0x2a: {  	p0 =	seq.s32 s5, $0x0;
	s5 =	sld [smem:$0x3FA2]  }
0x2b: {  	s6 =	sld [smem:$0x3FA3]  }
0x2c: {  	s7 =	sld [smem:$0x3FA4]  }
0x2d: {  	s3 =	simm.s32 $0x108;
	s8 =	sld [smem:$0x3FA5]  }
0x2e: {  	s3 =	simm.s32 @!p0 $0x1082;
	s9 =	sld [smem:$0x3FA6]  }
0x2f: {  	lr =	sadd.s32 s0, s3;
	s0 =	sld [smem:$0x3F9D]  }
0x30: {  	s3 =	sld [smem:$0x3FA0]  }
0x31: {  	[smem:$0x3FA9] =	sst s10  }
0x32: {  	s10 =	sld [smem:$0x3FA7];
	_ =	sdelay $0x3  }
0x33: {  	p0 =	seq.s32 s10, $0x1;
	s10 =	sld [smem:$0x3FA9];
	_ =	sdelay $0x3  }
0x34: {  	[smem:$0x3FA9] =	sst s10  }
0x35: {  	s10 =	sld [smem:$0x3FA8];
	_ =	sdelay $0x3  }
0x36: {  	p1 =	seq.s32 s10, $0x1;
	s10 =	sld [smem:$0x3FA9];
	_ =	sdelay $0x3  }
0x37: {  	[smem:$0x3FA9] =	sst s10  }
0x38: {  	s10 =	sld [smem:$0x3FAA]  }
0x39: {  	_ = 	snop;
	(pc) =	sbr.ind lr, $3  }
0x3a: {  	_ = 	snop  }
0x3b: {  	_ = 	snop  }
0x3c: {  	p2 =	seq.s32 s10, $0x1;
	s10 =	sld [smem:$0x3FA9]  }
0x3d: {  	_ =	shalt  }
0x3e: {  	_ =	shalt  }
0x3f: {  	_ =	shalt  }
0x40: {  	_ =	shalt  }
0x41: {  	_ =	shalt  }
0x42: {  	_ =	shalt  }
0x43: {  	_ =	shalt  }
0x44: {  	_ =	shalt  }
0x45: {  	_ =	shalt  }
0x46: {  	_ =	shalt  }
0x47: {  	_ =	shalt  }
0x48: {  	_ =	shalt  }
0x49: {  	_ =	shalt  }
0x4a: {  	_ =	shalt  }
0x4b: {  	_ =	shalt  }
0x4c: {  	_ =	shalt  }
0x4d: {  	_ =	shalt  }
0x4e: {  	_ =	shalt  }
0x4f: {  	_ =	shalt  }
0x50: {  	_ =	shalt  }
0x51: {  	_ =	shalt  }
0x52: {  	_ =	shalt  }
0x53: {  	_ =	shalt  }
0x54: {  	_ =	shalt  }
0x55: {  	_ =	shalt  }
0x56: {  	_ =	shalt  }
0x57: {  	_ =	shalt  }
0x58: {  	_ =	shalt  }
0x59: {  	_ =	shalt  }
0x5a: {  	_ =	shalt  }
0x5b: {  	_ =	shalt  }
0x5c: {  	_ =	shalt  }
0x5d: {  	_ =	shalt  }
0x5e: {  	_ =	shalt  }
0x5f: {  	_ =	shalt  }
0x60: {  	_ =	shalt  }
0x61: {  	_ =	shalt  }
0x62: {  	_ =	shalt  }
0x63: {  	_ =	shalt  }
0x64: {  	_ =	shalt  }
0x65: {  	_ =	shalt  }
0x66: {  	_ =	shalt  }
0x67: {  	_ =	shalt  }
0x68: {  	_ =	shalt  }
0x69: {  	_ =	shalt  }
0x6a: {  	_ =	shalt  }
0x6b: {  	_ =	shalt  }
0x6c: {  	_ =	shalt  }
0x6d: {  	_ =	shalt  }
0x6e: {  	_ =	shalt  }
0x6f: {  	_ =	shalt  }
0x70: {  	_ =	shalt  }
0x71: {  	_ =	shalt  }
0x72: {  	_ =	shalt  }
0x73: {  	_ =	shalt  }
0x74: {  	_ =	shalt  }
0x75: {  	_ =	shalt  }
0x76: {  	_ =	shalt  }
0x77: {  	_ =	shalt  }
0x78: {  	_ =	shalt  }
0x79: {  	_ =	shalt  }
0x7a: {  	_ =	shalt  }
0x7b: {  	_ =	shalt  }
0x7c: {  	_ =	shalt  }
0x7d: {  	_ =	shalt  }
0x7e: {  	_ =	shalt  }
0x7f: {  	_ =	shalt  }
0x80: {  	_ =	shalt  }
0x81: {  	_ =	shalt  }
0x82: {  	_ =	shalt  }
0x83: {  	_ =	shalt  }
0x84: {  	_ =	shalt  }
0x85: {  	_ =	shalt  }
0x86: {  	_ =	shalt  }
0x87: {  	_ =	shalt  }
.Lfunc_end0:
.L_simem_size_0:
called_computation.4_lowered:
.L_overlay_start_0:
0x88: {  	s2 =	sld [smem:$0x3FD9]  }
0x89: {  	s3 =	sld [smem:$0x3FFE];
	_ =	sdelay $0x1  }
0x8a: {  	s1 =	srdreg.scid  }
0x8b: {  	s0 =	sand.u32 $0x1, s1  }
0x8c: {  	s16 =	sshll.u32 s0, $0xA;
	s2 =	sadd.s32 s3, s2  }
0x8d: {  	s2 =	sadd.s32 s2, s16  }
0x8e: {  	[smem:$0x3FB5] =	sst s2  }
0x8f: {  	_ = 	snop  }
0x90: {  	(tm) =	ssettm $0x1  }
0x91: {  	s17 =	sld [smem:$0x3FFB];
	_ =	sdelay $0x3  }
0x92: {  	_ =	strace s17  }
0x93: {  	s2 =	sld [smem:$0x3FFC];
	_ =	sdelay $0x3  }
0x94: {  	_ =	strace s2  }
0x95: {  	s2 =	sld [smem:$0x3FFD];
	_ =	sdelay $0x3  }
0x96: {  	_ =	strace s2  }
0x97: {  	_ =	strace $0x8FFFFFFF  }
0x98: {  	s18 =	sld [smem:$0x3FDB];
	_ =	sdelay $0x1  }
0x99: {  	s19 =	simm.s32 $_scs_section_size  }
0x9a: {  	s4 =	simm.s32 $_size__tile_overlayer_lowered;
	s5 =	simm.s32 $_tile_overlayer_lowered  }
0x9b: {  	s22 =	simm.s32 $0x1BFF;
	s21 =	sshll.u32 s5, $0x1;
	s2 =	sadd.s32 s19, s18  }
0x9c: {  	s6 =	simm.s32 $0x0;
	s20 =	sshll.u32 s4, $0x1;
	s4 =	sadd.s32 s21, s2  }
0x9d: {  	[timem:s6], [sflag:s22] =	dma.local [hbm:s4], s20  }
0x9e: {  	_ =	swait.ge [sflag:s22], s20  }
0x9f: {  	s3 =	ssub.s32 $0x0, s20;
	[sflag:s22] =	ssyncset.done $0x0  }
0xa0: {  	[sflag:s22] =	ssyncadd.s32 s3;
	_ =	sdelay $0x1  }
0xa1: {  	s23 =	simm.s32 $0x1B8B  }
0xa2: {  	_ =	swait.ge [sflag:s23], $0x1  }
0xa3: {  	[sflag:s23] =	ssyncset.done $0x0  }
0xa4: {  	s25 =	simm.s32 $0x1B8E;
	s24 =	sld [smem:$0x3FFE];
	[sflag:s23] =	ssyncadd.s32 $0xFFFFFFFF  }
0xa5: {  	s26 =	simm.s32 $execute0_lowered;
	[smem:$0x3FD2] =	sst s25  }
0xa6: {  	s4 =	sshll.u32 s26, $0x1;
	_ =	strace $0x80000052;
	[dreg:$0x1] =	wrdreg $0xFFFFFFFF  }
0xa7: {  	s28 =	simm.s32 $_size_execute0_lowered;
	s2 =	sadd.s32 s2, s4;
	[dreg:$0x0] =	wrdreg $0x0  }
0xa8: {  	s4 =	sshll.u32 s28, $0x1;
	[dreg:$0x2] =	wrdreg s2  }
0xa9: {  	[dreg:$0x3] =	wrdreg s4  }
0xaa: {  	[dreg:$0x4] =	wrdreg $0xC0  }
0xab: {  	_ =	task [dreg:s6], $0x5FFFF  }
0xac: {  	[dreg:$0x1] =	wrdreg $0xFFFFFFFF  }
0xad: {  	[dreg:$0x0] =	wrdreg $0x60  }
0xae: {  	[dreg:$0x2] =	wrdreg s24  }
0xaf: {  	[dreg:$0x3] =	wrdreg $0x81000  }
0xb0: {  	[dreg:$0x4] =	wrdreg $0x9  }
0xb1: {  	_ =	task.clear_ibuf [dreg:s6], $0x5FFFF;
	_ =	strace $0x90000052  }
0xb2: {  	s29 =	simm.s32 $0x9;
	_ =	strace $0x80000054  }
0xb3: {  	_ =	swait.ge [sflag:s29], $0x1  }
0xb4: {  	[sflag:s29] =	ssyncadd.s32 $0xFFFFFFFF  }
0xb5: {  	_ =	strace $0x90000054  }
0xb6: {  	_ =	sfence  }
0xb7: {  	s30 =	sld [smem:$0x0];
	_ =	sdelay $0x2  }
0xb8: {  	s31 =	sshll.u32 s1, $0xD;
	s1 =	sshrl.u32 s1, $0x2  }
0xb9: {  	s3 =	sand.u32 $0x4000, s31;
	s1 =	sadd.s32 s1, s30  }
0xba: {  	s0 =	sor.u32 s3, s0;
	s1 =	sshll.u32 s1, $0x11  }
0xbb: {  	s0 =	sor.u32 s1, s0  }
0xbc: {  	s0 =	sadd.s32 $0x8F2B, s0  }
0xbd: {  	[sflag:s0] =	ssyncadd.remote.s32 $0x1  }
0xbe: {  	_ =	sfence.sel $0xFFFF  }
0xbf: {  	[dreg:$0x0] =	wrdreg $0xFFFFFFFF;
	(pc) =	sbr.abs _section_cstart, $3  }
0xc0: {  	[dreg:$0x1] =	wrdreg $0xFFFFFFFF  }
0xc1: {  	_ =	task.clear_ibuf [dreg:s6], $0x2FFFF;
	_ =	strace $0x9FFFFFFF  }
0xc2: {  	(tm) =	ssettm $0x7FFFFFFF  }
0xc3: {  	_ =	shalt  }
tec
execute0_lowered:
.L_overlay_start_1:
0x0: {  	(tag) =	ssettag $0x1  }
0x1: {  	s9 =	rddreg [dreg:$0x0]  }
0x2: {  	s1 =	rddreg [dreg:$0x1]  }
0x3: {  	s0 =	rddreg [dreg:$0x2]  }
0x4: {  	s2 =	simm.s32 $0x0;
	s3 =	srdreg.scid;
	s16 =	simm.s32 $0x100  }
0x5: {  	s17 =	simm.s32 $0x4100;
	s18 =	simm.s32 $0x1;
	s23 =	simm.s32 $0x0  }
0x6: {  	s10 =	sand.u32 $0x1, s3;
	s4 =	sadd.s32 $0x527600, s9;
	s5 =	sadd.s32 $0x577600, s9  }
0x7: {  	s3 =	stileid.u32;
	s6 =	sadd.s32 $0x51D600, s9;
	s8 =	smul.u32 $0x140000, s10  }
0x8: {  	[smem:$0x7FF] =	sst s2;
	s7 =	sadd.s32 $0x513600, s9;
	s11 =	smul.u32 $0x14000, s3  }
0x9: {  	_ =	strace $0x80000053;
	s28 =	ssub.s32 $0x2, s10;
	s14 =	smul.u32 $0x50000, s3  }
0xa: {  	s30 =	sshll.u32 s3, $0x6;
	s31 =	sshll.u32 s3, $0x1;
	s13 =	sshrl.u32 s28, $0x1  }
0xb: {  	s10 =	sor.u32 s10, s31;
	s8 =	sadd.s32 s11, s8;
	s13 =	ssub.s32 s28, s13  }
0xc: {  	s29 =	sshrl.u32 s14, $0x2;
	s10 =	smul.u32 $0x2800, s10;
	s12 =	sshrl.u32 s8, $0x3  }
0xd: {  	s14 =	simm.s32 $0x2;
	s8 =	sadd.s32 $0xA77600, s9;
	s12 =	sadd.s32 s12, s9  }
0xe: {  	s15 =	sadd.s32 s29, s1;
	s9 =	sor.u32 $0x1C02, s30;
	s11 =	sadd.s32 $0xA79E00, s12  }
0xf: {  	s12 =	smax.u32 s13, $0x1;
	s13 =	sshrl.u32 s15, $0x3;
	s15 =	simm.s32 $0x80  }
.LBB2_1:
0x10: {  	[spmem:s13], [sflag:s9] =	dma.local [hbm:s8], $0x2800  }
0x11: {  	_ =	swait.ge [sflag:s14], $0x2800  }
0x12: {  	[sflag:s14] =	ssyncset.done $0x0  }
0x13: {  	[sflag:s14] =	ssyncadd.s32 $0xFFFFD800  }
0x14: {  	s19 =	simm.s32 $0x0;
	[bflag:$0x0] =	sbarrier.arrive $0xFFFF  }
.LBB2_2:
0x15: {  	s20 =	sshll.u32 s19, $0x7  }
0x16: {  	s20 =	sadd.s32 s10, s20  }
0x17: {  	s21 =	sshrl.u32 s20, $0x3  }
0x18: {  	s22 =	sadd.s32 s6, s21  }
0x19: {  	[tilespmem:s23], [sflag:$0x2] =	stream.linear.gather [hbm4b:s22+s23], $0x80, $0x38;
	[tilespmem:$0x1C100] =	vst v63  }
0x1a: {  	_ =	swait.ge [sflag:s14], $0x80  }
0x1b: {  	[sflag:s14] =	ssyncset.done $0x0  }
0x1c: {  	s21 =	sadd.s32 s7, s21;
	[sflag:s14] =	ssyncadd.s32 $0xFFFFFF80  }
0x1d: {  	[tilespmem:s15], [sflag:$0x2] =	stream.linear.gather [hbm4b:s21+s23], $0x80, $0x38;
	[tilespmem:$0x1C100] =	vst v63  }
0x1e: {  	_ =	swait.ge [sflag:s14], $0x80  }
0x1f: {  	s20 =	sshll.u32 s20, $0x4;
	[sflag:s14] =	ssyncset.done $0x0  }
0x20: {  	s20 =	sadd.s32 s5, s20;
	[sflag:s14] =	ssyncadd.s32 $0xFFFFFF80  }
0x21: {  	[tilespmem:s16], [sflag:$0x2] =	stream.linear.gather [hbm4b:s20+s23], $0x4000, $0x38;
	[tilespmem:$0x1C100] =	vst v63  }
0x22: {  	_ =	swait.ge [sflag:s14], $0x4000  }
0x23: {  	[sflag:s14] =	ssyncset.done $0x0  }
0x24: {  	[sflag:s14] =	ssyncadd.s32 $0xFFFFC000  }
0x25: {  	[tilespmem:s17], [sflag:$0x1] =	stream.indirect.gather [hbm4b:s4+s15], $0x80, s23, s15, $0xb8;
	[tilespmem:$0x1C100] =	vst v63  }
0x26: {  	_ =	swait.ge [sflag:s18], $0x4000  }
0x27: {  	[sflag:s18] =	ssyncset.done $0x0  }
0x28: {  	s20 =	simm.s32 $0x0;
	[sflag:s18] =	ssyncadd.s32 $0xFFFFC000  }
0x29: {  	v7 =	vld [tilespmem:s20+$0x100]  }
0x2a: {  	v11 =	vld [tilespmem:s20+$0x110]  }
0x2b: {  	v5 =	vld [tilespmem:s20+$0x120]  }
0x2c: {  	v4 =	vld [tilespmem:s20+$0x130]  }
0x2d: {  	v3 =	vld [tilespmem:s20+$0x140]  }
0x2e: {  	v2 =	vld [tilespmem:s20+$0x150]  }
0x2f: {  	v1 =	vld [tilespmem:s20+$0x160]  }
0x30: {  	v0 =	vld [tilespmem:s20+$0x170]  }
0x31: {  	v12 =	vld [tilespmem:s20+$0x4100]  }
0x32: {  	v13 =	vld [tilespmem:s20+$0x4110]  }
0x33: {  	v10 =	vld [tilespmem:s20+$0x4120]  }
0x34: {  	v9 =	vld [tilespmem:s20+$0x4130]  }
0x35: {  	v8 =	vld [tilespmem:s20+$0x4140]  }
0x36: {  	v6 =	vld [tilespmem:s20+$0x4150];
	v12 =	vmul.f32 v7, v12  }
0x37: {  	s21 =	simm.s32 $0x200;
	v11 =	vmul.f32 v11, v13;
	v7 =	vld [tilespmem:s20+$0x4160]  }
.LBB2_3:
0x38: {  	s22 =	sshra.s32 s21, $0x2;
	p0 =	sne.s32 s21, $0xFE00;
	[tilespmem:s20+$0x4100] =	vst v12;
	v5 =	vmul.f32 v5, v10;
	v10 =	vld [tilespmem:s20+$0x4170]  }
0x39: {  	v12 =	vld [tilespmem:s22+$0x100];
	[tilespmem:s20+$0x4110] =	vst v11;
	v4 =	vmul.f32 v4, v9  }
0x3a: {  	v11 =	vld [tilespmem:s22+$0x110];
	[tilespmem:s20+$0x4120] =	vst v5;
	v3 =	vmul.f32 v3, v8  }
0x3b: {  	v5 =	vld [tilespmem:s22+$0x120];
	[tilespmem:s20+$0x4130] =	vst v4;
	v2 =	vmul.f32 v2, v6  }
0x3c: {  	v4 =	vld [tilespmem:s22+$0x130];
	[tilespmem:s20+$0x4140] =	vst v3;
	v1 =	vmul.f32 v1, v7  }
0x3d: {  	v3 =	vld [tilespmem:s22+$0x140];
	[tilespmem:s20+$0x4150] =	vst v2;
	v0 =	vmul.f32 v0, v10  }
0x3e: {  	v2 =	vld [tilespmem:s22+$0x150];
	[tilespmem:s20+$0x4160] =	vst v1  }
0x3f: {  	v1 =	vld [tilespmem:s22+$0x160];
	[tilespmem:s20+$0x4170] =	vst v0;
	s20 =	smov.u32 s22  }
0x40: {  	v0 =	vld [tilespmem:s20+$0x170]  }
0x41: {  	v6 =	vld [tilespmem:s20+$0x4100]  }
0x42: {  	v7 =	vld [tilespmem:s20+$0x4110]  }
.Ltmp0:
0x43: {  	v10 =	vld [tilespmem:s20+$0x4120];
	(pc) =	sbr.rel @p0 .LBB2_3-.Ltmp0, $4  }
0x44: {  	v9 =	vld [tilespmem:s20+$0x4130]  }
0x45: {  	v8 =	vld [tilespmem:s20+$0x4140]  }
0x46: {  	v12 =	vmul.f32 v12, v6;
	v6 =	vld [tilespmem:s20+$0x4150]  }
0x47: {  	s21 =	sadd.s32 $0x200, s21;
	v11 =	vmul.f32 v11, v7;
	v7 =	vld [tilespmem:s20+$0x4160]  }
0x48: {  	[tilespmem:s20+$0x4100] =	vst v12;
	v5 =	vmul.f32 v5, v10;
	v63 =	vld [tilespmem:s20+$0x4170]  }
0x49: {  	[tilespmem:s20+$0x4110] =	vst v11;
	v4 =	vmul.f32 v4, v9  }
0x4a: {  	[tilespmem:s20+$0x4120] =	vst v5;
	v3 =	vmul.f32 v3, v8  }
0x4b: {  	[tilespmem:s20+$0x4130] =	vst v4;
	v2 =	vmul.f32 v2, v6  }
0x4c: {  	[tilespmem:s20+$0x4140] =	vst v3;
	v1 =	vmul.f32 v1, v7  }
0x4d: {  	s19 =	sadd.s32 $0x1, s19;
	[tilespmem:s20+$0x4150] =	vst v2;
	v0 =	vmul.f32 v0, v63  }
0x4e: {  	p0 =	sne.s32 s19, $0x50;
	[tilespmem:s20+$0x4160] =	vst v1  }
.Ltmp1:
0x4f: {  	[tilespmem:s20+$0x4170] =	vst v0;
	(pc) =	sbr.rel @p0 .LBB2_2-.Ltmp1, $4  }
0x50: {  	[spmem:s1] =	stream.indirect.scatter.add.f32 [tilespmem:s17], [sflag:$0x2], $0x80, s15, s15, $0xb8;
	[tilespmem:$0x1C100] =	vst v63  }
0x51: {  	_ =	swait.ge [sflag:s14], $0x4000  }
0x52: {  	[sflag:s14] =	ssyncset.done $0x0  }
0x53: {  	[sflag:s14] =	ssyncadd.s32 $0xFFFFC000  }
0x54: {  	s2 =	sadd.s32 $0x1, s2  }
0x55: {  	p0 =	sne.s32 s2, s12  }
.Ltmp2:
0x56: {  	[bflag:$0x0] =	sbarrier.arrive $0xFFFF;
	(pc) =	sbr.rel @p0 .LBB2_1-.Ltmp2, $4  }
0x57: {  	[hbm:s11], [sflag:s9] =	dma.local [spmem:s13], $0x2800  }
0x58: {  	_ =	swait.ge [sflag:s14], $0x2800  }
0x59: {  	[sflag:s14] =	ssyncset.done $0x0  }
0x5a: {  	[sflag:s14] =	ssyncadd.s32 $0xFFFFD800  }
0x5b: {  	_ =	sfence.sel $0x180000  }
0x5c: {  	[bflag:$0x0] =	sbarrier.arrive $0xFFFF  }
0x5d: {  	p0 =	sne.s32 s3, $0x0;
	_ =	strace $0x90000053  }
0x5e: {  	s0 =	sadd.s32 @!p0 $0x100000, s0;
	[bflag:$0x2] =	sbarrier.arrive $0xFFFF  }
0x5f: {  	[sflag:s0] =	ssyncadd.tile.s32 @!p0 $0x1;
	_ =	shalt  }
.Lfunc_end2:
_tile_overlayer_lowered:
.L_overlay_start_2:
0x60: {  	(tag) =	ssettag $0x2  }
0x61: {  	s0 =	rddreg [dreg:$0x0];
	s2 =	stileid.u32  }
0x62: {  	s1 =	rddreg [dreg:$0x1];
	p0 =	sne.s32 s2, $0x0  }
0x63: {  	s3 =	rddreg [dreg:$0x2];
	[bflag:$0x3] =	sbarrier.arrive $0xFFFF;
	s2 =	simm.s32 @!p0 $0x1C02  }
0x64: {  	[timem:s3], [sflag:s2] =	dma.local @!p0 [hbm:s0], s1  }
0x65: {  	s0 =	simm.s32 @!p0 $0x2  }
0x66: {  	_ =	swait.ge @!p0 [sflag:s0], s1  }
0x67: {  	s1 =	ssub.s32 @!p0 $0x0, s1;
	[sflag:s0] =	ssyncset.done @!p0 $0x0  }
0x68: {  	[sflag:s0] =	ssyncadd.s32 @!p0 s1  }
0x69: {  	[bflag:$0x3] =	sbarrier.arrive $0xFFFF  }
0x6a: {  	_ =	shalt  }

// kernel: kernel.37.cloned.1.call-start
scs
__scs_entry_jumppad:
0x0: {  	(pc) =	sbr.rel $0x88, $3  }
0x1: {  	(tag) =	ssettag $0x0;
	lr =	simm.s32 $0x1  }
0x2: {  	[smem:$0x3F8E] =	sst lr;
	_ =	strace $0xD0000000  }
0x3: {  	_ = 	snop  }
0x4: {  	_ = 	snop  }
0x5: {  	_ = 	snop  }
0x6: {  	_ = 	snop  }
0x7: {  	_ = 	snop  }
__scs_overlays_trampoline_lowered:
0x8: {  	[smem:$0x3F9D] =	sst s0  }
0x9: {  	[smem:$0x3F9E] =	sst s1  }
0xa: {  	[smem:$0x3F9F] =	sst s2  }
0xb: {  	[smem:$0x3FA0] =	sst s3  }
0xc: {  	[smem:$0x3FA1] =	sst s4  }
0xd: {  	[smem:$0x3FA2] =	sst s5  }
0xe: {  	[smem:$0x3FA3] =	sst s6  }
0xf: {  	[smem:$0x3FA4] =	sst s7  }
0x10: {  	[smem:$0x3FA5] =	sst s8  }
0x11: {  	[smem:$0x3FA6] =	sst s9;
	s0 =	simm.s32 @!p0 $0x0  }
0x12: {  	s1 =	sld [smem:$0x3F8C];
	s0 =	simm.s32 @p0 $0x1  }
0x13: {  	[smem:$0x3FA7] =	sst s0;
	s0 =	simm.s32 @!p1 $0x0  }
0x14: {  	s2 =	sld [smem:$0x3F8B];
	s0 =	simm.s32 @p1 $0x1  }
0x15: {  	[smem:$0x3FA8] =	sst s0;
	s0 =	simm.s32 @!p2 $0x0  }
0x16: {  	s3 =	sld [smem:$0x3FDB];
	s0 =	simm.s32 @p2 $0x1  }
0x17: {  	s4 =	simm.s32 $0x1BF5;
	[smem:$0x3FAA] =	sst s0  }
0x18: {  	s0 =	sld [smem:$0x3F8D];
	_ =	swait.ge [sflag:s4], $0x0  }
0x19: {  	s7 =	sld [smem:$0x3F8E]  }
0x1a: {  	s8 =	sadd.s32 $0xFFFFE003, lr  }
0x1b: {  	s9 =	sadd.s32 $0xFFFFFEF7, lr;
	s5 =	simm.s32 $0xFFFFFFFF;
	p2 =	slt.u32 s8, $0xFFFFF086  }
0x1c: {  	p1 =	slt.u32 s9, $0xF7A;
	s5 =	simm.s32 @!p2 $0x0  }
0x1d: {  	s5 =	simm.s32 @p1 $0x1;
	p0 =	seq.s32 s7, s2  }
0x1e: {  	s7 =	smul.u32 @!p0 $0xF7A, s2;
	p2 =	seq.s32 @!p0 s5, $0x0  }
0x1f: {  	s9 =	smul.u32 $0xF7A, s1;
	s8 =	simm.s32 @!p0 $0x1BF5;
	p2 =	por !p2, p0  }
0x20: {  	[sflag:s8] =	ssyncset.s32 @!p0 $0xFFFFF086;
	s6 =	sadd.s32 @!p0 s3, s7;
	s7 =	simm.s32 @!p0 $0x108  }
0x21: {  	s3 =	sadd.s32 s3, s9;
	s6 =	sadd.s32 @!p0 $0x88, s6;
	s7 =	simm.s32 @p2 $0x1082  }
0x22: {  	[simem:s7], [sflag:s8] =	dma.local @!p0 [hbm:s6], $0xF7A  }
0x23: {  	s9 =	sor.u32 $0xD0000000, s2;
	s6 =	simm.s32 $0x108;
	_ =	swait.ge @!p0 [sflag:s8], $0x0  }
0x24: {  	s3 =	sadd.s32 $0x88, s3;
	s6 =	simm.s32 @!p1 $0x1082;
	[sflag:s4] =	ssyncset.s32 $0xFFFFF086  }
0x25: {  	[simem:s6], [sflag:s4] =	dma.local [hbm:s3], $0xF7A  }
0x26: {  	[smem:$0x3F8E] =	sst s1;
	(tag) =	ssettag s2;
	_ =	strace s9  }
0x27: {  	s1 =	sld [smem:$0x3F9E]  }
0x28: {  	s2 =	sld [smem:$0x3F9F]  }
0x29: {  	s4 =	sld [smem:$0x3FA1]  }
0x2a: {  	p0 =	seq.s32 s5, $0x0;
	s5 =	sld [smem:$0x3FA2]  }
0x2b: {  	s6 =	sld [smem:$0x3FA3]  }
0x2c: {  	s7 =	sld [smem:$0x3FA4]  }
0x2d: {  	s3 =	simm.s32 $0x108;
	s8 =	sld [smem:$0x3FA5]  }
0x2e: {  	s3 =	simm.s32 @!p0 $0x1082;
	s9 =	sld [smem:$0x3FA6]  }
0x2f: {  	lr =	sadd.s32 s0, s3;
	s0 =	sld [smem:$0x3F9D]  }
0x30: {  	s3 =	sld [smem:$0x3FA0]  }
0x31: {  	[smem:$0x3FA9] =	sst s10  }
0x32: {  	s10 =	sld [smem:$0x3FA7];
	_ =	sdelay $0x3  }
0x33: {  	p0 =	seq.s32 s10, $0x1;
	s10 =	sld [smem:$0x3FA9];
	_ =	sdelay $0x3  }
0x34: {  	[smem:$0x3FA9] =	sst s10  }
0x35: {  	s10 =	sld [smem:$0x3FA8];
	_ =	sdelay $0x3  }
0x36: {  	p1 =	seq.s32 s10, $0x1;
	s10 =	sld [smem:$0x3FA9];
	_ =	sdelay $0x3  }
0x37: {  	[smem:$0x3FA9] =	sst s10  }
0x38: {  	s10 =	sld [smem:$0x3FAA]  }
0x39: {  	_ = 	snop;
	(pc) =	sbr.ind lr, $3  }
0x3a: {  	_ = 	snop  }
0x3b: {  	_ = 	snop  }
0x3c: {  	p2 =	seq.s32 s10, $0x1;
	s10 =	sld [smem:$0x3FA9]  }
0x3d: {  	_ =	shalt  }
0x3e: {  	_ =	shalt  }
0x3f: {  	_ =	shalt  }
0x40: {  	_ =	shalt  }
0x41: {  	_ =	shalt  }
0x42: {  	_ =	shalt  }
0x43: {  	_ =	shalt  }
0x44: {  	_ =	shalt  }
0x45: {  	_ =	shalt  }
0x46: {  	_ =	shalt  }
0x47: {  	_ =	shalt  }
0x48: {  	_ =	shalt  }
0x49: {  	_ =	shalt  }
0x4a: {  	_ =	shalt  }
0x4b: {  	_ =	shalt  }
0x4c: {  	_ =	shalt  }
0x4d: {  	_ =	shalt  }
0x4e: {  	_ =	shalt  }
0x4f: {  	_ =	shalt  }
0x50: {  	_ =	shalt  }
0x51: {  	_ =	shalt  }
0x52: {  	_ =	shalt  }
0x53: {  	_ =	shalt  }
0x54: {  	_ =	shalt  }
0x55: {  	_ =	shalt  }
0x56: {  	_ =	shalt  }
0x57: {  	_ =	shalt  }
0x58: {  	_ =	shalt  }
0x59: {  	_ =	shalt  }
0x5a: {  	_ =	shalt  }
0x5b: {  	_ =	shalt  }
0x5c: {  	_ =	shalt  }
0x5d: {  	_ =	shalt  }
0x5e: {  	_ =	shalt  }
0x5f: {  	_ =	shalt  }
0x60: {  	_ =	shalt  }
0x61: {  	_ =	shalt  }
0x62: {  	_ =	shalt  }
0x63: {  	_ =	shalt  }
0x64: {  	_ =	shalt  }
0x65: {  	_ =	shalt  }
0x66: {  	_ =	shalt  }
0x67: {  	_ =	shalt  }
0x68: {  	_ =	shalt  }
0x69: {  	_ =	shalt  }
0x6a: {  	_ =	shalt  }
0x6b: {  	_ =	shalt  }
0x6c: {  	_ =	shalt  }
0x6d: {  	_ =	shalt  }
0x6e: {  	_ =	shalt  }
0x6f: {  	_ =	shalt  }
0x70: {  	_ =	shalt  }
0x71: {  	_ =	shalt  }
0x72: {  	_ =	shalt  }
0x73: {  	_ =	shalt  }
0x74: {  	_ =	shalt  }
0x75: {  	_ =	shalt  }
0x76: {  	_ =	shalt  }
0x77: {  	_ =	shalt  }
0x78: {  	_ =	shalt  }
0x79: {  	_ =	shalt  }
0x7a: {  	_ =	shalt  }
0x7b: {  	_ =	shalt  }
0x7c: {  	_ =	shalt  }
0x7d: {  	_ =	shalt  }
0x7e: {  	_ =	shalt  }
0x7f: {  	_ =	shalt  }
0x80: {  	_ =	shalt  }
0x81: {  	_ =	shalt  }
0x82: {  	_ =	shalt  }
0x83: {  	_ =	shalt  }
0x84: {  	_ =	shalt  }
0x85: {  	_ =	shalt  }
0x86: {  	_ =	shalt  }
0x87: {  	_ =	shalt  }
.Lfunc_end0:
.L_simem_size_0:
called_computation.5_lowered:
.L_overlay_start_0:
0x88: {  	s2 =	sld [smem:$0x3FD9]  }
0x89: {  	s3 =	sld [smem:$0x3FFE];
	_ =	sdelay $0x1  }
0x8a: {  	s1 =	srdreg.scid  }
0x8b: {  	s0 =	sand.u32 $0x1, s1  }
0x8c: {  	s16 =	sshll.u32 s0, $0xA;
	s2 =	sadd.s32 s3, s2  }
0x8d: {  	s2 =	sadd.s32 s2, s16  }
0x8e: {  	[smem:$0x3FB5] =	sst s2  }
0x8f: {  	_ = 	snop  }
0x90: {  	(tm) =	ssettm $0x1  }
0x91: {  	s17 =	sld [smem:$0x3FFB];
	_ =	sdelay $0x3  }
0x92: {  	_ =	strace s17  }
0x93: {  	s2 =	sld [smem:$0x3FFC];
	_ =	sdelay $0x3  }
0x94: {  	_ =	strace s2  }
0x95: {  	s2 =	sld [smem:$0x3FFD];
	_ =	sdelay $0x3  }
0x96: {  	_ =	strace s2  }
0x97: {  	_ =	strace $0x8FFFFFFF  }
0x98: {  	s18 =	sld [smem:$0x3FDB];
	_ =	sdelay $0x1  }
0x99: {  	s19 =	simm.s32 $_scs_section_size  }
0x9a: {  	s4 =	simm.s32 $_size__tile_overlayer_lowered;
	s5 =	simm.s32 $_tile_overlayer_lowered  }
0x9b: {  	s22 =	simm.s32 $0x1BFF;
	s21 =	sshll.u32 s5, $0x1;
	s2 =	sadd.s32 s19, s18  }
0x9c: {  	s6 =	simm.s32 $0x0;
	s20 =	sshll.u32 s4, $0x1;
	s4 =	sadd.s32 s21, s2  }
0x9d: {  	[timem:s6], [sflag:s22] =	dma.local [hbm:s4], s20  }
0x9e: {  	_ =	swait.ge [sflag:s22], s20  }
0x9f: {  	s3 =	ssub.s32 $0x0, s20;
	[sflag:s22] =	ssyncset.done $0x0  }
0xa0: {  	[sflag:s22] =	ssyncadd.s32 s3;
	_ =	sdelay $0x1  }
0xa1: {  	s23 =	simm.s32 $0x1B8B  }
0xa2: {  	_ =	swait.ge [sflag:s23], $0x1  }
0xa3: {  	[sflag:s23] =	ssyncset.done $0x0  }
0xa4: {  	s25 =	simm.s32 $0x1B8E;
	s24 =	sld [smem:$0x3FFE];
	[sflag:s23] =	ssyncadd.s32 $0xFFFFFFFF  }
0xa5: {  	s26 =	simm.s32 $execute0_lowered;
	[smem:$0x3FD2] =	sst s25  }
0xa6: {  	s4 =	sshll.u32 s26, $0x1;
	_ =	strace $0x80000055;
	[dreg:$0x1] =	wrdreg $0xFFFFFFFF  }
0xa7: {  	s28 =	simm.s32 $_size_execute0_lowered;
	s2 =	sadd.s32 s2, s4;
	[dreg:$0x0] =	wrdreg $0x0  }
0xa8: {  	s4 =	sshll.u32 s28, $0x1;
	[dreg:$0x2] =	wrdreg s2  }
0xa9: {  	[dreg:$0x3] =	wrdreg s4  }
0xaa: {  	[dreg:$0x4] =	wrdreg $0xC0  }
0xab: {  	_ =	task [dreg:s6], $0x5FFFF  }
0xac: {  	[dreg:$0x1] =	wrdreg $0xFFFFFFFF  }
0xad: {  	[dreg:$0x0] =	wrdreg $0x60  }
0xae: {  	[dreg:$0x2] =	wrdreg s24  }
0xaf: {  	[dreg:$0x3] =	wrdreg $0x81000  }
0xb0: {  	[dreg:$0x4] =	wrdreg $0x9  }
0xb1: {  	_ =	task.clear_ibuf [dreg:s6], $0x5FFFF;
	_ =	strace $0x90000055  }
0xb2: {  	s29 =	simm.s32 $0x9;
	_ =	strace $0x80000057  }
0xb3: {  	_ =	swait.ge [sflag:s29], $0x1  }
0xb4: {  	[sflag:s29] =	ssyncadd.s32 $0xFFFFFFFF  }
0xb5: {  	_ =	strace $0x90000057  }
0xb6: {  	_ =	sfence  }
0xb7: {  	s30 =	sld [smem:$0x0];
	_ =	sdelay $0x2  }
0xb8: {  	s31 =	sshll.u32 s1, $0xD;
	s1 =	sshrl.u32 s1, $0x2  }
0xb9: {  	s3 =	sand.u32 $0x4000, s31;
	s1 =	sadd.s32 s1, s30  }
0xba: {  	s0 =	sor.u32 s3, s0;
	s1 =	sshll.u32 s1, $0x11  }
0xbb: {  	s0 =	sor.u32 s1, s0  }
0xbc: {  	s0 =	sadd.s32 $0x8F2B, s0  }
0xbd: {  	[sflag:s0] =	ssyncadd.remote.s32 $0x1  }
0xbe: {  	_ =	sfence.sel $0xFFFF  }
0xbf: {  	[dreg:$0x0] =	wrdreg $0xFFFFFFFF;
	(pc) =	sbr.abs _section_cstart, $3  }
0xc0: {  	[dreg:$0x1] =	wrdreg $0xFFFFFFFF  }
0xc1: {  	_ =	task.clear_ibuf [dreg:s6], $0x2FFFF;
	_ =	strace $0x9FFFFFFF  }
0xc2: {  	(tm) =	ssettm $0x7FFFFFFF  }
0xc3: {  	_ =	shalt  }
tec
execute0_lowered:
.L_overlay_start_1:
0x0: {  	(tag) =	ssettag $0x1  }
0x1: {  	s9 =	rddreg [dreg:$0x0]  }
0x2: {  	s1 =	rddreg [dreg:$0x1]  }
0x3: {  	s0 =	rddreg [dreg:$0x2]  }
0x4: {  	s2 =	simm.s32 $0x0;
	s3 =	srdreg.scid;
	s16 =	simm.s32 $0x100  }
0x5: {  	s17 =	simm.s32 $0x4100;
	s18 =	simm.s32 $0x1;
	s23 =	simm.s32 $0x0  }
0x6: {  	s10 =	sand.u32 $0x1, s3;
	s4 =	sadd.s32 $0xA79E00, s9;
	s5 =	sadd.s32 $0xAC9E00, s9  }
0x7: {  	s3 =	stileid.u32;
	s6 =	sadd.s32 $0x51D600, s9;
	s8 =	smul.u32 $0x140000, s10  }
0x8: {  	[smem:$0x7FF] =	sst s2;
	s7 =	sadd.s32 $0x513600, s9;
	s11 =	smul.u32 $0x14000, s3  }
0x9: {  	_ =	strace $0x80000056;
	s28 =	ssub.s32 $0x2, s10;
	s14 =	smul.u32 $0x50000, s3  }
0xa: {  	s30 =	sshll.u32 s3, $0x6;
	s31 =	sshll.u32 s3, $0x1;
	s13 =	sshrl.u32 s28, $0x1  }
0xb: {  	s10 =	sor.u32 s10, s31;
	s8 =	sadd.s32 s11, s8;
	s13 =	ssub.s32 s28, s13  }
0xc: {  	s29 =	sshrl.u32 s14, $0x2;
	s10 =	smul.u32 $0x2800, s10;
	s12 =	sshrl.u32 s8, $0x3  }
0xd: {  	s14 =	simm.s32 $0x2;
	s8 =	sadd.s32 $0xA77600, s9;
	s12 =	sadd.s32 s12, s9  }
0xe: {  	s15 =	sadd.s32 s29, s1;
	s9 =	sor.u32 $0x1C02, s30;
	s11 =	sadd.s32 $0xCA00, s12  }
0xf: {  	s12 =	smax.u32 s13, $0x1;
	s13 =	sshrl.u32 s15, $0x3;
	s15 =	simm.s32 $0x80  }
.LBB2_1:
0x10: {  	[spmem:s13], [sflag:s9] =	dma.local [hbm:s8], $0x2800  }
0x11: {  	_ =	swait.ge [sflag:s14], $0x2800  }
0x12: {  	[sflag:s14] =	ssyncset.done $0x0  }
0x13: {  	[sflag:s14] =	ssyncadd.s32 $0xFFFFD800  }
0x14: {  	s19 =	simm.s32 $0x0;
	[bflag:$0x0] =	sbarrier.arrive $0xFFFF  }
.LBB2_2:
0x15: {  	s20 =	sshll.u32 s19, $0x7  }
0x16: {  	s20 =	sadd.s32 s10, s20  }
0x17: {  	s21 =	sshrl.u32 s20, $0x3  }
0x18: {  	s22 =	sadd.s32 s6, s21  }
0x19: {  	[tilespmem:s23], [sflag:$0x2] =	stream.linear.gather [hbm4b:s22+s23], $0x80, $0x38;
	[tilespmem:$0x1C100] =	vst v63  }
0x1a: {  	_ =	swait.ge [sflag:s14], $0x80  }
0x1b: {  	[sflag:s14] =	ssyncset.done $0x0  }
0x1c: {  	s21 =	sadd.s32 s7, s21;
	[sflag:s14] =	ssyncadd.s32 $0xFFFFFF80  }
0x1d: {  	[tilespmem:s15], [sflag:$0x2] =	stream.linear.gather [hbm4b:s21+s23], $0x80, $0x38;
	[tilespmem:$0x1C100] =	vst v63  }
0x1e: {  	_ =	swait.ge [sflag:s14], $0x80  }
0x1f: {  	s20 =	sshll.u32 s20, $0x4;
	[sflag:s14] =	ssyncset.done $0x0  }
0x20: {  	s20 =	sadd.s32 s5, s20;
	[sflag:s14] =	ssyncadd.s32 $0xFFFFFF80  }
0x21: {  	[tilespmem:s16], [sflag:$0x2] =	stream.linear.gather [hbm4b:s20+s23], $0x4000, $0x38;
	[tilespmem:$0x1C100] =	vst v63  }
0x22: {  	_ =	swait.ge [sflag:s14], $0x4000  }
0x23: {  	[sflag:s14] =	ssyncset.done $0x0  }
0x24: {  	[sflag:s14] =	ssyncadd.s32 $0xFFFFC000  }
0x25: {  	[tilespmem:s17], [sflag:$0x1] =	stream.indirect.gather [hbm4b:s4+s15], $0x80, s23, s15, $0xb8;
	[tilespmem:$0x1C100] =	vst v63  }
0x26: {  	_ =	swait.ge [sflag:s18], $0x4000  }
0x27: {  	[sflag:s18] =	ssyncset.done $0x0  }
0x28: {  	s20 =	simm.s32 $0x0;
	[sflag:s18] =	ssyncadd.s32 $0xFFFFC000  }
0x29: {  	v7 =	vld [tilespmem:s20+$0x100]  }
0x2a: {  	v11 =	vld [tilespmem:s20+$0x110]  }
0x2b: {  	v5 =	vld [tilespmem:s20+$0x120]  }
0x2c: {  	v4 =	vld [tilespmem:s20+$0x130]  }
0x2d: {  	v3 =	vld [tilespmem:s20+$0x140]  }
0x2e: {  	v2 =	vld [tilespmem:s20+$0x150]  }
0x2f: {  	v1 =	vld [tilespmem:s20+$0x160]  }
0x30: {  	v0 =	vld [tilespmem:s20+$0x170]  }
0x31: {  	v12 =	vld [tilespmem:s20+$0x4100]  }
0x32: {  	v13 =	vld [tilespmem:s20+$0x4110]  }
0x33: {  	v10 =	vld [tilespmem:s20+$0x4120]  }
0x34: {  	v9 =	vld [tilespmem:s20+$0x4130]  }
0x35: {  	v8 =	vld [tilespmem:s20+$0x4140]  }
0x36: {  	v6 =	vld [tilespmem:s20+$0x4150];
	v12 =	vmul.f32 v7, v12  }
0x37: {  	s21 =	simm.s32 $0x200;
	v11 =	vmul.f32 v11, v13;
	v7 =	vld [tilespmem:s20+$0x4160]  }
.LBB2_3:
0x38: {  	s22 =	sshra.s32 s21, $0x2;
	p0 =	sne.s32 s21, $0xFE00;
	[tilespmem:s20+$0x4100] =	vst v12;
	v5 =	vmul.f32 v5, v10;
	v10 =	vld [tilespmem:s20+$0x4170]  }
0x39: {  	v12 =	vld [tilespmem:s22+$0x100];
	[tilespmem:s20+$0x4110] =	vst v11;
	v4 =	vmul.f32 v4, v9  }
0x3a: {  	v11 =	vld [tilespmem:s22+$0x110];
	[tilespmem:s20+$0x4120] =	vst v5;
	v3 =	vmul.f32 v3, v8  }
0x3b: {  	v5 =	vld [tilespmem:s22+$0x120];
	[tilespmem:s20+$0x4130] =	vst v4;
	v2 =	vmul.f32 v2, v6  }
0x3c: {  	v4 =	vld [tilespmem:s22+$0x130];
	[tilespmem:s20+$0x4140] =	vst v3;
	v1 =	vmul.f32 v1, v7  }
0x3d: {  	v3 =	vld [tilespmem:s22+$0x140];
	[tilespmem:s20+$0x4150] =	vst v2;
	v0 =	vmul.f32 v0, v10  }
0x3e: {  	v2 =	vld [tilespmem:s22+$0x150];
	[tilespmem:s20+$0x4160] =	vst v1  }
0x3f: {  	v1 =	vld [tilespmem:s22+$0x160];
	[tilespmem:s20+$0x4170] =	vst v0;
	s20 =	smov.u32 s22  }
0x40: {  	v0 =	vld [tilespmem:s20+$0x170]  }
0x41: {  	v6 =	vld [tilespmem:s20+$0x4100]  }
0x42: {  	v7 =	vld [tilespmem:s20+$0x4110]  }
.Ltmp0:
0x43: {  	v10 =	vld [tilespmem:s20+$0x4120];
	(pc) =	sbr.rel @p0 .LBB2_3-.Ltmp0, $4  }
0x44: {  	v9 =	vld [tilespmem:s20+$0x4130]  }
0x45: {  	v8 =	vld [tilespmem:s20+$0x4140]  }
0x46: {  	v12 =	vmul.f32 v12, v6;
	v6 =	vld [tilespmem:s20+$0x4150]  }
0x47: {  	s21 =	sadd.s32 $0x200, s21;
	v11 =	vmul.f32 v11, v7;
	v7 =	vld [tilespmem:s20+$0x4160]  }
0x48: {  	[tilespmem:s20+$0x4100] =	vst v12;
	v5 =	vmul.f32 v5, v10;
	v63 =	vld [tilespmem:s20+$0x4170]  }
0x49: {  	[tilespmem:s20+$0x4110] =	vst v11;
	v4 =	vmul.f32 v4, v9  }
0x4a: {  	[tilespmem:s20+$0x4120] =	vst v5;
	v3 =	vmul.f32 v3, v8  }
0x4b: {  	[tilespmem:s20+$0x4130] =	vst v4;
	v2 =	vmul.f32 v2, v6  }
0x4c: {  	[tilespmem:s20+$0x4140] =	vst v3;
	v1 =	vmul.f32 v1, v7  }
0x4d: {  	s19 =	sadd.s32 $0x1, s19;
	[tilespmem:s20+$0x4150] =	vst v2;
	v0 =	vmul.f32 v0, v63  }
0x4e: {  	p0 =	sne.s32 s19, $0x50;
	[tilespmem:s20+$0x4160] =	vst v1  }
.Ltmp1:
0x4f: {  	[tilespmem:s20+$0x4170] =	vst v0;
	(pc) =	sbr.rel @p0 .LBB2_2-.Ltmp1, $4  }
0x50: {  	[spmem:s1] =	stream.indirect.scatter.add.f32 [tilespmem:s17], [sflag:$0x2], $0x80, s15, s15, $0xb8;
	[tilespmem:$0x1C100] =	vst v63  }
0x51: {  	_ =	swait.ge [sflag:s14], $0x4000  }
0x52: {  	[sflag:s14] =	ssyncset.done $0x0  }
0x53: {  	[sflag:s14] =	ssyncadd.s32 $0xFFFFC000  }
0x54: {  	s2 =	sadd.s32 $0x1, s2  }
0x55: {  	p0 =	sne.s32 s2, s12  }
.Ltmp2:
0x56: {  	[bflag:$0x0] =	sbarrier.arrive $0xFFFF;
	(pc) =	sbr.rel @p0 .LBB2_1-.Ltmp2, $4  }
0x57: {  	[hbm:s11], [sflag:s9] =	dma.local [spmem:s13], $0x2800  }
0x58: {  	_ =	swait.ge [sflag:s14], $0x2800  }
0x59: {  	[sflag:s14] =	ssyncset.done $0x0  }
0x5a: {  	[sflag:s14] =	ssyncadd.s32 $0xFFFFD800  }
0x5b: {  	_ =	sfence.sel $0x180000  }
0x5c: {  	[bflag:$0x0] =	sbarrier.arrive $0xFFFF  }
0x5d: {  	p0 =	sne.s32 s3, $0x0;
	_ =	strace $0x90000056  }
0x5e: {  	s0 =	sadd.s32 @!p0 $0x100000, s0;
	[bflag:$0x2] =	sbarrier.arrive $0xFFFF  }
0x5f: {  	[sflag:s0] =	ssyncadd.tile.s32 @!p0 $0x1;
	_ =	shalt  }
.Lfunc_end2:
_tile_overlayer_lowered:
.L_overlay_start_2:
0x60: {  	(tag) =	ssettag $0x2  }
0x61: {  	s0 =	rddreg [dreg:$0x0];
	s2 =	stileid.u32  }
0x62: {  	s1 =	rddreg [dreg:$0x1];
	p0 =	sne.s32 s2, $0x0  }
0x63: {  	s3 =	rddreg [dreg:$0x2];
	[bflag:$0x3] =	sbarrier.arrive $0xFFFF;
	s2 =	simm.s32 @!p0 $0x1C02  }
0x64: {  	[timem:s3], [sflag:s2] =	dma.local @!p0 [hbm:s0], s1  }
0x65: {  	s0 =	simm.s32 @!p0 $0x2  }
0x66: {  	_ =	swait.ge @!p0 [sflag:s0], s1  }
0x67: {  	s1 =	ssub.s32 @!p0 $0x0, s1;
	[sflag:s0] =	ssyncset.done @!p0 $0x0  }
0x68: {  	[sflag:s0] =	ssyncadd.s32 @!p0 s1  }
0x69: {  	[bflag:$0x3] =	sbarrier.arrive $0xFFFF  }
0x6a: {  	_ =	shalt  }

</sc_bundles>
